<compile_context>
chip_gen: v7x
topology: tpu7x:2x2x1
jax: 0.10.2.dev20260603
libtpu: 0.0.44.dev20260713+nightly
codegen_flags: <defaults>
</compile_context>

<pallas_src>
import functools
import jax
import jax.numpy as jnp
from jax import lax
from jax.experimental import pallas as pl
from jax.experimental.pallas import tpu as pltpu
from jax.experimental.pallas import tpu_sc as plsc

VOCAB = 1000
MAXLEN = 512
WIDTH = VOCAB + MAXLEN
CB = 24
NBANDS = WIDTH // CB
NW = 32
NBUF = 4


def _sc_body(xt_hbm, out_hbm, *scr):
    xrs = scr[0:NBUF]
    bufs = scr[NBUF:2 * NBUF]
    sems = scr[2 * NBUF:3 * NBUF]
    s_len, b = xt_hbm.shape
    nt = s_len * NBANDS
    base, rem = nt // NW, nt % NW
    wid = lax.axis_index("s") * 2 + lax.axis_index("c")
    t0 = wid * base + jnp.minimum(wid, rem)
    cnt = base + jnp.where(wid < rem, 1, 0)
    kmax = base + (1 if rem else 0)
    ones16 = jnp.full((16,), 1.0, jnp.float32)
    zeros16 = jnp.zeros((16,), jnp.float32)

    def zero_buf(buf):
        def zr(r, _):
            def zg(g, _):
                buf[r, pl.ds(g * 16, 16)] = zeros16
                return 0
            return lax.fori_loop(0, b // 16, zg, 0)
        lax.fori_loop(0, CB, zr, 0)

    for buf in bufs:
        zero_buf(buf)

    def scatter_band(buf, xr, c0, val):
        def sg(g, _):
            xv = xr[pl.ds(g * 16, 16)]
            msk = (xv >= c0) & (xv < c0 + CB)
            b_idx = lax.broadcasted_iota(jnp.int32, (16,), 0) + g * 16
            row = jnp.where(msk, xv - c0, 0)
            plsc.store_scatter(buf, [row, b_idx], val, mask=msk)
            return 0
        lax.fori_loop(0, b // 16, sg, 0)

    def pos_row(buf, s, c0, val):
        pr = VOCAB + s - c0

        @pl.when((pr >= 0) & (pr < CB))
        def _():
            def pg(g, _):
                buf[pr, pl.ds(g * 16, 16)] = val
                return 0
            lax.fori_loop(0, b // 16, pg, 0)

    def step(k, buf, xr, sem):
        t = t0 + k
        s = t // NBANDS
        c0 = (t - s * NBANDS) * CB

        @pl.when(k >= NBUF)
        def _():
            tp = t - NBUF
            sp = tp // NBANDS
            cp = (tp - sp * NBANDS) * CB
            pltpu.make_async_copy(buf, out_hbm.at[sp, pl.ds(cp, CB)], sem).wait()
            scatter_band(buf, xr, cp, zeros16)
            pos_row(buf, sp, cp, zeros16)

            @pl.when(sp != s)
            def _():
                pltpu.sync_copy(xt_hbm.at[s], xr)

        @pl.when(k < NBUF)
        def _():
            pltpu.sync_copy(xt_hbm.at[s], xr)

        scatter_band(buf, xr, c0, ones16)
        pos_row(buf, s, c0, ones16)
        pltpu.async_copy(buf, out_hbm.at[s, pl.ds(c0, CB)], sem)

    def task(k, _):
        @pl.when(k < cnt)
        def _():
            for p in range(NBUF):
                @pl.when(k % NBUF == p)
                def _(p=p):
                    step(k, bufs[p], xrs[p], sems[p])

        return 0

    lax.fori_loop(0, kmax, task, 0)

    def drain(k, buf, sem):
        t = t0 + k
        s = t // NBANDS
        c0 = (t - s * NBANDS) * CB
        pltpu.make_async_copy(buf, out_hbm.at[s, pl.ds(c0, CB)], sem).wait()

    for j in range(1, NBUF + 1):
        @pl.when(cnt >= j)
        def _(j=j):
            k = cnt - j
            for p in range(NBUF):
                @pl.when(k % NBUF == p)
                def _(p=p, k=k):
                    drain(k, bufs[p], sems[p])


def kernel(x):
    b, s = x.shape
    xt = x.T
    mesh = plsc.VectorSubcoreMesh(core_axis_name="c", subcore_axis_name="s")
    scratch = (
        [pltpu.VMEM((b,), jnp.int32) for _ in range(NBUF)]
        + [pltpu.VMEM((CB, b), jnp.float32) for _ in range(NBUF)]
        + [pltpu.SemaphoreType.DMA for _ in range(NBUF)]
    )
    sck = functools.partial(
        pl.kernel,
        mesh=mesh,
        out_type=jax.ShapeDtypeStruct((s, WIDTH, b), jnp.float32),
        scratch_types=scratch,
        compiler_params=pltpu.CompilerParams(needs_layout_passes=False),
    )(_sc_body)
    out = sck(xt)
    return out.transpose(2, 0, 1)

# --- scband reference (transcript-rebuilt; emitter-appended) ---
"""Pipeline reference for scband-one-hot-and-positional-vectorizer-20744692039799 (READ-ONLY COPY).

The authoritative reference and input builder live on the scoring server;
editing this copy changes nothing except your own understanding.
"""

import jax, jax.numpy as jnp
import numpy as np

VOCAB_SIZE = 1000
MAX_SEQ_LEN = 512

def setup_inputs(seed: int = 0) -> dict:
    key = jax.random.key(seed)
    x = jax.random.randint(key, (1024, 50), 0, VOCAB_SIZE, dtype=jnp.int64 if jax.config.jax_enable_x64 else jnp.int32)
    return {"x": x}

def reference(x):
    b, s = x.shape
    one_hot = jax.nn.one_hot(x, VOCAB_SIZE, dtype=jnp.float32)
    positions = jnp.broadcast_to(jnp.arange(s)[None, :], (b, s))
    pos_emb = jax.nn.one_hot(positions, MAX_SEQ_LEN, dtype=jnp.float32)
    out = jnp.concatenate([one_hot, pos_emb], axis=-1)
    # dropout p=0.0 -> identity
    return out

if __name__ == "__main__":
    import jax
    _d = setup_inputs()
    print(jax.jit(kernel)(*tuple(_d.values())))

</pallas_src>

<mosaic_0001>
#map = affine_map<(d0, d1) -> (0, 0)>
#map1 = affine_map<(d0, d1) -> (0, 0, 0)>
module attributes {stable_mosaic.version = 14 : i64} {
  func.func @_sc_body(%arg0: i32, %arg1: i32, %arg2: memref<50x1024xi32, #tpu.memory_space<hbm>>, %arg3: memref<50x1512x1024xf32, #tpu.memory_space<hbm>>, %arg4: memref<1024xi32, #tpu.memory_space<vmem>>, %arg5: memref<1024xi32, #tpu.memory_space<vmem>>, %arg6: memref<1024xi32, #tpu.memory_space<vmem>>, %arg7: memref<1024xi32, #tpu.memory_space<vmem>>, %arg8: memref<24x1024xf32, #tpu.memory_space<vmem>>, %arg9: memref<24x1024xf32, #tpu.memory_space<vmem>>, %arg10: memref<24x1024xf32, #tpu.memory_space<vmem>>, %arg11: memref<24x1024xf32, #tpu.memory_space<vmem>>, %arg12: memref<!tpu.dma_semaphore, #tpu.memory_space<semaphore_mem>>, %arg13: memref<!tpu.dma_semaphore, #tpu.memory_space<semaphore_mem>>, %arg14: memref<!tpu.dma_semaphore, #tpu.memory_space<semaphore_mem>>, %arg15: memref<!tpu.dma_semaphore, #tpu.memory_space<semaphore_mem>>) attributes {dimension_semantics = [#tpu.dimension_semantics<core_parallel>, #tpu.dimension_semantics<subcore_parallel>], iteration_bounds = array<i64: 2, 16>, scalar_prefetch = 0 : i64, scratch_operands = 12 : i64, tpu.core_type = #tpu.core_type<sc_vector_subcore>, window_params = [{transform_indices = #map}, {transform_indices = #map1}]} {
    %mul3A = arith.constant 2 : i32
    %mul3A_0 = arith.muli %arg1, %mul3A : i32
    %add3A = arith.addi %mul3A_0, %arg0 : i32
    %mul3A_1 = arith.constant 98 : i32
    %mul3A_2 = arith.muli %add3A, %mul3A_1 : i32
    %min3A = arith.constant 14 : i32
    %min3A_3 = arith.minsi %add3A, %min3A : i32
    %add3A_4 = arith.addi %mul3A_2, %min3A_3 : i32
    %lt3A = arith.constant 14 : i32
    %lt3A_5 = arith.cmpi slt, %add3A, %lt3A : i32
    %jit3A = arith.constant 1 : i32
    %jit3A_6 = arith.constant 0 : i32
    %select_n3A = arith.select %lt3A_5, %jit3A, %jit3A_6 : i32
    %add3A_7 = arith.constant 98 : i32
    %add3A_8 = arith.addi %add3A_7, %select_n3A : i32
    %broadcast_in_dim3A = arith.constant 1.000000e+00 : f32
    %broadcast_in_dim3A_9 = vector.broadcast %broadcast_in_dim3A : f32 to vector<16xf32>
    %broadcast_in_dim3A_10 = arith.constant 0.000000e+00 : f32
    %broadcast_in_dim3A_11 = vector.broadcast %broadcast_in_dim3A_10 : f32 to vector<16xf32>
    %scan3A = arith.constant 0 : i32
    %scan3A_12 = arith.constant 0 : i32
    %scan3A_13 = arith.constant 24 : i32
    %scan3A_14 = arith.addi %scan3A_12, %scan3A_13 : i32
    %scan3A_15 = arith.constant 1 : i32
    %scan3A_16 = scf.for %scan3A_63 = %scan3A_12 to %scan3A_14 step %scan3A_15 iter_args(%scan3A_64 = %scan3A) -> (i32)  : i32 {
      %scan3A_65 = arith.constant 0 : i32
      %scan3A_66 = arith.constant 0 : i32
      %scan3A_67 = arith.constant 64 : i32
      %scan3A_68 = arith.addi %scan3A_66, %scan3A_67 : i32
      %scan3A_69 = arith.constant 1 : i32
      %scan3A_70 = scf.for %scan3A_72 = %scan3A_66 to %scan3A_68 step %scan3A_69 iter_args(%scan3A_73 = %scan3A_65) -> (i32)  : i32 {
        %mul3A_74 = arith.constant 16 : i32
        %mul3A_75 = arith.muli %scan3A_72, %mul3A_74 : i32
        %swap3A = arith.index_cast %scan3A_63 : i32 to index
        %swap3A_76 = arith.index_cast %mul3A_75 : i32 to index
        %swap3A_77 = tpu.vector_load %arg8[%swap3A, %swap3A_76] {strides = array<i32>} : memref<24x1024xf32, #tpu.memory_space<vmem>>, vector<16xf32>,
        tpu.vector_store %arg8[%swap3A, %swap3A_76], %broadcast_in_dim3A_11 {strides = array<i32>} : memref<24x1024xf32, #tpu.memory_space<vmem>>, vector<16xf32>,
        %scan3A_78 = arith.constant 0 : i32
        scf.yield %scan3A_78 : i32
      }
      %scan3A_71 = arith.constant 64 : i32
      scf.yield %scan3A_70 : i32
    }
    %scan3A_17 = arith.constant 24 : i32
    %scan3A_18 = arith.constant 0 : i32
    %scan3A_19 = arith.constant 0 : i32
    %scan3A_20 = arith.constant 24 : i32
    %scan3A_21 = arith.addi %scan3A_19, %scan3A_20 : i32
    %scan3A_22 = arith.constant 1 : i32
    %scan3A_23 = scf.for %scan3A_63 = %scan3A_19 to %scan3A_21 step %scan3A_22 iter_args(%scan3A_64 = %scan3A_18) -> (i32)  : i32 {
      %scan3A_65 = arith.constant 0 : i32
      %scan3A_66 = arith.constant 0 : i32
      %scan3A_67 = arith.constant 64 : i32
      %scan3A_68 = arith.addi %scan3A_66, %scan3A_67 : i32
      %scan3A_69 = arith.constant 1 : i32
      %scan3A_70 = scf.for %scan3A_72 = %scan3A_66 to %scan3A_68 step %scan3A_69 iter_args(%scan3A_73 = %scan3A_65) -> (i32)  : i32 {
        %mul3A_74 = arith.constant 16 : i32
        %mul3A_75 = arith.muli %scan3A_72, %mul3A_74 : i32
        %swap3A = arith.index_cast %scan3A_63 : i32 to index
        %swap3A_76 = arith.index_cast %mul3A_75 : i32 to index
        %swap3A_77 = tpu.vector_load %arg9[%swap3A, %swap3A_76] {strides = array<i32>} : memref<24x1024xf32, #tpu.memory_space<vmem>>, vector<16xf32>,
        tpu.vector_store %arg9[%swap3A, %swap3A_76], %broadcast_in_dim3A_11 {strides = array<i32>} : memref<24x1024xf32, #tpu.memory_space<vmem>>, vector<16xf32>,
        %scan3A_78 = arith.constant 0 : i32
        scf.yield %scan3A_78 : i32
      }
      %scan3A_71 = arith.constant 64 : i32
      scf.yield %scan3A_70 : i32
    }
    %scan3A_24 = arith.constant 24 : i32
    %scan3A_25 = arith.constant 0 : i32
    %scan3A_26 = arith.constant 0 : i32
    %scan3A_27 = arith.constant 24 : i32
    %scan3A_28 = arith.addi %scan3A_26, %scan3A_27 : i32
    %scan3A_29 = arith.constant 1 : i32
    %scan3A_30 = scf.for %scan3A_63 = %scan3A_26 to %scan3A_28 step %scan3A_29 iter_args(%scan3A_64 = %scan3A_25) -> (i32)  : i32 {
      %scan3A_65 = arith.constant 0 : i32
      %scan3A_66 = arith.constant 0 : i32
      %scan3A_67 = arith.constant 64 : i32
      %scan3A_68 = arith.addi %scan3A_66, %scan3A_67 : i32
      %scan3A_69 = arith.constant 1 : i32
      %scan3A_70 = scf.for %scan3A_72 = %scan3A_66 to %scan3A_68 step %scan3A_69 iter_args(%scan3A_73 = %scan3A_65) -> (i32)  : i32 {
        %mul3A_74 = arith.constant 16 : i32
        %mul3A_75 = arith.muli %scan3A_72, %mul3A_74 : i32
        %swap3A = arith.index_cast %scan3A_63 : i32 to index
        %swap3A_76 = arith.index_cast %mul3A_75 : i32 to index
        %swap3A_77 = tpu.vector_load %arg10[%swap3A, %swap3A_76] {strides = array<i32>} : memref<24x1024xf32, #tpu.memory_space<vmem>>, vector<16xf32>,
        tpu.vector_store %arg10[%swap3A, %swap3A_76], %broadcast_in_dim3A_11 {strides = array<i32>} : memref<24x1024xf32, #tpu.memory_space<vmem>>, vector<16xf32>,
        %scan3A_78 = arith.constant 0 : i32
        scf.yield %scan3A_78 : i32
      }
      %scan3A_71 = arith.constant 64 : i32
      scf.yield %scan3A_70 : i32
    }
    %scan3A_31 = arith.constant 24 : i32
    %scan3A_32 = arith.constant 0 : i32
    %scan3A_33 = arith.constant 0 : i32
    %scan3A_34 = arith.constant 24 : i32
    %scan3A_35 = arith.addi %scan3A_33, %scan3A_34 : i32
    %scan3A_36 = arith.constant 1 : i32
    %scan3A_37 = scf.for %scan3A_63 = %scan3A_33 to %scan3A_35 step %scan3A_36 iter_args(%scan3A_64 = %scan3A_32) -> (i32)  : i32 {
      %scan3A_65 = arith.constant 0 : i32
      %scan3A_66 = arith.constant 0 : i32
      %scan3A_67 = arith.constant 64 : i32
      %scan3A_68 = arith.addi %scan3A_66, %scan3A_67 : i32
      %scan3A_69 = arith.constant 1 : i32
      %scan3A_70 = scf.for %scan3A_72 = %scan3A_66 to %scan3A_68 step %scan3A_69 iter_args(%scan3A_73 = %scan3A_65) -> (i32)  : i32 {
        %mul3A_74 = arith.constant 16 : i32
        %mul3A_75 = arith.muli %scan3A_72, %mul3A_74 : i32
        %swap3A = arith.index_cast %scan3A_63 : i32 to index
        %swap3A_76 = arith.index_cast %mul3A_75 : i32 to index
        %swap3A_77 = tpu.vector_load %arg11[%swap3A, %swap3A_76] {strides = array<i32>} : memref<24x1024xf32, #tpu.memory_space<vmem>>, vector<16xf32>,
        tpu.vector_store %arg11[%swap3A, %swap3A_76], %broadcast_in_dim3A_11 {strides = array<i32>} : memref<24x1024xf32, #tpu.memory_space<vmem>>, vector<16xf32>,
        %scan3A_78 = arith.constant 0 : i32
        scf.yield %scan3A_78 : i32
      }
      %scan3A_71 = arith.constant 64 : i32
      scf.yield %scan3A_70 : i32
    }
    %scan3A_38 = arith.constant 24 : i32
    %scan3A_39 = arith.constant 0 : i32
    %scan3A_40 = arith.constant 0 : i32
    %scan3A_41 = arith.constant 99 : i32
    %scan3A_42 = arith.addi %scan3A_40, %scan3A_41 : i32
    %scan3A_43 = arith.constant 1 : i32
    %scan3A_44 = scf.for %scan3A_63 = %scan3A_40 to %scan3A_42 step %scan3A_43 iter_args(%scan3A_64 = %scan3A_39) -> (i32)  : i32 {
      %lt3A_65 = arith.cmpi slt, %scan3A_63, %add3A_8 : i32
      %convert_element_type3A_66 = arith.extui %lt3A_65 : i1 to i32
      %cond3A_67 = arith.constant 0 : i32
      %cond3A_68 = arith.cmpi ne, %convert_element_type3A_66, %cond3A_67 : i32
      scf.if %cond3A_68 {
        %jit3A_70 = arith.constant 4 : i32
        %eq3A = arith.constant 0 : i32
        %eq3A_71 = arith.cmpi eq, %jit3A_70, %eq3A : i32
        %jit3A_72 = arith.constant 1 : i32
        %select_n3A_73 = arith.select %eq3A_71, %jit3A_72, %jit3A_70 : i32
        %rem3A = arith.remsi %scan3A_63, %select_n3A_73 : i32
        %ne3A = arith.constant 0 : i32
        %ne3A_74 = arith.cmpi ne, %rem3A, %ne3A : i32
        %lt3A_75 = arith.constant 0 : i32
        %lt3A_76 = arith.cmpi slt, %rem3A, %lt3A_75 : i32
        %lt3A_77 = arith.constant 0 : i32
        %lt3A_78 = arith.cmpi slt, %select_n3A_73, %lt3A_77 : i32
        %ne3A_79 = arith.xori %lt3A_76, %lt3A_78 : i1
        %and3A = arith.andi %ne3A_79, %ne3A_74 : i1
        %add3A_80 = arith.addi %rem3A, %select_n3A_73 : i32
        %select_n3A_81 = arith.select %and3A, %add3A_80, %rem3A : i32
        %eq3A_82 = arith.constant 0 : i32
        %eq3A_83 = arith.cmpi eq, %select_n3A_81, %eq3A_82 : i32
        %convert_element_type3A_84 = arith.extui %eq3A_83 : i1 to i32
        %cond3A_85 = arith.constant 0 : i32
        %cond3A_86 = arith.cmpi ne, %convert_element_type3A_84, %cond3A_85 : i32
        scf.if %cond3A_86 {
          %add3A_150 = arith.addi %add3A_4, %scan3A_63 : i32
          %jit3A_151 = arith.constant 63 : i32
          %div3A = arith.divsi %add3A_150, %jit3A_151 : i32
          %sign3A = arith.constant 0 : i32
          %sign3A_152 = arith.cmpi sgt, %add3A_150, %sign3A : i32
          %sign3A_153 = arith.extui %sign3A_152 : i1 to i32
          %sign3A_154 = arith.constant 0 : i32
          %sign3A_155 = arith.cmpi slt, %add3A_150, %sign3A_154 : i32
          %sign3A_156 = arith.extui %sign3A_155 : i1 to i32
          %sign3A_157 = arith.subi %sign3A_153, %sign3A_156 : i32
          %sign3A_158 = arith.constant 0 : i32
          %sign3A_159 = arith.cmpi sgt, %jit3A_151, %sign3A_158 : i32
          %sign3A_160 = arith.extui %sign3A_159 : i1 to i32
          %sign3A_161 = arith.constant 0 : i32
          %sign3A_162 = arith.cmpi slt, %jit3A_151, %sign3A_161 : i32
          %sign3A_163 = arith.extui %sign3A_162 : i1 to i32
          %sign3A_164 = arith.subi %sign3A_160, %sign3A_163 : i32
          %ne3A_165 = arith.cmpi ne, %sign3A_157, %sign3A_164 : i32
          %rem3A_166 = arith.remsi %add3A_150, %jit3A_151 : i32
          %ne3A_167 = arith.constant 0 : i32
          %ne3A_168 = arith.cmpi ne, %rem3A_166, %ne3A_167 : i32
          %and3A_169 = arith.andi %ne3A_165, %ne3A_168 : i1
          %sub3A = arith.constant 1 : i32
          %sub3A_170 = arith.subi %div3A, %sub3A : i32
          %select_n3A_171 = arith.select %and3A_169, %sub3A_170, %div3A : i32
          %mul3A_172 = arith.constant 63 : i32
          %mul3A_173 = arith.muli %select_n3A_171, %mul3A_172 : i32
          %sub3A_174 = arith.subi %add3A_150, %mul3A_173 : i32
          %mul3A_175 = arith.constant 24 : i32
          %mul3A_176 = arith.muli %sub3A_174, %mul3A_175 : i32
          %ge3A_177 = arith.constant 4 : i32
          %ge3A_178 = arith.cmpi sge, %scan3A_63, %ge3A_177 : i32
          %convert_element_type3A_179 = arith.extui %ge3A_178 : i1 to i32
          %cond3A_180 = arith.constant 0 : i32
          %cond3A_181 = arith.cmpi ne, %convert_element_type3A_179, %cond3A_180 : i32
          scf.if %cond3A_181 {
            %sub3A_210 = arith.constant 4 : i32
            %sub3A_211 = arith.subi %add3A_150, %sub3A_210 : i32
            %jit3A_212 = arith.constant 63 : i32
            %div3A_213 = arith.divsi %sub3A_211, %jit3A_212 : i32
            %sign3A_214 = arith.constant 0 : i32
            %sign3A_215 = arith.cmpi sgt, %sub3A_211, %sign3A_214 : i32
            %sign3A_216 = arith.extui %sign3A_215 : i1 to i32
            %sign3A_217 = arith.constant 0 : i32
            %sign3A_218 = arith.cmpi slt, %sub3A_211, %sign3A_217 : i32
            %sign3A_219 = arith.extui %sign3A_218 : i1 to i32
            %sign3A_220 = arith.subi %sign3A_216, %sign3A_219 : i32
            %sign3A_221 = arith.constant 0 : i32
            %sign3A_222 = arith.cmpi sgt, %jit3A_212, %sign3A_221 : i32
            %sign3A_223 = arith.extui %sign3A_222 : i1 to i32
            %sign3A_224 = arith.constant 0 : i32
            %sign3A_225 = arith.cmpi slt, %jit3A_212, %sign3A_224 : i32
            %sign3A_226 = arith.extui %sign3A_225 : i1 to i32
            %sign3A_227 = arith.subi %sign3A_223, %sign3A_226 : i32
            %ne3A_228 = arith.cmpi ne, %sign3A_220, %sign3A_227 : i32
            %rem3A_229 = arith.remsi %sub3A_211, %jit3A_212 : i32
            %ne3A_230 = arith.constant 0 : i32
            %ne3A_231 = arith.cmpi ne, %rem3A_229, %ne3A_230 : i32
            %and3A_232 = arith.andi %ne3A_228, %ne3A_231 : i1
            %sub3A_233 = arith.constant 1 : i32
            %sub3A_234 = arith.subi %div3A_213, %sub3A_233 : i32
            %select_n3A_235 = arith.select %and3A_232, %sub3A_234, %div3A_213 : i32
            %mul3A_236 = arith.constant 63 : i32
            %mul3A_237 = arith.muli %select_n3A_235, %mul3A_236 : i32
            %sub3A_238 = arith.subi %sub3A_211, %mul3A_237 : i32
            %mul3A_239 = arith.constant 24 : i32
            %mul3A_240 = arith.muli %sub3A_238, %mul3A_239 : i32
            %dma_wait3A = arith.constant 0 : i32
            %dma_wait3A_241 = tpu.memref_slice %arg3[%select_n3A_235, %mul3A_240, %dma_wait3A] : memref<50x1512x1024xf32, #tpu.memory_space<hbm>> -> memref<1x24x1024xf32, #tpu.memory_space<hbm>>
            %dma_wait3A_242 = tpu.memref_squeeze %dma_wait3A_241 : memref<1x24x1024xf32, #tpu.memory_space<hbm>> -> memref<24x1024xf32, #tpu.memory_space<hbm>>
            %dma_wait3A_243 = arith.constant 0 : i32
            %dma_wait3A_244 = tpu.memref_slice %arg3[%select_n3A_235, %mul3A_240, %dma_wait3A_243] : memref<50x1512x1024xf32, #tpu.memory_space<hbm>> -> memref<1x24x1024xf32, #tpu.memory_space<hbm>>
            %dma_wait3A_245 = tpu.memref_squeeze %dma_wait3A_244 : memref<1x24x1024xf32, #tpu.memory_space<hbm>> -> memref<24x1024xf32, #tpu.memory_space<hbm>>
            tpu.wait_dma2 semaphore(%arg12 : memref<!tpu.dma_semaphore, #tpu.memory_space<semaphore_mem>>) src(%arg8 : memref<24x1024xf32, #tpu.memory_space<vmem>>) dst(%dma_wait3A_245 : memref<24x1024xf32, #tpu.memory_space<hbm>>)
            %scan3A_246 = arith.constant 0 : i32
            %scan3A_247 = arith.constant 0 : i32
            %scan3A_248 = arith.constant 64 : i32
            %scan3A_249 = arith.addi %scan3A_247, %scan3A_248 : i32
            %scan3A_250 = arith.constant 1 : i32
            %scan3A_251 = scf.for %scan3A_268 = %scan3A_247 to %scan3A_249 step %scan3A_250 iter_args(%scan3A_269 = %scan3A_246) -> (i32)  : i32 {
              %mul3A_270 = arith.constant 16 : i32
              %mul3A_271 = arith.muli %scan3A_268, %mul3A_270 : i32
              %get3A = arith.index_cast %mul3A_271 : i32 to index
              %get3A_272 = tpu.vector_load %arg4[%get3A] {strides = array<i32>} : memref<1024xi32, #tpu.memory_space<vmem>>, vector<16xi32>,
              %ge3A_273 = vector.broadcast %mul3A_240 : i32 to vector<16xi32>
              %ge3A_274 = arith.cmpi sge, %get3A_272, %ge3A_273 : vector<16xi32>
              %add3A_275 = arith.constant 24 : i32
              %add3A_276 = arith.addi %mul3A_240, %add3A_275 : i32
              %lt3A_277 = vector.broadcast %add3A_276 : i32 to vector<16xi32>
              %lt3A_278 = arith.cmpi slt, %get3A_272, %lt3A_277 : vector<16xi32>
              %and3A_279 = arith.andi %ge3A_274, %lt3A_278 : vector<16xi1>
              %iota3A = tpu.iota {dimensions = array<i32: 0>} : vector<16xi32>
              %mul3A_280 = arith.constant 16 : i32
              %mul3A_281 = arith.muli %scan3A_268, %mul3A_280 : i32
              %add3A_282 = vector.broadcast %mul3A_281 : i32 to vector<16xi32>
              %add3A_283 = arith.addi %iota3A, %add3A_282 : vector<16xi32>
              %sub3A_284 = vector.broadcast %mul3A_240 : i32 to vector<16xi32>
              %sub3A_285 = arith.subi %get3A_272, %sub3A_284 : vector<16xi32>
              %jit3A_286 = arith.constant 0 : i32
              %broadcast_in_dim3A_287 = vector.broadcast %jit3A_286 : i32 to vector<16xi32>
              %select_n3A_288 = arith.select %and3A_279, %sub3A_285, %broadcast_in_dim3A_287 : vector<16xi1>, vector<16xi32>
              tpu.vector_store_idx %arg8[%select_n3A_288, %add3A_283], %broadcast_in_dim3A_11 masked %and3A_279 : memref<24x1024xf32, #tpu.memory_space<vmem>>[vector<16xi32>, vector<16xi32>], vector<16xf32>, vector<16xi1>
              %scan3A_289 = arith.constant 0 : i32
              scf.yield %scan3A_289 : i32
            }
            %scan3A_252 = arith.constant 64 : i32
            %add3A_253 = arith.constant 1000 : i32
            %add3A_254 = arith.addi %add3A_253, %select_n3A_235 : i32
            %sub3A_255 = arith.subi %add3A_254, %mul3A_240 : i32
            %ge3A_256 = arith.constant 0 : i32
            %ge3A_257 = arith.cmpi sge, %sub3A_255, %ge3A_256 : i32
            %lt3A_258 = arith.constant 24 : i32
            %lt3A_259 = arith.cmpi slt, %sub3A_255, %lt3A_258 : i32
            %and3A_260 = arith.andi %ge3A_257, %lt3A_259 : i1
            %convert_element_type3A_261 = arith.extui %and3A_260 : i1 to i32
            %cond3A_262 = arith.constant 0 : i32
            %cond3A_263 = arith.cmpi ne, %convert_element_type3A_261, %cond3A_262 : i32
            scf.if %cond3A_263 {
              %scan3A_268 = arith.constant 0 : i32
              %scan3A_269 = arith.constant 0 : i32
              %scan3A_270 = arith.constant 64 : i32
              %scan3A_271 = arith.addi %scan3A_269, %scan3A_270 : i32
              %scan3A_272 = arith.constant 1 : i32
              %scan3A_273 = scf.for %scan3A_275 = %scan3A_269 to %scan3A_271 step %scan3A_272 iter_args(%scan3A_276 = %scan3A_268) -> (i32)  : i32 {
                %mul3A_277 = arith.constant 16 : i32
                %mul3A_278 = arith.muli %scan3A_275, %mul3A_277 : i32
                %swap3A = arith.index_cast %sub3A_255 : i32 to index
                %swap3A_279 = arith.index_cast %mul3A_278 : i32 to index
                %swap3A_280 = tpu.vector_load %arg8[%swap3A, %swap3A_279] {strides = array<i32>} : memref<24x1024xf32, #tpu.memory_space<vmem>>, vector<16xf32>,
                tpu.vector_store %arg8[%swap3A, %swap3A_279], %broadcast_in_dim3A_11 {strides = array<i32>} : memref<24x1024xf32, #tpu.memory_space<vmem>>, vector<16xf32>,
                %scan3A_281 = arith.constant 0 : i32
                scf.yield %scan3A_281 : i32
              }
              %scan3A_274 = arith.constant 64 : i32
            } else {
            }
            %ne3A_264 = arith.cmpi ne, %select_n3A_235, %select_n3A_171 : i32
            %convert_element_type3A_265 = arith.extui %ne3A_264 : i1 to i32
            %cond3A_266 = arith.constant 0 : i32
            %cond3A_267 = arith.cmpi ne, %convert_element_type3A_265, %cond3A_266 : i32
            scf.if %cond3A_267 {
              "tpu.region"() ({
                %run_scoped3A = tpu.sem_alloc : memref<!tpu.dma_semaphore, #tpu.memory_space<semaphore_mem>>
                %dma_start3A_268 = arith.constant 0 : i32
                %dma_start3A_269 = tpu.memref_slice %arg2[%select_n3A_171, %dma_start3A_268] : memref<50x1024xi32, #tpu.memory_space<hbm>> -> memref<1x1024xi32, #tpu.memory_space<hbm>>
                %dma_start3A_270 = tpu.memref_squeeze %dma_start3A_269 : memref<1x1024xi32, #tpu.memory_space<hbm>> -> memref<1024xi32, #tpu.memory_space<hbm>>
                %dma_start3A_271 = arith.constant 0 : i32
                %dma_start3A_272 = tpu.memref_slice %arg2[%select_n3A_171, %dma_start3A_271] : memref<50x1024xi32, #tpu.memory_space<hbm>> -> memref<1x1024xi32, #tpu.memory_space<hbm>>
                %dma_start3A_273 = tpu.memref_squeeze %dma_start3A_272 : memref<1x1024xi32, #tpu.memory_space<hbm>> -> memref<1024xi32, #tpu.memory_space<hbm>>
                tpu.enqueue_dma source(%dma_start3A_273 : memref<1024xi32, #tpu.memory_space<hbm>>) target(%arg4 : memref<1024xi32, #tpu.memory_space<vmem>>) target_semaphore(%run_scoped3A : memref<!tpu.dma_semaphore, #tpu.memory_space<semaphore_mem>>)
                %dma_wait3A_274 = arith.constant 0 : i32
                %dma_wait3A_275 = tpu.memref_slice %arg2[%select_n3A_171, %dma_wait3A_274] : memref<50x1024xi32, #tpu.memory_space<hbm>> -> memref<1x1024xi32, #tpu.memory_space<hbm>>
                %dma_wait3A_276 = tpu.memref_squeeze %dma_wait3A_275 : memref<1x1024xi32, #tpu.memory_space<hbm>> -> memref<1024xi32, #tpu.memory_space<hbm>>
                %dma_wait3A_277 = arith.constant 0 : i32
                %dma_wait3A_278 = tpu.memref_slice %arg2[%select_n3A_171, %dma_wait3A_277] : memref<50x1024xi32, #tpu.memory_space<hbm>> -> memref<1x1024xi32, #tpu.memory_space<hbm>>
                %dma_wait3A_279 = tpu.memref_squeeze %dma_wait3A_278 : memref<1x1024xi32, #tpu.memory_space<hbm>> -> memref<1024xi32, #tpu.memory_space<hbm>>
                tpu.wait_dma2 semaphore(%run_scoped3A : memref<!tpu.dma_semaphore, #tpu.memory_space<semaphore_mem>>) src(%dma_wait3A_279 : memref<1024xi32, #tpu.memory_space<hbm>>) dst(%arg4 : memref<1024xi32, #tpu.memory_space<vmem>>)
                tpu.yield
              }) : () -> ()
            } else {
            }
          } else {
          }
          %lt3A_182 = arith.constant 4 : i32
          %lt3A_183 = arith.cmpi slt, %scan3A_63, %lt3A_182 : i32
          %convert_element_type3A_184 = arith.extui %lt3A_183 : i1 to i32
          %cond3A_185 = arith.constant 0 : i32
          %cond3A_186 = arith.cmpi ne, %convert_element_type3A_184, %cond3A_185 : i32
          scf.if %cond3A_186 {
            "tpu.region"() ({
              %run_scoped3A = tpu.sem_alloc : memref<!tpu.dma_semaphore, #tpu.memory_space<semaphore_mem>>
              %dma_start3A_210 = arith.constant 0 : i32
              %dma_start3A_211 = tpu.memref_slice %arg2[%select_n3A_171, %dma_start3A_210] : memref<50x1024xi32, #tpu.memory_space<hbm>> -> memref<1x1024xi32, #tpu.memory_space<hbm>>
              %dma_start3A_212 = tpu.memref_squeeze %dma_start3A_211 : memref<1x1024xi32, #tpu.memory_space<hbm>> -> memref<1024xi32, #tpu.memory_space<hbm>>
              %dma_start3A_213 = arith.constant 0 : i32
              %dma_start3A_214 = tpu.memref_slice %arg2[%select_n3A_171, %dma_start3A_213] : memref<50x1024xi32, #tpu.memory_space<hbm>> -> memref<1x1024xi32, #tpu.memory_space<hbm>>
              %dma_start3A_215 = tpu.memref_squeeze %dma_start3A_214 : memref<1x1024xi32, #tpu.memory_space<hbm>> -> memref<1024xi32, #tpu.memory_space<hbm>>
              tpu.enqueue_dma source(%dma_start3A_215 : memref<1024xi32, #tpu.memory_space<hbm>>) target(%arg4 : memref<1024xi32, #tpu.memory_space<vmem>>) target_semaphore(%run_scoped3A : memref<!tpu.dma_semaphore, #tpu.memory_space<semaphore_mem>>)
              %dma_wait3A = arith.constant 0 : i32
              %dma_wait3A_216 = tpu.memref_slice %arg2[%select_n3A_171, %dma_wait3A] : memref<50x1024xi32, #tpu.memory_space<hbm>> -> memref<1x1024xi32, #tpu.memory_space<hbm>>
              %dma_wait3A_217 = tpu.memref_squeeze %dma_wait3A_216 : memref<1x1024xi32, #tpu.memory_space<hbm>> -> memref<1024xi32, #tpu.memory_space<hbm>>
              %dma_wait3A_218 = arith.constant 0 : i32
              %dma_wait3A_219 = tpu.memref_slice %arg2[%select_n3A_171, %dma_wait3A_218] : memref<50x1024xi32, #tpu.memory_space<hbm>> -> memref<1x1024xi32, #tpu.memory_space<hbm>>
              %dma_wait3A_220 = tpu.memref_squeeze %dma_wait3A_219 : memref<1x1024xi32, #tpu.memory_space<hbm>> -> memref<1024xi32, #tpu.memory_space<hbm>>
              tpu.wait_dma2 semaphore(%run_scoped3A : memref<!tpu.dma_semaphore, #tpu.memory_space<semaphore_mem>>) src(%dma_wait3A_220 : memref<1024xi32, #tpu.memory_space<hbm>>) dst(%arg4 : memref<1024xi32, #tpu.memory_space<vmem>>)
              tpu.yield
            }) : () -> ()
          } else {
          }
          %scan3A_187 = arith.constant 0 : i32
          %scan3A_188 = arith.constant 0 : i32
          %scan3A_189 = arith.constant 64 : i32
          %scan3A_190 = arith.addi %scan3A_188, %scan3A_189 : i32
          %scan3A_191 = arith.constant 1 : i32
          %scan3A_192 = scf.for %scan3A_210 = %scan3A_188 to %scan3A_190 step %scan3A_191 iter_args(%scan3A_211 = %scan3A_187) -> (i32)  : i32 {
            %mul3A_212 = arith.constant 16 : i32
            %mul3A_213 = arith.muli %scan3A_210, %mul3A_212 : i32
            %get3A = arith.index_cast %mul3A_213 : i32 to index
            %get3A_214 = tpu.vector_load %arg4[%get3A] {strides = array<i32>} : memref<1024xi32, #tpu.memory_space<vmem>>, vector<16xi32>,
            %ge3A_215 = vector.broadcast %mul3A_176 : i32 to vector<16xi32>
            %ge3A_216 = arith.cmpi sge, %get3A_214, %ge3A_215 : vector<16xi32>
            %add3A_217 = arith.constant 24 : i32
            %add3A_218 = arith.addi %mul3A_176, %add3A_217 : i32
            %lt3A_219 = vector.broadcast %add3A_218 : i32 to vector<16xi32>
            %lt3A_220 = arith.cmpi slt, %get3A_214, %lt3A_219 : vector<16xi32>
            %and3A_221 = arith.andi %ge3A_216, %lt3A_220 : vector<16xi1>
            %iota3A = tpu.iota {dimensions = array<i32: 0>} : vector<16xi32>
            %mul3A_222 = arith.constant 16 : i32
            %mul3A_223 = arith.muli %scan3A_210, %mul3A_222 : i32
            %add3A_224 = vector.broadcast %mul3A_223 : i32 to vector<16xi32>
            %add3A_225 = arith.addi %iota3A, %add3A_224 : vector<16xi32>
            %sub3A_226 = vector.broadcast %mul3A_176 : i32 to vector<16xi32>
            %sub3A_227 = arith.subi %get3A_214, %sub3A_226 : vector<16xi32>
            %jit3A_228 = arith.constant 0 : i32
            %broadcast_in_dim3A_229 = vector.broadcast %jit3A_228 : i32 to vector<16xi32>
            %select_n3A_230 = arith.select %and3A_221, %sub3A_227, %broadcast_in_dim3A_229 : vector<16xi1>, vector<16xi32>
            tpu.vector_store_idx %arg8[%select_n3A_230, %add3A_225], %broadcast_in_dim3A_9 masked %and3A_221 : memref<24x1024xf32, #tpu.memory_space<vmem>>[vector<16xi32>, vector<16xi32>], vector<16xf32>, vector<16xi1>
            %scan3A_231 = arith.constant 0 : i32
            scf.yield %scan3A_231 : i32
          }
          %scan3A_193 = arith.constant 64 : i32
          %add3A_194 = arith.constant 1000 : i32
          %add3A_195 = arith.addi %add3A_194, %select_n3A_171 : i32
          %sub3A_196 = arith.subi %add3A_195, %mul3A_176 : i32
          %ge3A_197 = arith.constant 0 : i32
          %ge3A_198 = arith.cmpi sge, %sub3A_196, %ge3A_197 : i32
          %lt3A_199 = arith.constant 24 : i32
          %lt3A_200 = arith.cmpi slt, %sub3A_196, %lt3A_199 : i32
          %and3A_201 = arith.andi %ge3A_198, %lt3A_200 : i1
          %convert_element_type3A_202 = arith.extui %and3A_201 : i1 to i32
          %cond3A_203 = arith.constant 0 : i32
          %cond3A_204 = arith.cmpi ne, %convert_element_type3A_202, %cond3A_203 : i32
          scf.if %cond3A_204 {
            %scan3A_210 = arith.constant 0 : i32
            %scan3A_211 = arith.constant 0 : i32
            %scan3A_212 = arith.constant 64 : i32
            %scan3A_213 = arith.addi %scan3A_211, %scan3A_212 : i32
            %scan3A_214 = arith.constant 1 : i32
            %scan3A_215 = scf.for %scan3A_217 = %scan3A_211 to %scan3A_213 step %scan3A_214 iter_args(%scan3A_218 = %scan3A_210) -> (i32)  : i32 {
              %mul3A_219 = arith.constant 16 : i32
              %mul3A_220 = arith.muli %scan3A_217, %mul3A_219 : i32
              %swap3A = arith.index_cast %sub3A_196 : i32 to index
              %swap3A_221 = arith.index_cast %mul3A_220 : i32 to index
              %swap3A_222 = tpu.vector_load %arg8[%swap3A, %swap3A_221] {strides = array<i32>} : memref<24x1024xf32, #tpu.memory_space<vmem>>, vector<16xf32>,
              tpu.vector_store %arg8[%swap3A, %swap3A_221], %broadcast_in_dim3A_9 {strides = array<i32>} : memref<24x1024xf32, #tpu.memory_space<vmem>>, vector<16xf32>,
              %scan3A_223 = arith.constant 0 : i32
              scf.yield %scan3A_223 : i32
            }
            %scan3A_216 = arith.constant 64 : i32
          } else {
          }
          %dma_start3A = arith.constant 0 : i32
          %dma_start3A_205 = tpu.memref_slice %arg3[%select_n3A_171, %mul3A_176, %dma_start3A] : memref<50x1512x1024xf32, #tpu.memory_space<hbm>> -> memref<1x24x1024xf32, #tpu.memory_space<hbm>>
          %dma_start3A_206 = tpu.memref_squeeze %dma_start3A_205 : memref<1x24x1024xf32, #tpu.memory_space<hbm>> -> memref<24x1024xf32, #tpu.memory_space<hbm>>
          %dma_start3A_207 = arith.constant 0 : i32
          %dma_start3A_208 = tpu.memref_slice %arg3[%select_n3A_171, %mul3A_176, %dma_start3A_207] : memref<50x1512x1024xf32, #tpu.memory_space<hbm>> -> memref<1x24x1024xf32, #tpu.memory_space<hbm>>
          %dma_start3A_209 = tpu.memref_squeeze %dma_start3A_208 : memref<1x24x1024xf32, #tpu.memory_space<hbm>> -> memref<24x1024xf32, #tpu.memory_space<hbm>>
          tpu.enqueue_dma source(%arg8 : memref<24x1024xf32, #tpu.memory_space<vmem>>) target(%dma_start3A_209 : memref<24x1024xf32, #tpu.memory_space<hbm>>) target_semaphore(%arg12 : memref<!tpu.dma_semaphore, #tpu.memory_space<semaphore_mem>>)
        } else {
        }
        %jit3A_87 = arith.constant 4 : i32
        %eq3A_88 = arith.constant 0 : i32
        %eq3A_89 = arith.cmpi eq, %jit3A_87, %eq3A_88 : i32
        %jit3A_90 = arith.constant 1 : i32
        %select_n3A_91 = arith.select %eq3A_89, %jit3A_90, %jit3A_87 : i32
        %rem3A_92 = arith.remsi %scan3A_63, %select_n3A_91 : i32
        %ne3A_93 = arith.constant 0 : i32
        %ne3A_94 = arith.cmpi ne, %rem3A_92, %ne3A_93 : i32
        %lt3A_95 = arith.constant 0 : i32
        %lt3A_96 = arith.cmpi slt, %rem3A_92, %lt3A_95 : i32
        %lt3A_97 = arith.constant 0 : i32
        %lt3A_98 = arith.cmpi slt, %select_n3A_91, %lt3A_97 : i32
        %ne3A_99 = arith.xori %lt3A_96, %lt3A_98 : i1
        %and3A_100 = arith.andi %ne3A_99, %ne3A_94 : i1
        %add3A_101 = arith.addi %rem3A_92, %select_n3A_91 : i32
        %select_n3A_102 = arith.select %and3A_100, %add3A_101, %rem3A_92 : i32
        %eq3A_103 = arith.constant 1 : i32
        %eq3A_104 = arith.cmpi eq, %select_n3A_102, %eq3A_103 : i32
        %convert_element_type3A_105 = arith.extui %eq3A_104 : i1 to i32
        %cond3A_106 = arith.constant 0 : i32
        %cond3A_107 = arith.cmpi ne, %convert_element_type3A_105, %cond3A_106 : i32
        scf.if %cond3A_107 {
          %add3A_150 = arith.addi %add3A_4, %scan3A_63 : i32
          %jit3A_151 = arith.constant 63 : i32
          %div3A = arith.divsi %add3A_150, %jit3A_151 : i32
          %sign3A = arith.constant 0 : i32
          %sign3A_152 = arith.cmpi sgt, %add3A_150, %sign3A : i32
          %sign3A_153 = arith.extui %sign3A_152 : i1 to i32
          %sign3A_154 = arith.constant 0 : i32
          %sign3A_155 = arith.cmpi slt, %add3A_150, %sign3A_154 : i32
          %sign3A_156 = arith.extui %sign3A_155 : i1 to i32
          %sign3A_157 = arith.subi %sign3A_153, %sign3A_156 : i32
          %sign3A_158 = arith.constant 0 : i32
          %sign3A_159 = arith.cmpi sgt, %jit3A_151, %sign3A_158 : i32
          %sign3A_160 = arith.extui %sign3A_159 : i1 to i32
          %sign3A_161 = arith.constant 0 : i32
          %sign3A_162 = arith.cmpi slt, %jit3A_151, %sign3A_161 : i32
          %sign3A_163 = arith.extui %sign3A_162 : i1 to i32
          %sign3A_164 = arith.subi %sign3A_160, %sign3A_163 : i32
          %ne3A_165 = arith.cmpi ne, %sign3A_157, %sign3A_164 : i32
          %rem3A_166 = arith.remsi %add3A_150, %jit3A_151 : i32
          %ne3A_167 = arith.constant 0 : i32
          %ne3A_168 = arith.cmpi ne, %rem3A_166, %ne3A_167 : i32
          %and3A_169 = arith.andi %ne3A_165, %ne3A_168 : i1
          %sub3A = arith.constant 1 : i32
          %sub3A_170 = arith.subi %div3A, %sub3A : i32
          %select_n3A_171 = arith.select %and3A_169, %sub3A_170, %div3A : i32
          %mul3A_172 = arith.constant 63 : i32
          %mul3A_173 = arith.muli %select_n3A_171, %mul3A_172 : i32
          %sub3A_174 = arith.subi %add3A_150, %mul3A_173 : i32
          %mul3A_175 = arith.constant 24 : i32
          %mul3A_176 = arith.muli %sub3A_174, %mul3A_175 : i32
          %ge3A_177 = arith.constant 4 : i32
          %ge3A_178 = arith.cmpi sge, %scan3A_63, %ge3A_177 : i32
          %convert_element_type3A_179 = arith.extui %ge3A_178 : i1 to i32
          %cond3A_180 = arith.constant 0 : i32
          %cond3A_181 = arith.cmpi ne, %convert_element_type3A_179, %cond3A_180 : i32
          scf.if %cond3A_181 {
            %sub3A_210 = arith.constant 4 : i32
            %sub3A_211 = arith.subi %add3A_150, %sub3A_210 : i32
            %jit3A_212 = arith.constant 63 : i32
            %div3A_213 = arith.divsi %sub3A_211, %jit3A_212 : i32
            %sign3A_214 = arith.constant 0 : i32
            %sign3A_215 = arith.cmpi sgt, %sub3A_211, %sign3A_214 : i32
            %sign3A_216 = arith.extui %sign3A_215 : i1 to i32
            %sign3A_217 = arith.constant 0 : i32
            %sign3A_218 = arith.cmpi slt, %sub3A_211, %sign3A_217 : i32
            %sign3A_219 = arith.extui %sign3A_218 : i1 to i32
            %sign3A_220 = arith.subi %sign3A_216, %sign3A_219 : i32
            %sign3A_221 = arith.constant 0 : i32
            %sign3A_222 = arith.cmpi sgt, %jit3A_212, %sign3A_221 : i32
            %sign3A_223 = arith.extui %sign3A_222 : i1 to i32
            %sign3A_224 = arith.constant 0 : i32
            %sign3A_225 = arith.cmpi slt, %jit3A_212, %sign3A_224 : i32
            %sign3A_226 = arith.extui %sign3A_225 : i1 to i32
            %sign3A_227 = arith.subi %sign3A_223, %sign3A_226 : i32
            %ne3A_228 = arith.cmpi ne, %sign3A_220, %sign3A_227 : i32
            %rem3A_229 = arith.remsi %sub3A_211, %jit3A_212 : i32
            %ne3A_230 = arith.constant 0 : i32
            %ne3A_231 = arith.cmpi ne, %rem3A_229, %ne3A_230 : i32
            %and3A_232 = arith.andi %ne3A_228, %ne3A_231 : i1
            %sub3A_233 = arith.constant 1 : i32
            %sub3A_234 = arith.subi %div3A_213, %sub3A_233 : i32
            %select_n3A_235 = arith.select %and3A_232, %sub3A_234, %div3A_213 : i32
            %mul3A_236 = arith.constant 63 : i32
            %mul3A_237 = arith.muli %select_n3A_235, %mul3A_236 : i32
            %sub3A_238 = arith.subi %sub3A_211, %mul3A_237 : i32
            %mul3A_239 = arith.constant 24 : i32
            %mul3A_240 = arith.muli %sub3A_238, %mul3A_239 : i32
            %dma_wait3A = arith.constant 0 : i32
            %dma_wait3A_241 = tpu.memref_slice %arg3[%select_n3A_235, %mul3A_240, %dma_wait3A] : memref<50x1512x1024xf32, #tpu.memory_space<hbm>> -> memref<1x24x1024xf32, #tpu.memory_space<hbm>>
            %dma_wait3A_242 = tpu.memref_squeeze %dma_wait3A_241 : memref<1x24x1024xf32, #tpu.memory_space<hbm>> -> memref<24x1024xf32, #tpu.memory_space<hbm>>
            %dma_wait3A_243 = arith.constant 0 : i32
            %dma_wait3A_244 = tpu.memref_slice %arg3[%select_n3A_235, %mul3A_240, %dma_wait3A_243] : memref<50x1512x1024xf32, #tpu.memory_space<hbm>> -> memref<1x24x1024xf32, #tpu.memory_space<hbm>>
            %dma_wait3A_245 = tpu.memref_squeeze %dma_wait3A_244 : memref<1x24x1024xf32, #tpu.memory_space<hbm>> -> memref<24x1024xf32, #tpu.memory_space<hbm>>
            tpu.wait_dma2 semaphore(%arg13 : memref<!tpu.dma_semaphore, #tpu.memory_space<semaphore_mem>>) src(%arg9 : memref<24x1024xf32, #tpu.memory_space<vmem>>) dst(%dma_wait3A_245 : memref<24x1024xf32, #tpu.memory_space<hbm>>)
            %scan3A_246 = arith.constant 0 : i32
            %scan3A_247 = arith.constant 0 : i32
            %scan3A_248 = arith.constant 64 : i32
            %scan3A_249 = arith.addi %scan3A_247, %scan3A_248 : i32
            %scan3A_250 = arith.constant 1 : i32
            %scan3A_251 = scf.for %scan3A_268 = %scan3A_247 to %scan3A_249 step %scan3A_250 iter_args(%scan3A_269 = %scan3A_246) -> (i32)  : i32 {
              %mul3A_270 = arith.constant 16 : i32
              %mul3A_271 = arith.muli %scan3A_268, %mul3A_270 : i32
              %get3A = arith.index_cast %mul3A_271 : i32 to index
              %get3A_272 = tpu.vector_load %arg5[%get3A] {strides = array<i32>} : memref<1024xi32, #tpu.memory_space<vmem>>, vector<16xi32>,
              %ge3A_273 = vector.broadcast %mul3A_240 : i32 to vector<16xi32>
              %ge3A_274 = arith.cmpi sge, %get3A_272, %ge3A_273 : vector<16xi32>
              %add3A_275 = arith.constant 24 : i32
              %add3A_276 = arith.addi %mul3A_240, %add3A_275 : i32
              %lt3A_277 = vector.broadcast %add3A_276 : i32 to vector<16xi32>
              %lt3A_278 = arith.cmpi slt, %get3A_272, %lt3A_277 : vector<16xi32>
              %and3A_279 = arith.andi %ge3A_274, %lt3A_278 : vector<16xi1>
              %iota3A = tpu.iota {dimensions = array<i32: 0>} : vector<16xi32>
              %mul3A_280 = arith.constant 16 : i32
              %mul3A_281 = arith.muli %scan3A_268, %mul3A_280 : i32
              %add3A_282 = vector.broadcast %mul3A_281 : i32 to vector<16xi32>
              %add3A_283 = arith.addi %iota3A, %add3A_282 : vector<16xi32>
              %sub3A_284 = vector.broadcast %mul3A_240 : i32 to vector<16xi32>
              %sub3A_285 = arith.subi %get3A_272, %sub3A_284 : vector<16xi32>
              %jit3A_286 = arith.constant 0 : i32
              %broadcast_in_dim3A_287 = vector.broadcast %jit3A_286 : i32 to vector<16xi32>
              %select_n3A_288 = arith.select %and3A_279, %sub3A_285, %broadcast_in_dim3A_287 : vector<16xi1>, vector<16xi32>
              tpu.vector_store_idx %arg9[%select_n3A_288, %add3A_283], %broadcast_in_dim3A_11 masked %and3A_279 : memref<24x1024xf32, #tpu.memory_space<vmem>>[vector<16xi32>, vector<16xi32>], vector<16xf32>, vector<16xi1>
              %scan3A_289 = arith.constant 0 : i32
              scf.yield %scan3A_289 : i32
            }
            %scan3A_252 = arith.constant 64 : i32
            %add3A_253 = arith.constant 1000 : i32
            %add3A_254 = arith.addi %add3A_253, %select_n3A_235 : i32
            %sub3A_255 = arith.subi %add3A_254, %mul3A_240 : i32
            %ge3A_256 = arith.constant 0 : i32
            %ge3A_257 = arith.cmpi sge, %sub3A_255, %ge3A_256 : i32
            %lt3A_258 = arith.constant 24 : i32
            %lt3A_259 = arith.cmpi slt, %sub3A_255, %lt3A_258 : i32
            %and3A_260 = arith.andi %ge3A_257, %lt3A_259 : i1
            %convert_element_type3A_261 = arith.extui %and3A_260 : i1 to i32
            %cond3A_262 = arith.constant 0 : i32
            %cond3A_263 = arith.cmpi ne, %convert_element_type3A_261, %cond3A_262 : i32
            scf.if %cond3A_263 {
              %scan3A_268 = arith.constant 0 : i32
              %scan3A_269 = arith.constant 0 : i32
              %scan3A_270 = arith.constant 64 : i32
              %scan3A_271 = arith.addi %scan3A_269, %scan3A_270 : i32
              %scan3A_272 = arith.constant 1 : i32
              %scan3A_273 = scf.for %scan3A_275 = %scan3A_269 to %scan3A_271 step %scan3A_272 iter_args(%scan3A_276 = %scan3A_268) -> (i32)  : i32 {
                %mul3A_277 = arith.constant 16 : i32
                %mul3A_278 = arith.muli %scan3A_275, %mul3A_277 : i32
                %swap3A = arith.index_cast %sub3A_255 : i32 to index
                %swap3A_279 = arith.index_cast %mul3A_278 : i32 to index
                %swap3A_280 = tpu.vector_load %arg9[%swap3A, %swap3A_279] {strides = array<i32>} : memref<24x1024xf32, #tpu.memory_space<vmem>>, vector<16xf32>,
                tpu.vector_store %arg9[%swap3A, %swap3A_279], %broadcast_in_dim3A_11 {strides = array<i32>} : memref<24x1024xf32, #tpu.memory_space<vmem>>, vector<16xf32>,
                %scan3A_281 = arith.constant 0 : i32
                scf.yield %scan3A_281 : i32
              }
              %scan3A_274 = arith.constant 64 : i32
            } else {
            }
            %ne3A_264 = arith.cmpi ne, %select_n3A_235, %select_n3A_171 : i32
            %convert_element_type3A_265 = arith.extui %ne3A_264 : i1 to i32
            %cond3A_266 = arith.constant 0 : i32
            %cond3A_267 = arith.cmpi ne, %convert_element_type3A_265, %cond3A_266 : i32
            scf.if %cond3A_267 {
              "tpu.region"() ({
                %run_scoped3A = tpu.sem_alloc : memref<!tpu.dma_semaphore, #tpu.memory_space<semaphore_mem>>
                %dma_start3A_268 = arith.constant 0 : i32
                %dma_start3A_269 = tpu.memref_slice %arg2[%select_n3A_171, %dma_start3A_268] : memref<50x1024xi32, #tpu.memory_space<hbm>> -> memref<1x1024xi32, #tpu.memory_space<hbm>>
                %dma_start3A_270 = tpu.memref_squeeze %dma_start3A_269 : memref<1x1024xi32, #tpu.memory_space<hbm>> -> memref<1024xi32, #tpu.memory_space<hbm>>
                %dma_start3A_271 = arith.constant 0 : i32
                %dma_start3A_272 = tpu.memref_slice %arg2[%select_n3A_171, %dma_start3A_271] : memref<50x1024xi32, #tpu.memory_space<hbm>> -> memref<1x1024xi32, #tpu.memory_space<hbm>>
                %dma_start3A_273 = tpu.memref_squeeze %dma_start3A_272 : memref<1x1024xi32, #tpu.memory_space<hbm>> -> memref<1024xi32, #tpu.memory_space<hbm>>
                tpu.enqueue_dma source(%dma_start3A_273 : memref<1024xi32, #tpu.memory_space<hbm>>) target(%arg5 : memref<1024xi32, #tpu.memory_space<vmem>>) target_semaphore(%run_scoped3A : memref<!tpu.dma_semaphore, #tpu.memory_space<semaphore_mem>>)
                %dma_wait3A_274 = arith.constant 0 : i32
                %dma_wait3A_275 = tpu.memref_slice %arg2[%select_n3A_171, %dma_wait3A_274] : memref<50x1024xi32, #tpu.memory_space<hbm>> -> memref<1x1024xi32, #tpu.memory_space<hbm>>
                %dma_wait3A_276 = tpu.memref_squeeze %dma_wait3A_275 : memref<1x1024xi32, #tpu.memory_space<hbm>> -> memref<1024xi32, #tpu.memory_space<hbm>>
                %dma_wait3A_277 = arith.constant 0 : i32
                %dma_wait3A_278 = tpu.memref_slice %arg2[%select_n3A_171, %dma_wait3A_277] : memref<50x1024xi32, #tpu.memory_space<hbm>> -> memref<1x1024xi32, #tpu.memory_space<hbm>>
                %dma_wait3A_279 = tpu.memref_squeeze %dma_wait3A_278 : memref<1x1024xi32, #tpu.memory_space<hbm>> -> memref<1024xi32, #tpu.memory_space<hbm>>
                tpu.wait_dma2 semaphore(%run_scoped3A : memref<!tpu.dma_semaphore, #tpu.memory_space<semaphore_mem>>) src(%dma_wait3A_279 : memref<1024xi32, #tpu.memory_space<hbm>>) dst(%arg5 : memref<1024xi32, #tpu.memory_space<vmem>>)
                tpu.yield
              }) : () -> ()
            } else {
            }
          } else {
          }
          %lt3A_182 = arith.constant 4 : i32
          %lt3A_183 = arith.cmpi slt, %scan3A_63, %lt3A_182 : i32
          %convert_element_type3A_184 = arith.extui %lt3A_183 : i1 to i32
          %cond3A_185 = arith.constant 0 : i32
          %cond3A_186 = arith.cmpi ne, %convert_element_type3A_184, %cond3A_185 : i32
          scf.if %cond3A_186 {
            "tpu.region"() ({
              %run_scoped3A = tpu.sem_alloc : memref<!tpu.dma_semaphore, #tpu.memory_space<semaphore_mem>>
              %dma_start3A_210 = arith.constant 0 : i32
              %dma_start3A_211 = tpu.memref_slice %arg2[%select_n3A_171, %dma_start3A_210] : memref<50x1024xi32, #tpu.memory_space<hbm>> -> memref<1x1024xi32, #tpu.memory_space<hbm>>
              %dma_start3A_212 = tpu.memref_squeeze %dma_start3A_211 : memref<1x1024xi32, #tpu.memory_space<hbm>> -> memref<1024xi32, #tpu.memory_space<hbm>>
              %dma_start3A_213 = arith.constant 0 : i32
              %dma_start3A_214 = tpu.memref_slice %arg2[%select_n3A_171, %dma_start3A_213] : memref<50x1024xi32, #tpu.memory_space<hbm>> -> memref<1x1024xi32, #tpu.memory_space<hbm>>
              %dma_start3A_215 = tpu.memref_squeeze %dma_start3A_214 : memref<1x1024xi32, #tpu.memory_space<hbm>> -> memref<1024xi32, #tpu.memory_space<hbm>>
              tpu.enqueue_dma source(%dma_start3A_215 : memref<1024xi32, #tpu.memory_space<hbm>>) target(%arg5 : memref<1024xi32, #tpu.memory_space<vmem>>) target_semaphore(%run_scoped3A : memref<!tpu.dma_semaphore, #tpu.memory_space<semaphore_mem>>)
              %dma_wait3A = arith.constant 0 : i32
              %dma_wait3A_216 = tpu.memref_slice %arg2[%select_n3A_171, %dma_wait3A] : memref<50x1024xi32, #tpu.memory_space<hbm>> -> memref<1x1024xi32, #tpu.memory_space<hbm>>
              %dma_wait3A_217 = tpu.memref_squeeze %dma_wait3A_216 : memref<1x1024xi32, #tpu.memory_space<hbm>> -> memref<1024xi32, #tpu.memory_space<hbm>>
              %dma_wait3A_218 = arith.constant 0 : i32
              %dma_wait3A_219 = tpu.memref_slice %arg2[%select_n3A_171, %dma_wait3A_218] : memref<50x1024xi32, #tpu.memory_space<hbm>> -> memref<1x1024xi32, #tpu.memory_space<hbm>>
              %dma_wait3A_220 = tpu.memref_squeeze %dma_wait3A_219 : memref<1x1024xi32, #tpu.memory_space<hbm>> -> memref<1024xi32, #tpu.memory_space<hbm>>
              tpu.wait_dma2 semaphore(%run_scoped3A : memref<!tpu.dma_semaphore, #tpu.memory_space<semaphore_mem>>) src(%dma_wait3A_220 : memref<1024xi32, #tpu.memory_space<hbm>>) dst(%arg5 : memref<1024xi32, #tpu.memory_space<vmem>>)
              tpu.yield
            }) : () -> ()
          } else {
          }
          %scan3A_187 = arith.constant 0 : i32
          %scan3A_188 = arith.constant 0 : i32
          %scan3A_189 = arith.constant 64 : i32
          %scan3A_190 = arith.addi %scan3A_188, %scan3A_189 : i32
          %scan3A_191 = arith.constant 1 : i32
          %scan3A_192 = scf.for %scan3A_210 = %scan3A_188 to %scan3A_190 step %scan3A_191 iter_args(%scan3A_211 = %scan3A_187) -> (i32)  : i32 {
            %mul3A_212 = arith.constant 16 : i32
            %mul3A_213 = arith.muli %scan3A_210, %mul3A_212 : i32
            %get3A = arith.index_cast %mul3A_213 : i32 to index
            %get3A_214 = tpu.vector_load %arg5[%get3A] {strides = array<i32>} : memref<1024xi32, #tpu.memory_space<vmem>>, vector<16xi32>,
            %ge3A_215 = vector.broadcast %mul3A_176 : i32 to vector<16xi32>
            %ge3A_216 = arith.cmpi sge, %get3A_214, %ge3A_215 : vector<16xi32>
            %add3A_217 = arith.constant 24 : i32
            %add3A_218 = arith.addi %mul3A_176, %add3A_217 : i32
            %lt3A_219 = vector.broadcast %add3A_218 : i32 to vector<16xi32>
            %lt3A_220 = arith.cmpi slt, %get3A_214, %lt3A_219 : vector<16xi32>
            %and3A_221 = arith.andi %ge3A_216, %lt3A_220 : vector<16xi1>
            %iota3A = tpu.iota {dimensions = array<i32: 0>} : vector<16xi32>
            %mul3A_222 = arith.constant 16 : i32
            %mul3A_223 = arith.muli %scan3A_210, %mul3A_222 : i32
            %add3A_224 = vector.broadcast %mul3A_223 : i32 to vector<16xi32>
            %add3A_225 = arith.addi %iota3A, %add3A_224 : vector<16xi32>
            %sub3A_226 = vector.broadcast %mul3A_176 : i32 to vector<16xi32>
            %sub3A_227 = arith.subi %get3A_214, %sub3A_226 : vector<16xi32>
            %jit3A_228 = arith.constant 0 : i32
            %broadcast_in_dim3A_229 = vector.broadcast %jit3A_228 : i32 to vector<16xi32>
            %select_n3A_230 = arith.select %and3A_221, %sub3A_227, %broadcast_in_dim3A_229 : vector<16xi1>, vector<16xi32>
            tpu.vector_store_idx %arg9[%select_n3A_230, %add3A_225], %broadcast_in_dim3A_9 masked %and3A_221 : memref<24x1024xf32, #tpu.memory_space<vmem>>[vector<16xi32>, vector<16xi32>], vector<16xf32>, vector<16xi1>
            %scan3A_231 = arith.constant 0 : i32
            scf.yield %scan3A_231 : i32
          }
          %scan3A_193 = arith.constant 64 : i32
          %add3A_194 = arith.constant 1000 : i32
          %add3A_195 = arith.addi %add3A_194, %select_n3A_171 : i32
          %sub3A_196 = arith.subi %add3A_195, %mul3A_176 : i32
          %ge3A_197 = arith.constant 0 : i32
          %ge3A_198 = arith.cmpi sge, %sub3A_196, %ge3A_197 : i32
          %lt3A_199 = arith.constant 24 : i32
          %lt3A_200 = arith.cmpi slt, %sub3A_196, %lt3A_199 : i32
          %and3A_201 = arith.andi %ge3A_198, %lt3A_200 : i1
          %convert_element_type3A_202 = arith.extui %and3A_201 : i1 to i32
          %cond3A_203 = arith.constant 0 : i32
          %cond3A_204 = arith.cmpi ne, %convert_element_type3A_202, %cond3A_203 : i32
          scf.if %cond3A_204 {
            %scan3A_210 = arith.constant 0 : i32
            %scan3A_211 = arith.constant 0 : i32
            %scan3A_212 = arith.constant 64 : i32
            %scan3A_213 = arith.addi %scan3A_211, %scan3A_212 : i32
            %scan3A_214 = arith.constant 1 : i32
            %scan3A_215 = scf.for %scan3A_217 = %scan3A_211 to %scan3A_213 step %scan3A_214 iter_args(%scan3A_218 = %scan3A_210) -> (i32)  : i32 {
              %mul3A_219 = arith.constant 16 : i32
              %mul3A_220 = arith.muli %scan3A_217, %mul3A_219 : i32
              %swap3A = arith.index_cast %sub3A_196 : i32 to index
              %swap3A_221 = arith.index_cast %mul3A_220 : i32 to index
              %swap3A_222 = tpu.vector_load %arg9[%swap3A, %swap3A_221] {strides = array<i32>} : memref<24x1024xf32, #tpu.memory_space<vmem>>, vector<16xf32>,
              tpu.vector_store %arg9[%swap3A, %swap3A_221], %broadcast_in_dim3A_9 {strides = array<i32>} : memref<24x1024xf32, #tpu.memory_space<vmem>>, vector<16xf32>,
              %scan3A_223 = arith.constant 0 : i32
              scf.yield %scan3A_223 : i32
            }
            %scan3A_216 = arith.constant 64 : i32
          } else {
          }
          %dma_start3A = arith.constant 0 : i32
          %dma_start3A_205 = tpu.memref_slice %arg3[%select_n3A_171, %mul3A_176, %dma_start3A] : memref<50x1512x1024xf32, #tpu.memory_space<hbm>> -> memref<1x24x1024xf32, #tpu.memory_space<hbm>>
          %dma_start3A_206 = tpu.memref_squeeze %dma_start3A_205 : memref<1x24x1024xf32, #tpu.memory_space<hbm>> -> memref<24x1024xf32, #tpu.memory_space<hbm>>
          %dma_start3A_207 = arith.constant 0 : i32
          %dma_start3A_208 = tpu.memref_slice %arg3[%select_n3A_171, %mul3A_176, %dma_start3A_207] : memref<50x1512x1024xf32, #tpu.memory_space<hbm>> -> memref<1x24x1024xf32, #tpu.memory_space<hbm>>
          %dma_start3A_209 = tpu.memref_squeeze %dma_start3A_208 : memref<1x24x1024xf32, #tpu.memory_space<hbm>> -> memref<24x1024xf32, #tpu.memory_space<hbm>>
          tpu.enqueue_dma source(%arg9 : memref<24x1024xf32, #tpu.memory_space<vmem>>) target(%dma_start3A_209 : memref<24x1024xf32, #tpu.memory_space<hbm>>) target_semaphore(%arg13 : memref<!tpu.dma_semaphore, #tpu.memory_space<semaphore_mem>>)
        } else {
        }
        %jit3A_108 = arith.constant 4 : i32
        %eq3A_109 = arith.constant 0 : i32
        %eq3A_110 = arith.cmpi eq, %jit3A_108, %eq3A_109 : i32
        %jit3A_111 = arith.constant 1 : i32
        %select_n3A_112 = arith.select %eq3A_110, %jit3A_111, %jit3A_108 : i32
        %rem3A_113 = arith.remsi %scan3A_63, %select_n3A_112 : i32
        %ne3A_114 = arith.constant 0 : i32
        %ne3A_115 = arith.cmpi ne, %rem3A_113, %ne3A_114 : i32
        %lt3A_116 = arith.constant 0 : i32
        %lt3A_117 = arith.cmpi slt, %rem3A_113, %lt3A_116 : i32
        %lt3A_118 = arith.constant 0 : i32
        %lt3A_119 = arith.cmpi slt, %select_n3A_112, %lt3A_118 : i32
        %ne3A_120 = arith.xori %lt3A_117, %lt3A_119 : i1
        %and3A_121 = arith.andi %ne3A_120, %ne3A_115 : i1
        %add3A_122 = arith.addi %rem3A_113, %select_n3A_112 : i32
        %select_n3A_123 = arith.select %and3A_121, %add3A_122, %rem3A_113 : i32
        %eq3A_124 = arith.constant 2 : i32
        %eq3A_125 = arith.cmpi eq, %select_n3A_123, %eq3A_124 : i32
        %convert_element_type3A_126 = arith.extui %eq3A_125 : i1 to i32
        %cond3A_127 = arith.constant 0 : i32
        %cond3A_128 = arith.cmpi ne, %convert_element_type3A_126, %cond3A_127 : i32
        scf.if %cond3A_128 {
          %add3A_150 = arith.addi %add3A_4, %scan3A_63 : i32
          %jit3A_151 = arith.constant 63 : i32
          %div3A = arith.divsi %add3A_150, %jit3A_151 : i32
          %sign3A = arith.constant 0 : i32
          %sign3A_152 = arith.cmpi sgt, %add3A_150, %sign3A : i32
          %sign3A_153 = arith.extui %sign3A_152 : i1 to i32
          %sign3A_154 = arith.constant 0 : i32
          %sign3A_155 = arith.cmpi slt, %add3A_150, %sign3A_154 : i32
          %sign3A_156 = arith.extui %sign3A_155 : i1 to i32
          %sign3A_157 = arith.subi %sign3A_153, %sign3A_156 : i32
          %sign3A_158 = arith.constant 0 : i32
          %sign3A_159 = arith.cmpi sgt, %jit3A_151, %sign3A_158 : i32
          %sign3A_160 = arith.extui %sign3A_159 : i1 to i32
          %sign3A_161 = arith.constant 0 : i32
          %sign3A_162 = arith.cmpi slt, %jit3A_151, %sign3A_161 : i32
          %sign3A_163 = arith.extui %sign3A_162 : i1 to i32
          %sign3A_164 = arith.subi %sign3A_160, %sign3A_163 : i32
          %ne3A_165 = arith.cmpi ne, %sign3A_157, %sign3A_164 : i32
          %rem3A_166 = arith.remsi %add3A_150, %jit3A_151 : i32
          %ne3A_167 = arith.constant 0 : i32
          %ne3A_168 = arith.cmpi ne, %rem3A_166, %ne3A_167 : i32
          %and3A_169 = arith.andi %ne3A_165, %ne3A_168 : i1
          %sub3A = arith.constant 1 : i32
          %sub3A_170 = arith.subi %div3A, %sub3A : i32
          %select_n3A_171 = arith.select %and3A_169, %sub3A_170, %div3A : i32
          %mul3A_172 = arith.constant 63 : i32
          %mul3A_173 = arith.muli %select_n3A_171, %mul3A_172 : i32
          %sub3A_174 = arith.subi %add3A_150, %mul3A_173 : i32
          %mul3A_175 = arith.constant 24 : i32
          %mul3A_176 = arith.muli %sub3A_174, %mul3A_175 : i32
          %ge3A_177 = arith.constant 4 : i32
          %ge3A_178 = arith.cmpi sge, %scan3A_63, %ge3A_177 : i32
          %convert_element_type3A_179 = arith.extui %ge3A_178 : i1 to i32
          %cond3A_180 = arith.constant 0 : i32
          %cond3A_181 = arith.cmpi ne, %convert_element_type3A_179, %cond3A_180 : i32
          scf.if %cond3A_181 {
            %sub3A_210 = arith.constant 4 : i32
            %sub3A_211 = arith.subi %add3A_150, %sub3A_210 : i32
            %jit3A_212 = arith.constant 63 : i32
            %div3A_213 = arith.divsi %sub3A_211, %jit3A_212 : i32
            %sign3A_214 = arith.constant 0 : i32
            %sign3A_215 = arith.cmpi sgt, %sub3A_211, %sign3A_214 : i32
            %sign3A_216 = arith.extui %sign3A_215 : i1 to i32
            %sign3A_217 = arith.constant 0 : i32
            %sign3A_218 = arith.cmpi slt, %sub3A_211, %sign3A_217 : i32
            %sign3A_219 = arith.extui %sign3A_218 : i1 to i32
            %sign3A_220 = arith.subi %sign3A_216, %sign3A_219 : i32
            %sign3A_221 = arith.constant 0 : i32
            %sign3A_222 = arith.cmpi sgt, %jit3A_212, %sign3A_221 : i32
            %sign3A_223 = arith.extui %sign3A_222 : i1 to i32
            %sign3A_224 = arith.constant 0 : i32
            %sign3A_225 = arith.cmpi slt, %jit3A_212, %sign3A_224 : i32
            %sign3A_226 = arith.extui %sign3A_225 : i1 to i32
            %sign3A_227 = arith.subi %sign3A_223, %sign3A_226 : i32
            %ne3A_228 = arith.cmpi ne, %sign3A_220, %sign3A_227 : i32
            %rem3A_229 = arith.remsi %sub3A_211, %jit3A_212 : i32
            %ne3A_230 = arith.constant 0 : i32
            %ne3A_231 = arith.cmpi ne, %rem3A_229, %ne3A_230 : i32
            %and3A_232 = arith.andi %ne3A_228, %ne3A_231 : i1
            %sub3A_233 = arith.constant 1 : i32
            %sub3A_234 = arith.subi %div3A_213, %sub3A_233 : i32
            %select_n3A_235 = arith.select %and3A_232, %sub3A_234, %div3A_213 : i32
            %mul3A_236 = arith.constant 63 : i32
            %mul3A_237 = arith.muli %select_n3A_235, %mul3A_236 : i32
            %sub3A_238 = arith.subi %sub3A_211, %mul3A_237 : i32
            %mul3A_239 = arith.constant 24 : i32
            %mul3A_240 = arith.muli %sub3A_238, %mul3A_239 : i32
            %dma_wait3A = arith.constant 0 : i32
            %dma_wait3A_241 = tpu.memref_slice %arg3[%select_n3A_235, %mul3A_240, %dma_wait3A] : memref<50x1512x1024xf32, #tpu.memory_space<hbm>> -> memref<1x24x1024xf32, #tpu.memory_space<hbm>>
            %dma_wait3A_242 = tpu.memref_squeeze %dma_wait3A_241 : memref<1x24x1024xf32, #tpu.memory_space<hbm>> -> memref<24x1024xf32, #tpu.memory_space<hbm>>
            %dma_wait3A_243 = arith.constant 0 : i32
            %dma_wait3A_244 = tpu.memref_slice %arg3[%select_n3A_235, %mul3A_240, %dma_wait3A_243] : memref<50x1512x1024xf32, #tpu.memory_space<hbm>> -> memref<1x24x1024xf32, #tpu.memory_space<hbm>>
            %dma_wait3A_245 = tpu.memref_squeeze %dma_wait3A_244 : memref<1x24x1024xf32, #tpu.memory_space<hbm>> -> memref<24x1024xf32, #tpu.memory_space<hbm>>
            tpu.wait_dma2 semaphore(%arg14 : memref<!tpu.dma_semaphore, #tpu.memory_space<semaphore_mem>>) src(%arg10 : memref<24x1024xf32, #tpu.memory_space<vmem>>) dst(%dma_wait3A_245 : memref<24x1024xf32, #tpu.memory_space<hbm>>)
            %scan3A_246 = arith.constant 0 : i32
            %scan3A_247 = arith.constant 0 : i32
            %scan3A_248 = arith.constant 64 : i32
            %scan3A_249 = arith.addi %scan3A_247, %scan3A_248 : i32
            %scan3A_250 = arith.constant 1 : i32
            %scan3A_251 = scf.for %scan3A_268 = %scan3A_247 to %scan3A_249 step %scan3A_250 iter_args(%scan3A_269 = %scan3A_246) -> (i32)  : i32 {
              %mul3A_270 = arith.constant 16 : i32
              %mul3A_271 = arith.muli %scan3A_268, %mul3A_270 : i32
              %get3A = arith.index_cast %mul3A_271 : i32 to index
              %get3A_272 = tpu.vector_load %arg6[%get3A] {strides = array<i32>} : memref<1024xi32, #tpu.memory_space<vmem>>, vector<16xi32>,
              %ge3A_273 = vector.broadcast %mul3A_240 : i32 to vector<16xi32>
              %ge3A_274 = arith.cmpi sge, %get3A_272, %ge3A_273 : vector<16xi32>
              %add3A_275 = arith.constant 24 : i32
              %add3A_276 = arith.addi %mul3A_240, %add3A_275 : i32
              %lt3A_277 = vector.broadcast %add3A_276 : i32 to vector<16xi32>
              %lt3A_278 = arith.cmpi slt, %get3A_272, %lt3A_277 : vector<16xi32>
              %and3A_279 = arith.andi %ge3A_274, %lt3A_278 : vector<16xi1>
              %iota3A = tpu.iota {dimensions = array<i32: 0>} : vector<16xi32>
              %mul3A_280 = arith.constant 16 : i32
              %mul3A_281 = arith.muli %scan3A_268, %mul3A_280 : i32
              %add3A_282 = vector.broadcast %mul3A_281 : i32 to vector<16xi32>
              %add3A_283 = arith.addi %iota3A, %add3A_282 : vector<16xi32>
              %sub3A_284 = vector.broadcast %mul3A_240 : i32 to vector<16xi32>
              %sub3A_285 = arith.subi %get3A_272, %sub3A_284 : vector<16xi32>
              %jit3A_286 = arith.constant 0 : i32
              %broadcast_in_dim3A_287 = vector.broadcast %jit3A_286 : i32 to vector<16xi32>
              %select_n3A_288 = arith.select %and3A_279, %sub3A_285, %broadcast_in_dim3A_287 : vector<16xi1>, vector<16xi32>
              tpu.vector_store_idx %arg10[%select_n3A_288, %add3A_283], %broadcast_in_dim3A_11 masked %and3A_279 : memref<24x1024xf32, #tpu.memory_space<vmem>>[vector<16xi32>, vector<16xi32>], vector<16xf32>, vector<16xi1>
              %scan3A_289 = arith.constant 0 : i32
              scf.yield %scan3A_289 : i32
            }
            %scan3A_252 = arith.constant 64 : i32
            %add3A_253 = arith.constant 1000 : i32
            %add3A_254 = arith.addi %add3A_253, %select_n3A_235 : i32
            %sub3A_255 = arith.subi %add3A_254, %mul3A_240 : i32
            %ge3A_256 = arith.constant 0 : i32
            %ge3A_257 = arith.cmpi sge, %sub3A_255, %ge3A_256 : i32
            %lt3A_258 = arith.constant 24 : i32
            %lt3A_259 = arith.cmpi slt, %sub3A_255, %lt3A_258 : i32
            %and3A_260 = arith.andi %ge3A_257, %lt3A_259 : i1
            %convert_element_type3A_261 = arith.extui %and3A_260 : i1 to i32
            %cond3A_262 = arith.constant 0 : i32
            %cond3A_263 = arith.cmpi ne, %convert_element_type3A_261, %cond3A_262 : i32
            scf.if %cond3A_263 {
              %scan3A_268 = arith.constant 0 : i32
              %scan3A_269 = arith.constant 0 : i32
              %scan3A_270 = arith.constant 64 : i32
              %scan3A_271 = arith.addi %scan3A_269, %scan3A_270 : i32
              %scan3A_272 = arith.constant 1 : i32
              %scan3A_273 = scf.for %scan3A_275 = %scan3A_269 to %scan3A_271 step %scan3A_272 iter_args(%scan3A_276 = %scan3A_268) -> (i32)  : i32 {
                %mul3A_277 = arith.constant 16 : i32
                %mul3A_278 = arith.muli %scan3A_275, %mul3A_277 : i32
                %swap3A = arith.index_cast %sub3A_255 : i32 to index
                %swap3A_279 = arith.index_cast %mul3A_278 : i32 to index
                %swap3A_280 = tpu.vector_load %arg10[%swap3A, %swap3A_279] {strides = array<i32>} : memref<24x1024xf32, #tpu.memory_space<vmem>>, vector<16xf32>,
                tpu.vector_store %arg10[%swap3A, %swap3A_279], %broadcast_in_dim3A_11 {strides = array<i32>} : memref<24x1024xf32, #tpu.memory_space<vmem>>, vector<16xf32>,
                %scan3A_281 = arith.constant 0 : i32
                scf.yield %scan3A_281 : i32
              }
              %scan3A_274 = arith.constant 64 : i32
            } else {
            }
            %ne3A_264 = arith.cmpi ne, %select_n3A_235, %select_n3A_171 : i32
            %convert_element_type3A_265 = arith.extui %ne3A_264 : i1 to i32
            %cond3A_266 = arith.constant 0 : i32
            %cond3A_267 = arith.cmpi ne, %convert_element_type3A_265, %cond3A_266 : i32
            scf.if %cond3A_267 {
              "tpu.region"() ({
                %run_scoped3A = tpu.sem_alloc : memref<!tpu.dma_semaphore, #tpu.memory_space<semaphore_mem>>
                %dma_start3A_268 = arith.constant 0 : i32
                %dma_start3A_269 = tpu.memref_slice %arg2[%select_n3A_171, %dma_start3A_268] : memref<50x1024xi32, #tpu.memory_space<hbm>> -> memref<1x1024xi32, #tpu.memory_space<hbm>>
                %dma_start3A_270 = tpu.memref_squeeze %dma_start3A_269 : memref<1x1024xi32, #tpu.memory_space<hbm>> -> memref<1024xi32, #tpu.memory_space<hbm>>
                %dma_start3A_271 = arith.constant 0 : i32
                %dma_start3A_272 = tpu.memref_slice %arg2[%select_n3A_171, %dma_start3A_271] : memref<50x1024xi32, #tpu.memory_space<hbm>> -> memref<1x1024xi32, #tpu.memory_space<hbm>>
                %dma_start3A_273 = tpu.memref_squeeze %dma_start3A_272 : memref<1x1024xi32, #tpu.memory_space<hbm>> -> memref<1024xi32, #tpu.memory_space<hbm>>
                tpu.enqueue_dma source(%dma_start3A_273 : memref<1024xi32, #tpu.memory_space<hbm>>) target(%arg6 : memref<1024xi32, #tpu.memory_space<vmem>>) target_semaphore(%run_scoped3A : memref<!tpu.dma_semaphore, #tpu.memory_space<semaphore_mem>>)
                %dma_wait3A_274 = arith.constant 0 : i32
                %dma_wait3A_275 = tpu.memref_slice %arg2[%select_n3A_171, %dma_wait3A_274] : memref<50x1024xi32, #tpu.memory_space<hbm>> -> memref<1x1024xi32, #tpu.memory_space<hbm>>
                %dma_wait3A_276 = tpu.memref_squeeze %dma_wait3A_275 : memref<1x1024xi32, #tpu.memory_space<hbm>> -> memref<1024xi32, #tpu.memory_space<hbm>>
                %dma_wait3A_277 = arith.constant 0 : i32
                %dma_wait3A_278 = tpu.memref_slice %arg2[%select_n3A_171, %dma_wait3A_277] : memref<50x1024xi32, #tpu.memory_space<hbm>> -> memref<1x1024xi32, #tpu.memory_space<hbm>>
                %dma_wait3A_279 = tpu.memref_squeeze %dma_wait3A_278 : memref<1x1024xi32, #tpu.memory_space<hbm>> -> memref<1024xi32, #tpu.memory_space<hbm>>
                tpu.wait_dma2 semaphore(%run_scoped3A : memref<!tpu.dma_semaphore, #tpu.memory_space<semaphore_mem>>) src(%dma_wait3A_279 : memref<1024xi32, #tpu.memory_space<hbm>>) dst(%arg6 : memref<1024xi32, #tpu.memory_space<vmem>>)
                tpu.yield
              }) : () -> ()
            } else {
            }
          } else {
          }
          %lt3A_182 = arith.constant 4 : i32
          %lt3A_183 = arith.cmpi slt, %scan3A_63, %lt3A_182 : i32
          %convert_element_type3A_184 = arith.extui %lt3A_183 : i1 to i32
          %cond3A_185 = arith.constant 0 : i32
          %cond3A_186 = arith.cmpi ne, %convert_element_type3A_184, %cond3A_185 : i32
          scf.if %cond3A_186 {
            "tpu.region"() ({
              %run_scoped3A = tpu.sem_alloc : memref<!tpu.dma_semaphore, #tpu.memory_space<semaphore_mem>>
              %dma_start3A_210 = arith.constant 0 : i32
              %dma_start3A_211 = tpu.memref_slice %arg2[%select_n3A_171, %dma_start3A_210] : memref<50x1024xi32, #tpu.memory_space<hbm>> -> memref<1x1024xi32, #tpu.memory_space<hbm>>
              %dma_start3A_212 = tpu.memref_squeeze %dma_start3A_211 : memref<1x1024xi32, #tpu.memory_space<hbm>> -> memref<1024xi32, #tpu.memory_space<hbm>>
              %dma_start3A_213 = arith.constant 0 : i32
              %dma_start3A_214 = tpu.memref_slice %arg2[%select_n3A_171, %dma_start3A_213] : memref<50x1024xi32, #tpu.memory_space<hbm>> -> memref<1x1024xi32, #tpu.memory_space<hbm>>
              %dma_start3A_215 = tpu.memref_squeeze %dma_start3A_214 : memref<1x1024xi32, #tpu.memory_space<hbm>> -> memref<1024xi32, #tpu.memory_space<hbm>>
              tpu.enqueue_dma source(%dma_start3A_215 : memref<1024xi32, #tpu.memory_space<hbm>>) target(%arg6 : memref<1024xi32, #tpu.memory_space<vmem>>) target_semaphore(%run_scoped3A : memref<!tpu.dma_semaphore, #tpu.memory_space<semaphore_mem>>)
              %dma_wait3A = arith.constant 0 : i32
              %dma_wait3A_216 = tpu.memref_slice %arg2[%select_n3A_171, %dma_wait3A] : memref<50x1024xi32, #tpu.memory_space<hbm>> -> memref<1x1024xi32, #tpu.memory_space<hbm>>
              %dma_wait3A_217 = tpu.memref_squeeze %dma_wait3A_216 : memref<1x1024xi32, #tpu.memory_space<hbm>> -> memref<1024xi32, #tpu.memory_space<hbm>>
              %dma_wait3A_218 = arith.constant 0 : i32
              %dma_wait3A_219 = tpu.memref_slice %arg2[%select_n3A_171, %dma_wait3A_218] : memref<50x1024xi32, #tpu.memory_space<hbm>> -> memref<1x1024xi32, #tpu.memory_space<hbm>>
              %dma_wait3A_220 = tpu.memref_squeeze %dma_wait3A_219 : memref<1x1024xi32, #tpu.memory_space<hbm>> -> memref<1024xi32, #tpu.memory_space<hbm>>
              tpu.wait_dma2 semaphore(%run_scoped3A : memref<!tpu.dma_semaphore, #tpu.memory_space<semaphore_mem>>) src(%dma_wait3A_220 : memref<1024xi32, #tpu.memory_space<hbm>>) dst(%arg6 : memref<1024xi32, #tpu.memory_space<vmem>>)
              tpu.yield
            }) : () -> ()
          } else {
          }
          %scan3A_187 = arith.constant 0 : i32
          %scan3A_188 = arith.constant 0 : i32
          %scan3A_189 = arith.constant 64 : i32
          %scan3A_190 = arith.addi %scan3A_188, %scan3A_189 : i32
          %scan3A_191 = arith.constant 1 : i32
          %scan3A_192 = scf.for %scan3A_210 = %scan3A_188 to %scan3A_190 step %scan3A_191 iter_args(%scan3A_211 = %scan3A_187) -> (i32)  : i32 {
            %mul3A_212 = arith.constant 16 : i32
            %mul3A_213 = arith.muli %scan3A_210, %mul3A_212 : i32
            %get3A = arith.index_cast %mul3A_213 : i32 to index
            %get3A_214 = tpu.vector_load %arg6[%get3A] {strides = array<i32>} : memref<1024xi32, #tpu.memory_space<vmem>>, vector<16xi32>,
            %ge3A_215 = vector.broadcast %mul3A_176 : i32 to vector<16xi32>
            %ge3A_216 = arith.cmpi sge, %get3A_214, %ge3A_215 : vector<16xi32>
            %add3A_217 = arith.constant 24 : i32
            %add3A_218 = arith.addi %mul3A_176, %add3A_217 : i32
            %lt3A_219 = vector.broadcast %add3A_218 : i32 to vector<16xi32>
            %lt3A_220 = arith.cmpi slt, %get3A_214, %lt3A_219 : vector<16xi32>
            %and3A_221 = arith.andi %ge3A_216, %lt3A_220 : vector<16xi1>
            %iota3A = tpu.iota {dimensions = array<i32: 0>} : vector<16xi32>
            %mul3A_222 = arith.constant 16 : i32
            %mul3A_223 = arith.muli %scan3A_210, %mul3A_222 : i32
            %add3A_224 = vector.broadcast %mul3A_223 : i32 to vector<16xi32>
            %add3A_225 = arith.addi %iota3A, %add3A_224 : vector<16xi32>
            %sub3A_226 = vector.broadcast %mul3A_176 : i32 to vector<16xi32>
            %sub3A_227 = arith.subi %get3A_214, %sub3A_226 : vector<16xi32>
            %jit3A_228 = arith.constant 0 : i32
            %broadcast_in_dim3A_229 = vector.broadcast %jit3A_228 : i32 to vector<16xi32>
            %select_n3A_230 = arith.select %and3A_221, %sub3A_227, %broadcast_in_dim3A_229 : vector<16xi1>, vector<16xi32>
            tpu.vector_store_idx %arg10[%select_n3A_230, %add3A_225], %broadcast_in_dim3A_9 masked %and3A_221 : memref<24x1024xf32, #tpu.memory_space<vmem>>[vector<16xi32>, vector<16xi32>], vector<16xf32>, vector<16xi1>
            %scan3A_231 = arith.constant 0 : i32
            scf.yield %scan3A_231 : i32
          }
          %scan3A_193 = arith.constant 64 : i32
          %add3A_194 = arith.constant 1000 : i32
          %add3A_195 = arith.addi %add3A_194, %select_n3A_171 : i32
          %sub3A_196 = arith.subi %add3A_195, %mul3A_176 : i32
          %ge3A_197 = arith.constant 0 : i32
          %ge3A_198 = arith.cmpi sge, %sub3A_196, %ge3A_197 : i32
          %lt3A_199 = arith.constant 24 : i32
          %lt3A_200 = arith.cmpi slt, %sub3A_196, %lt3A_199 : i32
          %and3A_201 = arith.andi %ge3A_198, %lt3A_200 : i1
          %convert_element_type3A_202 = arith.extui %and3A_201 : i1 to i32
          %cond3A_203 = arith.constant 0 : i32
          %cond3A_204 = arith.cmpi ne, %convert_element_type3A_202, %cond3A_203 : i32
          scf.if %cond3A_204 {
            %scan3A_210 = arith.constant 0 : i32
            %scan3A_211 = arith.constant 0 : i32
            %scan3A_212 = arith.constant 64 : i32
            %scan3A_213 = arith.addi %scan3A_211, %scan3A_212 : i32
            %scan3A_214 = arith.constant 1 : i32
            %scan3A_215 = scf.for %scan3A_217 = %scan3A_211 to %scan3A_213 step %scan3A_214 iter_args(%scan3A_218 = %scan3A_210) -> (i32)  : i32 {
              %mul3A_219 = arith.constant 16 : i32
              %mul3A_220 = arith.muli %scan3A_217, %mul3A_219 : i32
              %swap3A = arith.index_cast %sub3A_196 : i32 to index
              %swap3A_221 = arith.index_cast %mul3A_220 : i32 to index
              %swap3A_222 = tpu.vector_load %arg10[%swap3A, %swap3A_221] {strides = array<i32>} : memref<24x1024xf32, #tpu.memory_space<vmem>>, vector<16xf32>,
              tpu.vector_store %arg10[%swap3A, %swap3A_221], %broadcast_in_dim3A_9 {strides = array<i32>} : memref<24x1024xf32, #tpu.memory_space<vmem>>, vector<16xf32>,
              %scan3A_223 = arith.constant 0 : i32
              scf.yield %scan3A_223 : i32
            }
            %scan3A_216 = arith.constant 64 : i32
          } else {
          }
          %dma_start3A = arith.constant 0 : i32
          %dma_start3A_205 = tpu.memref_slice %arg3[%select_n3A_171, %mul3A_176, %dma_start3A] : memref<50x1512x1024xf32, #tpu.memory_space<hbm>> -> memref<1x24x1024xf32, #tpu.memory_space<hbm>>
          %dma_start3A_206 = tpu.memref_squeeze %dma_start3A_205 : memref<1x24x1024xf32, #tpu.memory_space<hbm>> -> memref<24x1024xf32, #tpu.memory_space<hbm>>
          %dma_start3A_207 = arith.constant 0 : i32
          %dma_start3A_208 = tpu.memref_slice %arg3[%select_n3A_171, %mul3A_176, %dma_start3A_207] : memref<50x1512x1024xf32, #tpu.memory_space<hbm>> -> memref<1x24x1024xf32, #tpu.memory_space<hbm>>
          %dma_start3A_209 = tpu.memref_squeeze %dma_start3A_208 : memref<1x24x1024xf32, #tpu.memory_space<hbm>> -> memref<24x1024xf32, #tpu.memory_space<hbm>>
          tpu.enqueue_dma source(%arg10 : memref<24x1024xf32, #tpu.memory_space<vmem>>) target(%dma_start3A_209 : memref<24x1024xf32, #tpu.memory_space<hbm>>) target_semaphore(%arg14 : memref<!tpu.dma_semaphore, #tpu.memory_space<semaphore_mem>>)
        } else {
        }
        %jit3A_129 = arith.constant 4 : i32
        %eq3A_130 = arith.constant 0 : i32
        %eq3A_131 = arith.cmpi eq, %jit3A_129, %eq3A_130 : i32
        %jit3A_132 = arith.constant 1 : i32
        %select_n3A_133 = arith.select %eq3A_131, %jit3A_132, %jit3A_129 : i32
        %rem3A_134 = arith.remsi %scan3A_63, %select_n3A_133 : i32
        %ne3A_135 = arith.constant 0 : i32
        %ne3A_136 = arith.cmpi ne, %rem3A_134, %ne3A_135 : i32
        %lt3A_137 = arith.constant 0 : i32
        %lt3A_138 = arith.cmpi slt, %rem3A_134, %lt3A_137 : i32
        %lt3A_139 = arith.constant 0 : i32
        %lt3A_140 = arith.cmpi slt, %select_n3A_133, %lt3A_139 : i32
        %ne3A_141 = arith.xori %lt3A_138, %lt3A_140 : i1
        %and3A_142 = arith.andi %ne3A_141, %ne3A_136 : i1
        %add3A_143 = arith.addi %rem3A_134, %select_n3A_133 : i32
        %select_n3A_144 = arith.select %and3A_142, %add3A_143, %rem3A_134 : i32
        %eq3A_145 = arith.constant 3 : i32
        %eq3A_146 = arith.cmpi eq, %select_n3A_144, %eq3A_145 : i32
        %convert_element_type3A_147 = arith.extui %eq3A_146 : i1 to i32
        %cond3A_148 = arith.constant 0 : i32
        %cond3A_149 = arith.cmpi ne, %convert_element_type3A_147, %cond3A_148 : i32
        scf.if %cond3A_149 {
          %add3A_150 = arith.addi %add3A_4, %scan3A_63 : i32
          %jit3A_151 = arith.constant 63 : i32
          %div3A = arith.divsi %add3A_150, %jit3A_151 : i32
          %sign3A = arith.constant 0 : i32
          %sign3A_152 = arith.cmpi sgt, %add3A_150, %sign3A : i32
          %sign3A_153 = arith.extui %sign3A_152 : i1 to i32
          %sign3A_154 = arith.constant 0 : i32
          %sign3A_155 = arith.cmpi slt, %add3A_150, %sign3A_154 : i32
          %sign3A_156 = arith.extui %sign3A_155 : i1 to i32
          %sign3A_157 = arith.subi %sign3A_153, %sign3A_156 : i32
          %sign3A_158 = arith.constant 0 : i32
          %sign3A_159 = arith.cmpi sgt, %jit3A_151, %sign3A_158 : i32
          %sign3A_160 = arith.extui %sign3A_159 : i1 to i32
          %sign3A_161 = arith.constant 0 : i32
          %sign3A_162 = arith.cmpi slt, %jit3A_151, %sign3A_161 : i32
          %sign3A_163 = arith.extui %sign3A_162 : i1 to i32
          %sign3A_164 = arith.subi %sign3A_160, %sign3A_163 : i32
          %ne3A_165 = arith.cmpi ne, %sign3A_157, %sign3A_164 : i32
          %rem3A_166 = arith.remsi %add3A_150, %jit3A_151 : i32
          %ne3A_167 = arith.constant 0 : i32
          %ne3A_168 = arith.cmpi ne, %rem3A_166, %ne3A_167 : i32
          %and3A_169 = arith.andi %ne3A_165, %ne3A_168 : i1
          %sub3A = arith.constant 1 : i32
          %sub3A_170 = arith.subi %div3A, %sub3A : i32
          %select_n3A_171 = arith.select %and3A_169, %sub3A_170, %div3A : i32
          %mul3A_172 = arith.constant 63 : i32
          %mul3A_173 = arith.muli %select_n3A_171, %mul3A_172 : i32
          %sub3A_174 = arith.subi %add3A_150, %mul3A_173 : i32
          %mul3A_175 = arith.constant 24 : i32
          %mul3A_176 = arith.muli %sub3A_174, %mul3A_175 : i32
          %ge3A_177 = arith.constant 4 : i32
          %ge3A_178 = arith.cmpi sge, %scan3A_63, %ge3A_177 : i32
          %convert_element_type3A_179 = arith.extui %ge3A_178 : i1 to i32
          %cond3A_180 = arith.constant 0 : i32
          %cond3A_181 = arith.cmpi ne, %convert_element_type3A_179, %cond3A_180 : i32
          scf.if %cond3A_181 {
            %sub3A_210 = arith.constant 4 : i32
            %sub3A_211 = arith.subi %add3A_150, %sub3A_210 : i32
            %jit3A_212 = arith.constant 63 : i32
            %div3A_213 = arith.divsi %sub3A_211, %jit3A_212 : i32
            %sign3A_214 = arith.constant 0 : i32
            %sign3A_215 = arith.cmpi sgt, %sub3A_211, %sign3A_214 : i32
            %sign3A_216 = arith.extui %sign3A_215 : i1 to i32
            %sign3A_217 = arith.constant 0 : i32
            %sign3A_218 = arith.cmpi slt, %sub3A_211, %sign3A_217 : i32
            %sign3A_219 = arith.extui %sign3A_218 : i1 to i32
            %sign3A_220 = arith.subi %sign3A_216, %sign3A_219 : i32
            %sign3A_221 = arith.constant 0 : i32
            %sign3A_222 = arith.cmpi sgt, %jit3A_212, %sign3A_221 : i32
            %sign3A_223 = arith.extui %sign3A_222 : i1 to i32
            %sign3A_224 = arith.constant 0 : i32
            %sign3A_225 = arith.cmpi slt, %jit3A_212, %sign3A_224 : i32
            %sign3A_226 = arith.extui %sign3A_225 : i1 to i32
            %sign3A_227 = arith.subi %sign3A_223, %sign3A_226 : i32
            %ne3A_228 = arith.cmpi ne, %sign3A_220, %sign3A_227 : i32
            %rem3A_229 = arith.remsi %sub3A_211, %jit3A_212 : i32
            %ne3A_230 = arith.constant 0 : i32
            %ne3A_231 = arith.cmpi ne, %rem3A_229, %ne3A_230 : i32
            %and3A_232 = arith.andi %ne3A_228, %ne3A_231 : i1
            %sub3A_233 = arith.constant 1 : i32
            %sub3A_234 = arith.subi %div3A_213, %sub3A_233 : i32
            %select_n3A_235 = arith.select %and3A_232, %sub3A_234, %div3A_213 : i32
            %mul3A_236 = arith.constant 63 : i32
            %mul3A_237 = arith.muli %select_n3A_235, %mul3A_236 : i32
            %sub3A_238 = arith.subi %sub3A_211, %mul3A_237 : i32
            %mul3A_239 = arith.constant 24 : i32
            %mul3A_240 = arith.muli %sub3A_238, %mul3A_239 : i32
            %dma_wait3A = arith.constant 0 : i32
            %dma_wait3A_241 = tpu.memref_slice %arg3[%select_n3A_235, %mul3A_240, %dma_wait3A] : memref<50x1512x1024xf32, #tpu.memory_space<hbm>> -> memref<1x24x1024xf32, #tpu.memory_space<hbm>>
            %dma_wait3A_242 = tpu.memref_squeeze %dma_wait3A_241 : memref<1x24x1024xf32, #tpu.memory_space<hbm>> -> memref<24x1024xf32, #tpu.memory_space<hbm>>
            %dma_wait3A_243 = arith.constant 0 : i32
            %dma_wait3A_244 = tpu.memref_slice %arg3[%select_n3A_235, %mul3A_240, %dma_wait3A_243] : memref<50x1512x1024xf32, #tpu.memory_space<hbm>> -> memref<1x24x1024xf32, #tpu.memory_space<hbm>>
            %dma_wait3A_245 = tpu.memref_squeeze %dma_wait3A_244 : memref<1x24x1024xf32, #tpu.memory_space<hbm>> -> memref<24x1024xf32, #tpu.memory_space<hbm>>
            tpu.wait_dma2 semaphore(%arg15 : memref<!tpu.dma_semaphore, #tpu.memory_space<semaphore_mem>>) src(%arg11 : memref<24x1024xf32, #tpu.memory_space<vmem>>) dst(%dma_wait3A_245 : memref<24x1024xf32, #tpu.memory_space<hbm>>)
            %scan3A_246 = arith.constant 0 : i32
            %scan3A_247 = arith.constant 0 : i32
            %scan3A_248 = arith.constant 64 : i32
            %scan3A_249 = arith.addi %scan3A_247, %scan3A_248 : i32
            %scan3A_250 = arith.constant 1 : i32
            %scan3A_251 = scf.for %scan3A_268 = %scan3A_247 to %scan3A_249 step %scan3A_250 iter_args(%scan3A_269 = %scan3A_246) -> (i32)  : i32 {
              %mul3A_270 = arith.constant 16 : i32
              %mul3A_271 = arith.muli %scan3A_268, %mul3A_270 : i32
              %get3A = arith.index_cast %mul3A_271 : i32 to index
              %get3A_272 = tpu.vector_load %arg7[%get3A] {strides = array<i32>} : memref<1024xi32, #tpu.memory_space<vmem>>, vector<16xi32>,
              %ge3A_273 = vector.broadcast %mul3A_240 : i32 to vector<16xi32>
              %ge3A_274 = arith.cmpi sge, %get3A_272, %ge3A_273 : vector<16xi32>
              %add3A_275 = arith.constant 24 : i32
              %add3A_276 = arith.addi %mul3A_240, %add3A_275 : i32
              %lt3A_277 = vector.broadcast %add3A_276 : i32 to vector<16xi32>
              %lt3A_278 = arith.cmpi slt, %get3A_272, %lt3A_277 : vector<16xi32>
              %and3A_279 = arith.andi %ge3A_274, %lt3A_278 : vector<16xi1>
              %iota3A = tpu.iota {dimensions = array<i32: 0>} : vector<16xi32>
              %mul3A_280 = arith.constant 16 : i32
              %mul3A_281 = arith.muli %scan3A_268, %mul3A_280 : i32
              %add3A_282 = vector.broadcast %mul3A_281 : i32 to vector<16xi32>
              %add3A_283 = arith.addi %iota3A, %add3A_282 : vector<16xi32>
              %sub3A_284 = vector.broadcast %mul3A_240 : i32 to vector<16xi32>
              %sub3A_285 = arith.subi %get3A_272, %sub3A_284 : vector<16xi32>
              %jit3A_286 = arith.constant 0 : i32
              %broadcast_in_dim3A_287 = vector.broadcast %jit3A_286 : i32 to vector<16xi32>
              %select_n3A_288 = arith.select %and3A_279, %sub3A_285, %broadcast_in_dim3A_287 : vector<16xi1>, vector<16xi32>
              tpu.vector_store_idx %arg11[%select_n3A_288, %add3A_283], %broadcast_in_dim3A_11 masked %and3A_279 : memref<24x1024xf32, #tpu.memory_space<vmem>>[vector<16xi32>, vector<16xi32>], vector<16xf32>, vector<16xi1>
              %scan3A_289 = arith.constant 0 : i32
              scf.yield %scan3A_289 : i32
            }
            %scan3A_252 = arith.constant 64 : i32
            %add3A_253 = arith.constant 1000 : i32
            %add3A_254 = arith.addi %add3A_253, %select_n3A_235 : i32
            %sub3A_255 = arith.subi %add3A_254, %mul3A_240 : i32
            %ge3A_256 = arith.constant 0 : i32
            %ge3A_257 = arith.cmpi sge, %sub3A_255, %ge3A_256 : i32
            %lt3A_258 = arith.constant 24 : i32
            %lt3A_259 = arith.cmpi slt, %sub3A_255, %lt3A_258 : i32
            %and3A_260 = arith.andi %ge3A_257, %lt3A_259 : i1
            %convert_element_type3A_261 = arith.extui %and3A_260 : i1 to i32
            %cond3A_262 = arith.constant 0 : i32
            %cond3A_263 = arith.cmpi ne, %convert_element_type3A_261, %cond3A_262 : i32
            scf.if %cond3A_263 {
              %scan3A_268 = arith.constant 0 : i32
              %scan3A_269 = arith.constant 0 : i32
              %scan3A_270 = arith.constant 64 : i32
              %scan3A_271 = arith.addi %scan3A_269, %scan3A_270 : i32
              %scan3A_272 = arith.constant 1 : i32
              %scan3A_273 = scf.for %scan3A_275 = %scan3A_269 to %scan3A_271 step %scan3A_272 iter_args(%scan3A_276 = %scan3A_268) -> (i32)  : i32 {
                %mul3A_277 = arith.constant 16 : i32
                %mul3A_278 = arith.muli %scan3A_275, %mul3A_277 : i32
                %swap3A = arith.index_cast %sub3A_255 : i32 to index
                %swap3A_279 = arith.index_cast %mul3A_278 : i32 to index
                %swap3A_280 = tpu.vector_load %arg11[%swap3A, %swap3A_279] {strides = array<i32>} : memref<24x1024xf32, #tpu.memory_space<vmem>>, vector<16xf32>,
                tpu.vector_store %arg11[%swap3A, %swap3A_279], %broadcast_in_dim3A_11 {strides = array<i32>} : memref<24x1024xf32, #tpu.memory_space<vmem>>, vector<16xf32>,
                %scan3A_281 = arith.constant 0 : i32
                scf.yield %scan3A_281 : i32
              }
              %scan3A_274 = arith.constant 64 : i32
            } else {
            }
            %ne3A_264 = arith.cmpi ne, %select_n3A_235, %select_n3A_171 : i32
            %convert_element_type3A_265 = arith.extui %ne3A_264 : i1 to i32
            %cond3A_266 = arith.constant 0 : i32
            %cond3A_267 = arith.cmpi ne, %convert_element_type3A_265, %cond3A_266 : i32
            scf.if %cond3A_267 {
              "tpu.region"() ({
                %run_scoped3A = tpu.sem_alloc : memref<!tpu.dma_semaphore, #tpu.memory_space<semaphore_mem>>
                %dma_start3A_268 = arith.constant 0 : i32
                %dma_start3A_269 = tpu.memref_slice %arg2[%select_n3A_171, %dma_start3A_268] : memref<50x1024xi32, #tpu.memory_space<hbm>> -> memref<1x1024xi32, #tpu.memory_space<hbm>>
                %dma_start3A_270 = tpu.memref_squeeze %dma_start3A_269 : memref<1x1024xi32, #tpu.memory_space<hbm>> -> memref<1024xi32, #tpu.memory_space<hbm>>
                %dma_start3A_271 = arith.constant 0 : i32
                %dma_start3A_272 = tpu.memref_slice %arg2[%select_n3A_171, %dma_start3A_271] : memref<50x1024xi32, #tpu.memory_space<hbm>> -> memref<1x1024xi32, #tpu.memory_space<hbm>>
                %dma_start3A_273 = tpu.memref_squeeze %dma_start3A_272 : memref<1x1024xi32, #tpu.memory_space<hbm>> -> memref<1024xi32, #tpu.memory_space<hbm>>
                tpu.enqueue_dma source(%dma_start3A_273 : memref<1024xi32, #tpu.memory_space<hbm>>) target(%arg7 : memref<1024xi32, #tpu.memory_space<vmem>>) target_semaphore(%run_scoped3A : memref<!tpu.dma_semaphore, #tpu.memory_space<semaphore_mem>>)
                %dma_wait3A_274 = arith.constant 0 : i32
                %dma_wait3A_275 = tpu.memref_slice %arg2[%select_n3A_171, %dma_wait3A_274] : memref<50x1024xi32, #tpu.memory_space<hbm>> -> memref<1x1024xi32, #tpu.memory_space<hbm>>
                %dma_wait3A_276 = tpu.memref_squeeze %dma_wait3A_275 : memref<1x1024xi32, #tpu.memory_space<hbm>> -> memref<1024xi32, #tpu.memory_space<hbm>>
                %dma_wait3A_277 = arith.constant 0 : i32
                %dma_wait3A_278 = tpu.memref_slice %arg2[%select_n3A_171, %dma_wait3A_277] : memref<50x1024xi32, #tpu.memory_space<hbm>> -> memref<1x1024xi32, #tpu.memory_space<hbm>>
                %dma_wait3A_279 = tpu.memref_squeeze %dma_wait3A_278 : memref<1x1024xi32, #tpu.memory_space<hbm>> -> memref<1024xi32, #tpu.memory_space<hbm>>
                tpu.wait_dma2 semaphore(%run_scoped3A : memref<!tpu.dma_semaphore, #tpu.memory_space<semaphore_mem>>) src(%dma_wait3A_279 : memref<1024xi32, #tpu.memory_space<hbm>>) dst(%arg7 : memref<1024xi32, #tpu.memory_space<vmem>>)
                tpu.yield
              }) : () -> ()
            } else {
            }
          } else {
          }
          %lt3A_182 = arith.constant 4 : i32
          %lt3A_183 = arith.cmpi slt, %scan3A_63, %lt3A_182 : i32
          %convert_element_type3A_184 = arith.extui %lt3A_183 : i1 to i32
          %cond3A_185 = arith.constant 0 : i32
          %cond3A_186 = arith.cmpi ne, %convert_element_type3A_184, %cond3A_185 : i32
          scf.if %cond3A_186 {
            "tpu.region"() ({
              %run_scoped3A = tpu.sem_alloc : memref<!tpu.dma_semaphore, #tpu.memory_space<semaphore_mem>>
              %dma_start3A_210 = arith.constant 0 : i32
              %dma_start3A_211 = tpu.memref_slice %arg2[%select_n3A_171, %dma_start3A_210] : memref<50x1024xi32, #tpu.memory_space<hbm>> -> memref<1x1024xi32, #tpu.memory_space<hbm>>
              %dma_start3A_212 = tpu.memref_squeeze %dma_start3A_211 : memref<1x1024xi32, #tpu.memory_space<hbm>> -> memref<1024xi32, #tpu.memory_space<hbm>>
              %dma_start3A_213 = arith.constant 0 : i32
              %dma_start3A_214 = tpu.memref_slice %arg2[%select_n3A_171, %dma_start3A_213] : memref<50x1024xi32, #tpu.memory_space<hbm>> -> memref<1x1024xi32, #tpu.memory_space<hbm>>
              %dma_start3A_215 = tpu.memref_squeeze %dma_start3A_214 : memref<1x1024xi32, #tpu.memory_space<hbm>> -> memref<1024xi32, #tpu.memory_space<hbm>>
              tpu.enqueue_dma source(%dma_start3A_215 : memref<1024xi32, #tpu.memory_space<hbm>>) target(%arg7 : memref<1024xi32, #tpu.memory_space<vmem>>) target_semaphore(%run_scoped3A : memref<!tpu.dma_semaphore, #tpu.memory_space<semaphore_mem>>)
              %dma_wait3A = arith.constant 0 : i32
              %dma_wait3A_216 = tpu.memref_slice %arg2[%select_n3A_171, %dma_wait3A] : memref<50x1024xi32, #tpu.memory_space<hbm>> -> memref<1x1024xi32, #tpu.memory_space<hbm>>
              %dma_wait3A_217 = tpu.memref_squeeze %dma_wait3A_216 : memref<1x1024xi32, #tpu.memory_space<hbm>> -> memref<1024xi32, #tpu.memory_space<hbm>>
              %dma_wait3A_218 = arith.constant 0 : i32
              %dma_wait3A_219 = tpu.memref_slice %arg2[%select_n3A_171, %dma_wait3A_218] : memref<50x1024xi32, #tpu.memory_space<hbm>> -> memref<1x1024xi32, #tpu.memory_space<hbm>>
              %dma_wait3A_220 = tpu.memref_squeeze %dma_wait3A_219 : memref<1x1024xi32, #tpu.memory_space<hbm>> -> memref<1024xi32, #tpu.memory_space<hbm>>
              tpu.wait_dma2 semaphore(%run_scoped3A : memref<!tpu.dma_semaphore, #tpu.memory_space<semaphore_mem>>) src(%dma_wait3A_220 : memref<1024xi32, #tpu.memory_space<hbm>>) dst(%arg7 : memref<1024xi32, #tpu.memory_space<vmem>>)
              tpu.yield
            }) : () -> ()
          } else {
          }
          %scan3A_187 = arith.constant 0 : i32
          %scan3A_188 = arith.constant 0 : i32
          %scan3A_189 = arith.constant 64 : i32
          %scan3A_190 = arith.addi %scan3A_188, %scan3A_189 : i32
          %scan3A_191 = arith.constant 1 : i32
          %scan3A_192 = scf.for %scan3A_210 = %scan3A_188 to %scan3A_190 step %scan3A_191 iter_args(%scan3A_211 = %scan3A_187) -> (i32)  : i32 {
            %mul3A_212 = arith.constant 16 : i32
            %mul3A_213 = arith.muli %scan3A_210, %mul3A_212 : i32
            %get3A = arith.index_cast %mul3A_213 : i32 to index
            %get3A_214 = tpu.vector_load %arg7[%get3A] {strides = array<i32>} : memref<1024xi32, #tpu.memory_space<vmem>>, vector<16xi32>,
            %ge3A_215 = vector.broadcast %mul3A_176 : i32 to vector<16xi32>
            %ge3A_216 = arith.cmpi sge, %get3A_214, %ge3A_215 : vector<16xi32>
            %add3A_217 = arith.constant 24 : i32
            %add3A_218 = arith.addi %mul3A_176, %add3A_217 : i32
            %lt3A_219 = vector.broadcast %add3A_218 : i32 to vector<16xi32>
            %lt3A_220 = arith.cmpi slt, %get3A_214, %lt3A_219 : vector<16xi32>
            %and3A_221 = arith.andi %ge3A_216, %lt3A_220 : vector<16xi1>
            %iota3A = tpu.iota {dimensions = array<i32: 0>} : vector<16xi32>
            %mul3A_222 = arith.constant 16 : i32
            %mul3A_223 = arith.muli %scan3A_210, %mul3A_222 : i32
            %add3A_224 = vector.broadcast %mul3A_223 : i32 to vector<16xi32>
            %add3A_225 = arith.addi %iota3A, %add3A_224 : vector<16xi32>
            %sub3A_226 = vector.broadcast %mul3A_176 : i32 to vector<16xi32>
            %sub3A_227 = arith.subi %get3A_214, %sub3A_226 : vector<16xi32>
            %jit3A_228 = arith.constant 0 : i32
            %broadcast_in_dim3A_229 = vector.broadcast %jit3A_228 : i32 to vector<16xi32>
            %select_n3A_230 = arith.select %and3A_221, %sub3A_227, %broadcast_in_dim3A_229 : vector<16xi1>, vector<16xi32>
            tpu.vector_store_idx %arg11[%select_n3A_230, %add3A_225], %broadcast_in_dim3A_9 masked %and3A_221 : memref<24x1024xf32, #tpu.memory_space<vmem>>[vector<16xi32>, vector<16xi32>], vector<16xf32>, vector<16xi1>
            %scan3A_231 = arith.constant 0 : i32
            scf.yield %scan3A_231 : i32
          }
          %scan3A_193 = arith.constant 64 : i32
          %add3A_194 = arith.constant 1000 : i32
          %add3A_195 = arith.addi %add3A_194, %select_n3A_171 : i32
          %sub3A_196 = arith.subi %add3A_195, %mul3A_176 : i32
          %ge3A_197 = arith.constant 0 : i32
          %ge3A_198 = arith.cmpi sge, %sub3A_196, %ge3A_197 : i32
          %lt3A_199 = arith.constant 24 : i32
          %lt3A_200 = arith.cmpi slt, %sub3A_196, %lt3A_199 : i32
          %and3A_201 = arith.andi %ge3A_198, %lt3A_200 : i1
          %convert_element_type3A_202 = arith.extui %and3A_201 : i1 to i32
          %cond3A_203 = arith.constant 0 : i32
          %cond3A_204 = arith.cmpi ne, %convert_element_type3A_202, %cond3A_203 : i32
          scf.if %cond3A_204 {
            %scan3A_210 = arith.constant 0 : i32
            %scan3A_211 = arith.constant 0 : i32
            %scan3A_212 = arith.constant 64 : i32
            %scan3A_213 = arith.addi %scan3A_211, %scan3A_212 : i32
            %scan3A_214 = arith.constant 1 : i32
            %scan3A_215 = scf.for %scan3A_217 = %scan3A_211 to %scan3A_213 step %scan3A_214 iter_args(%scan3A_218 = %scan3A_210) -> (i32)  : i32 {
              %mul3A_219 = arith.constant 16 : i32
              %mul3A_220 = arith.muli %scan3A_217, %mul3A_219 : i32
              %swap3A = arith.index_cast %sub3A_196 : i32 to index
              %swap3A_221 = arith.index_cast %mul3A_220 : i32 to index
              %swap3A_222 = tpu.vector_load %arg11[%swap3A, %swap3A_221] {strides = array<i32>} : memref<24x1024xf32, #tpu.memory_space<vmem>>, vector<16xf32>,
              tpu.vector_store %arg11[%swap3A, %swap3A_221], %broadcast_in_dim3A_9 {strides = array<i32>} : memref<24x1024xf32, #tpu.memory_space<vmem>>, vector<16xf32>,
              %scan3A_223 = arith.constant 0 : i32
              scf.yield %scan3A_223 : i32
            }
            %scan3A_216 = arith.constant 64 : i32
          } else {
          }
          %dma_start3A = arith.constant 0 : i32
          %dma_start3A_205 = tpu.memref_slice %arg3[%select_n3A_171, %mul3A_176, %dma_start3A] : memref<50x1512x1024xf32, #tpu.memory_space<hbm>> -> memref<1x24x1024xf32, #tpu.memory_space<hbm>>
          %dma_start3A_206 = tpu.memref_squeeze %dma_start3A_205 : memref<1x24x1024xf32, #tpu.memory_space<hbm>> -> memref<24x1024xf32, #tpu.memory_space<hbm>>
          %dma_start3A_207 = arith.constant 0 : i32
          %dma_start3A_208 = tpu.memref_slice %arg3[%select_n3A_171, %mul3A_176, %dma_start3A_207] : memref<50x1512x1024xf32, #tpu.memory_space<hbm>> -> memref<1x24x1024xf32, #tpu.memory_space<hbm>>
          %dma_start3A_209 = tpu.memref_squeeze %dma_start3A_208 : memref<1x24x1024xf32, #tpu.memory_space<hbm>> -> memref<24x1024xf32, #tpu.memory_space<hbm>>
          tpu.enqueue_dma source(%arg11 : memref<24x1024xf32, #tpu.memory_space<vmem>>) target(%dma_start3A_209 : memref<24x1024xf32, #tpu.memory_space<hbm>>) target_semaphore(%arg15 : memref<!tpu.dma_semaphore, #tpu.memory_space<semaphore_mem>>)
        } else {
        }
      } else {
      }
      %scan3A_69 = arith.constant 0 : i32
      scf.yield %scan3A_69 : i32
    }
    %scan3A_45 = arith.constant 99 : i32
    %ge3A = arith.constant 1 : i32
    %ge3A_46 = arith.cmpi sge, %add3A_8, %ge3A : i32
    %convert_element_type3A = arith.extui %ge3A_46 : i1 to i32
    %cond3A = arith.constant 0 : i32
    %cond3A_47 = arith.cmpi ne, %convert_element_type3A, %cond3A : i32
    scf.if %cond3A_47 {
      %sub3A = arith.constant 1 : i32
      %sub3A_63 = arith.subi %add3A_8, %sub3A : i32
      %jit3A_64 = arith.constant 4 : i32
      %eq3A = arith.constant 0 : i32
      %eq3A_65 = arith.cmpi eq, %jit3A_64, %eq3A : i32
      %jit3A_66 = arith.constant 1 : i32
      %select_n3A_67 = arith.select %eq3A_65, %jit3A_66, %jit3A_64 : i32
      %rem3A = arith.remsi %sub3A_63, %select_n3A_67 : i32
      %ne3A = arith.constant 0 : i32
      %ne3A_68 = arith.cmpi ne, %rem3A, %ne3A : i32
      %lt3A_69 = arith.constant 0 : i32
      %lt3A_70 = arith.cmpi slt, %rem3A, %lt3A_69 : i32
      %lt3A_71 = arith.constant 0 : i32
      %lt3A_72 = arith.cmpi slt, %select_n3A_67, %lt3A_71 : i32
      %ne3A_73 = arith.xori %lt3A_70, %lt3A_72 : i1
      %and3A = arith.andi %ne3A_73, %ne3A_68 : i1
      %add3A_74 = arith.addi %rem3A, %select_n3A_67 : i32
      %select_n3A_75 = arith.select %and3A, %add3A_74, %rem3A : i32
      %eq3A_76 = arith.constant 0 : i32
      %eq3A_77 = arith.cmpi eq, %select_n3A_75, %eq3A_76 : i32
      %convert_element_type3A_78 = arith.extui %eq3A_77 : i1 to i32
      %cond3A_79 = arith.constant 0 : i32
      %cond3A_80 = arith.cmpi ne, %convert_element_type3A_78, %cond3A_79 : i32
      scf.if %cond3A_80 {
        %add3A_144 = arith.addi %add3A_4, %sub3A_63 : i32
        %jit3A_145 = arith.constant 63 : i32
        %div3A = arith.divsi %add3A_144, %jit3A_145 : i32
        %sign3A = arith.constant 0 : i32
        %sign3A_146 = arith.cmpi sgt, %add3A_144, %sign3A : i32
        %sign3A_147 = arith.extui %sign3A_146 : i1 to i32
        %sign3A_148 = arith.constant 0 : i32
        %sign3A_149 = arith.cmpi slt, %add3A_144, %sign3A_148 : i32
        %sign3A_150 = arith.extui %sign3A_149 : i1 to i32
        %sign3A_151 = arith.subi %sign3A_147, %sign3A_150 : i32
        %sign3A_152 = arith.constant 0 : i32
        %sign3A_153 = arith.cmpi sgt, %jit3A_145, %sign3A_152 : i32
        %sign3A_154 = arith.extui %sign3A_153 : i1 to i32
        %sign3A_155 = arith.constant 0 : i32
        %sign3A_156 = arith.cmpi slt, %jit3A_145, %sign3A_155 : i32
        %sign3A_157 = arith.extui %sign3A_156 : i1 to i32
        %sign3A_158 = arith.subi %sign3A_154, %sign3A_157 : i32
        %ne3A_159 = arith.cmpi ne, %sign3A_151, %sign3A_158 : i32
        %rem3A_160 = arith.remsi %add3A_144, %jit3A_145 : i32
        %ne3A_161 = arith.constant 0 : i32
        %ne3A_162 = arith.cmpi ne, %rem3A_160, %ne3A_161 : i32
        %and3A_163 = arith.andi %ne3A_159, %ne3A_162 : i1
        %sub3A_164 = arith.constant 1 : i32
        %sub3A_165 = arith.subi %div3A, %sub3A_164 : i32
        %select_n3A_166 = arith.select %and3A_163, %sub3A_165, %div3A : i32
        %mul3A_167 = arith.constant 63 : i32
        %mul3A_168 = arith.muli %select_n3A_166, %mul3A_167 : i32
        %sub3A_169 = arith.subi %add3A_144, %mul3A_168 : i32
        %mul3A_170 = arith.constant 24 : i32
        %mul3A_171 = arith.muli %sub3A_169, %mul3A_170 : i32
        %dma_wait3A = arith.constant 0 : i32
        %dma_wait3A_172 = tpu.memref_slice %arg3[%select_n3A_166, %mul3A_171, %dma_wait3A] : memref<50x1512x1024xf32, #tpu.memory_space<hbm>> -> memref<1x24x1024xf32, #tpu.memory_space<hbm>>
        %dma_wait3A_173 = tpu.memref_squeeze %dma_wait3A_172 : memref<1x24x1024xf32, #tpu.memory_space<hbm>> -> memref<24x1024xf32, #tpu.memory_space<hbm>>
        %dma_wait3A_174 = arith.constant 0 : i32
        %dma_wait3A_175 = tpu.memref_slice %arg3[%select_n3A_166, %mul3A_171, %dma_wait3A_174] : memref<50x1512x1024xf32, #tpu.memory_space<hbm>> -> memref<1x24x1024xf32, #tpu.memory_space<hbm>>
        %dma_wait3A_176 = tpu.memref_squeeze %dma_wait3A_175 : memref<1x24x1024xf32, #tpu.memory_space<hbm>> -> memref<24x1024xf32, #tpu.memory_space<hbm>>
        tpu.wait_dma2 semaphore(%arg12 : memref<!tpu.dma_semaphore, #tpu.memory_space<semaphore_mem>>) src(%arg8 : memref<24x1024xf32, #tpu.memory_space<vmem>>) dst(%dma_wait3A_176 : memref<24x1024xf32, #tpu.memory_space<hbm>>)
      } else {
      }
      %jit3A_81 = arith.constant 4 : i32
      %eq3A_82 = arith.constant 0 : i32
      %eq3A_83 = arith.cmpi eq, %jit3A_81, %eq3A_82 : i32
      %jit3A_84 = arith.constant 1 : i32
      %select_n3A_85 = arith.select %eq3A_83, %jit3A_84, %jit3A_81 : i32
      %rem3A_86 = arith.remsi %sub3A_63, %select_n3A_85 : i32
      %ne3A_87 = arith.constant 0 : i32
      %ne3A_88 = arith.cmpi ne, %rem3A_86, %ne3A_87 : i32
      %lt3A_89 = arith.constant 0 : i32
      %lt3A_90 = arith.cmpi slt, %rem3A_86, %lt3A_89 : i32
      %lt3A_91 = arith.constant 0 : i32
      %lt3A_92 = arith.cmpi slt, %select_n3A_85, %lt3A_91 : i32
      %ne3A_93 = arith.xori %lt3A_90, %lt3A_92 : i1
      %and3A_94 = arith.andi %ne3A_93, %ne3A_88 : i1
      %add3A_95 = arith.addi %rem3A_86, %select_n3A_85 : i32
      %select_n3A_96 = arith.select %and3A_94, %add3A_95, %rem3A_86 : i32
      %eq3A_97 = arith.constant 1 : i32
      %eq3A_98 = arith.cmpi eq, %select_n3A_96, %eq3A_97 : i32
      %convert_element_type3A_99 = arith.extui %eq3A_98 : i1 to i32
      %cond3A_100 = arith.constant 0 : i32
      %cond3A_101 = arith.cmpi ne, %convert_element_type3A_99, %cond3A_100 : i32
      scf.if %cond3A_101 {
        %add3A_144 = arith.addi %add3A_4, %sub3A_63 : i32
        %jit3A_145 = arith.constant 63 : i32
        %div3A = arith.divsi %add3A_144, %jit3A_145 : i32
        %sign3A = arith.constant 0 : i32
        %sign3A_146 = arith.cmpi sgt, %add3A_144, %sign3A : i32
        %sign3A_147 = arith.extui %sign3A_146 : i1 to i32
        %sign3A_148 = arith.constant 0 : i32
        %sign3A_149 = arith.cmpi slt, %add3A_144, %sign3A_148 : i32
        %sign3A_150 = arith.extui %sign3A_149 : i1 to i32
        %sign3A_151 = arith.subi %sign3A_147, %sign3A_150 : i32
        %sign3A_152 = arith.constant 0 : i32
        %sign3A_153 = arith.cmpi sgt, %jit3A_145, %sign3A_152 : i32
        %sign3A_154 = arith.extui %sign3A_153 : i1 to i32
        %sign3A_155 = arith.constant 0 : i32
        %sign3A_156 = arith.cmpi slt, %jit3A_145, %sign3A_155 : i32
        %sign3A_157 = arith.extui %sign3A_156 : i1 to i32
        %sign3A_158 = arith.subi %sign3A_154, %sign3A_157 : i32
        %ne3A_159 = arith.cmpi ne, %sign3A_151, %sign3A_158 : i32
        %rem3A_160 = arith.remsi %add3A_144, %jit3A_145 : i32
        %ne3A_161 = arith.constant 0 : i32
        %ne3A_162 = arith.cmpi ne, %rem3A_160, %ne3A_161 : i32
        %and3A_163 = arith.andi %ne3A_159, %ne3A_162 : i1
        %sub3A_164 = arith.constant 1 : i32
        %sub3A_165 = arith.subi %div3A, %sub3A_164 : i32
        %select_n3A_166 = arith.select %and3A_163, %sub3A_165, %div3A : i32
        %mul3A_167 = arith.constant 63 : i32
        %mul3A_168 = arith.muli %select_n3A_166, %mul3A_167 : i32
        %sub3A_169 = arith.subi %add3A_144, %mul3A_168 : i32
        %mul3A_170 = arith.constant 24 : i32
        %mul3A_171 = arith.muli %sub3A_169, %mul3A_170 : i32
        %dma_wait3A = arith.constant 0 : i32
        %dma_wait3A_172 = tpu.memref_slice %arg3[%select_n3A_166, %mul3A_171, %dma_wait3A] : memref<50x1512x1024xf32, #tpu.memory_space<hbm>> -> memref<1x24x1024xf32, #tpu.memory_space<hbm>>
        %dma_wait3A_173 = tpu.memref_squeeze %dma_wait3A_172 : memref<1x24x1024xf32, #tpu.memory_space<hbm>> -> memref<24x1024xf32, #tpu.memory_space<hbm>>
        %dma_wait3A_174 = arith.constant 0 : i32
        %dma_wait3A_175 = tpu.memref_slice %arg3[%select_n3A_166, %mul3A_171, %dma_wait3A_174] : memref<50x1512x1024xf32, #tpu.memory_space<hbm>> -> memref<1x24x1024xf32, #tpu.memory_space<hbm>>
        %dma_wait3A_176 = tpu.memref_squeeze %dma_wait3A_175 : memref<1x24x1024xf32, #tpu.memory_space<hbm>> -> memref<24x1024xf32, #tpu.memory_space<hbm>>
        tpu.wait_dma2 semaphore(%arg13 : memref<!tpu.dma_semaphore, #tpu.memory_space<semaphore_mem>>) src(%arg9 : memref<24x1024xf32, #tpu.memory_space<vmem>>) dst(%dma_wait3A_176 : memref<24x1024xf32, #tpu.memory_space<hbm>>)
      } else {
      }
      %jit3A_102 = arith.constant 4 : i32
      %eq3A_103 = arith.constant 0 : i32
      %eq3A_104 = arith.cmpi eq, %jit3A_102, %eq3A_103 : i32
      %jit3A_105 = arith.constant 1 : i32
      %select_n3A_106 = arith.select %eq3A_104, %jit3A_105, %jit3A_102 : i32
      %rem3A_107 = arith.remsi %sub3A_63, %select_n3A_106 : i32
      %ne3A_108 = arith.constant 0 : i32
      %ne3A_109 = arith.cmpi ne, %rem3A_107, %ne3A_108 : i32
      %lt3A_110 = arith.constant 0 : i32
      %lt3A_111 = arith.cmpi slt, %rem3A_107, %lt3A_110 : i32
      %lt3A_112 = arith.constant 0 : i32
      %lt3A_113 = arith.cmpi slt, %select_n3A_106, %lt3A_112 : i32
      %ne3A_114 = arith.xori %lt3A_111, %lt3A_113 : i1
      %and3A_115 = arith.andi %ne3A_114, %ne3A_109 : i1
      %add3A_116 = arith.addi %rem3A_107, %select_n3A_106 : i32
      %select_n3A_117 = arith.select %and3A_115, %add3A_116, %rem3A_107 : i32
      %eq3A_118 = arith.constant 2 : i32
      %eq3A_119 = arith.cmpi eq, %select_n3A_117, %eq3A_118 : i32
      %convert_element_type3A_120 = arith.extui %eq3A_119 : i1 to i32
      %cond3A_121 = arith.constant 0 : i32
      %cond3A_122 = arith.cmpi ne, %convert_element_type3A_120, %cond3A_121 : i32
      scf.if %cond3A_122 {
        %add3A_144 = arith.addi %add3A_4, %sub3A_63 : i32
        %jit3A_145 = arith.constant 63 : i32
        %div3A = arith.divsi %add3A_144, %jit3A_145 : i32
        %sign3A = arith.constant 0 : i32
        %sign3A_146 = arith.cmpi sgt, %add3A_144, %sign3A : i32
        %sign3A_147 = arith.extui %sign3A_146 : i1 to i32
        %sign3A_148 = arith.constant 0 : i32
        %sign3A_149 = arith.cmpi slt, %add3A_144, %sign3A_148 : i32
        %sign3A_150 = arith.extui %sign3A_149 : i1 to i32
        %sign3A_151 = arith.subi %sign3A_147, %sign3A_150 : i32
        %sign3A_152 = arith.constant 0 : i32
        %sign3A_153 = arith.cmpi sgt, %jit3A_145, %sign3A_152 : i32
        %sign3A_154 = arith.extui %sign3A_153 : i1 to i32
        %sign3A_155 = arith.constant 0 : i32
        %sign3A_156 = arith.cmpi slt, %jit3A_145, %sign3A_155 : i32
        %sign3A_157 = arith.extui %sign3A_156 : i1 to i32
        %sign3A_158 = arith.subi %sign3A_154, %sign3A_157 : i32
        %ne3A_159 = arith.cmpi ne, %sign3A_151, %sign3A_158 : i32
        %rem3A_160 = arith.remsi %add3A_144, %jit3A_145 : i32
        %ne3A_161 = arith.constant 0 : i32
        %ne3A_162 = arith.cmpi ne, %rem3A_160, %ne3A_161 : i32
        %and3A_163 = arith.andi %ne3A_159, %ne3A_162 : i1
        %sub3A_164 = arith.constant 1 : i32
        %sub3A_165 = arith.subi %div3A, %sub3A_164 : i32
        %select_n3A_166 = arith.select %and3A_163, %sub3A_165, %div3A : i32
        %mul3A_167 = arith.constant 63 : i32
        %mul3A_168 = arith.muli %select_n3A_166, %mul3A_167 : i32
        %sub3A_169 = arith.subi %add3A_144, %mul3A_168 : i32
        %mul3A_170 = arith.constant 24 : i32
        %mul3A_171 = arith.muli %sub3A_169, %mul3A_170 : i32
        %dma_wait3A = arith.constant 0 : i32
        %dma_wait3A_172 = tpu.memref_slice %arg3[%select_n3A_166, %mul3A_171, %dma_wait3A] : memref<50x1512x1024xf32, #tpu.memory_space<hbm>> -> memref<1x24x1024xf32, #tpu.memory_space<hbm>>
        %dma_wait3A_173 = tpu.memref_squeeze %dma_wait3A_172 : memref<1x24x1024xf32, #tpu.memory_space<hbm>> -> memref<24x1024xf32, #tpu.memory_space<hbm>>
        %dma_wait3A_174 = arith.constant 0 : i32
        %dma_wait3A_175 = tpu.memref_slice %arg3[%select_n3A_166, %mul3A_171, %dma_wait3A_174] : memref<50x1512x1024xf32, #tpu.memory_space<hbm>> -> memref<1x24x1024xf32, #tpu.memory_space<hbm>>
        %dma_wait3A_176 = tpu.memref_squeeze %dma_wait3A_175 : memref<1x24x1024xf32, #tpu.memory_space<hbm>> -> memref<24x1024xf32, #tpu.memory_space<hbm>>
        tpu.wait_dma2 semaphore(%arg14 : memref<!tpu.dma_semaphore, #tpu.memory_space<semaphore_mem>>) src(%arg10 : memref<24x1024xf32, #tpu.memory_space<vmem>>) dst(%dma_wait3A_176 : memref<24x1024xf32, #tpu.memory_space<hbm>>)
      } else {
      }
      %jit3A_123 = arith.constant 4 : i32
      %eq3A_124 = arith.constant 0 : i32
      %eq3A_125 = arith.cmpi eq, %jit3A_123, %eq3A_124 : i32
      %jit3A_126 = arith.constant 1 : i32
      %select_n3A_127 = arith.select %eq3A_125, %jit3A_126, %jit3A_123 : i32
      %rem3A_128 = arith.remsi %sub3A_63, %select_n3A_127 : i32
      %ne3A_129 = arith.constant 0 : i32
      %ne3A_130 = arith.cmpi ne, %rem3A_128, %ne3A_129 : i32
      %lt3A_131 = arith.constant 0 : i32
      %lt3A_132 = arith.cmpi slt, %rem3A_128, %lt3A_131 : i32
      %lt3A_133 = arith.constant 0 : i32
      %lt3A_134 = arith.cmpi slt, %select_n3A_127, %lt3A_133 : i32
      %ne3A_135 = arith.xori %lt3A_132, %lt3A_134 : i1
      %and3A_136 = arith.andi %ne3A_135, %ne3A_130 : i1
      %add3A_137 = arith.addi %rem3A_128, %select_n3A_127 : i32
      %select_n3A_138 = arith.select %and3A_136, %add3A_137, %rem3A_128 : i32
      %eq3A_139 = arith.constant 3 : i32
      %eq3A_140 = arith.cmpi eq, %select_n3A_138, %eq3A_139 : i32
      %convert_element_type3A_141 = arith.extui %eq3A_140 : i1 to i32
      %cond3A_142 = arith.constant 0 : i32
      %cond3A_143 = arith.cmpi ne, %convert_element_type3A_141, %cond3A_142 : i32
      scf.if %cond3A_143 {
        %add3A_144 = arith.addi %add3A_4, %sub3A_63 : i32
        %jit3A_145 = arith.constant 63 : i32
        %div3A = arith.divsi %add3A_144, %jit3A_145 : i32
        %sign3A = arith.constant 0 : i32
        %sign3A_146 = arith.cmpi sgt, %add3A_144, %sign3A : i32
        %sign3A_147 = arith.extui %sign3A_146 : i1 to i32
        %sign3A_148 = arith.constant 0 : i32
        %sign3A_149 = arith.cmpi slt, %add3A_144, %sign3A_148 : i32
        %sign3A_150 = arith.extui %sign3A_149 : i1 to i32
        %sign3A_151 = arith.subi %sign3A_147, %sign3A_150 : i32
        %sign3A_152 = arith.constant 0 : i32
        %sign3A_153 = arith.cmpi sgt, %jit3A_145, %sign3A_152 : i32
        %sign3A_154 = arith.extui %sign3A_153 : i1 to i32
        %sign3A_155 = arith.constant 0 : i32
        %sign3A_156 = arith.cmpi slt, %jit3A_145, %sign3A_155 : i32
        %sign3A_157 = arith.extui %sign3A_156 : i1 to i32
        %sign3A_158 = arith.subi %sign3A_154, %sign3A_157 : i32
        %ne3A_159 = arith.cmpi ne, %sign3A_151, %sign3A_158 : i32
        %rem3A_160 = arith.remsi %add3A_144, %jit3A_145 : i32
        %ne3A_161 = arith.constant 0 : i32
        %ne3A_162 = arith.cmpi ne, %rem3A_160, %ne3A_161 : i32
        %and3A_163 = arith.andi %ne3A_159, %ne3A_162 : i1
        %sub3A_164 = arith.constant 1 : i32
        %sub3A_165 = arith.subi %div3A, %sub3A_164 : i32
        %select_n3A_166 = arith.select %and3A_163, %sub3A_165, %div3A : i32
        %mul3A_167 = arith.constant 63 : i32
        %mul3A_168 = arith.muli %select_n3A_166, %mul3A_167 : i32
        %sub3A_169 = arith.subi %add3A_144, %mul3A_168 : i32
        %mul3A_170 = arith.constant 24 : i32
        %mul3A_171 = arith.muli %sub3A_169, %mul3A_170 : i32
        %dma_wait3A = arith.constant 0 : i32
        %dma_wait3A_172 = tpu.memref_slice %arg3[%select_n3A_166, %mul3A_171, %dma_wait3A] : memref<50x1512x1024xf32, #tpu.memory_space<hbm>> -> memref<1x24x1024xf32, #tpu.memory_space<hbm>>
        %dma_wait3A_173 = tpu.memref_squeeze %dma_wait3A_172 : memref<1x24x1024xf32, #tpu.memory_space<hbm>> -> memref<24x1024xf32, #tpu.memory_space<hbm>>
        %dma_wait3A_174 = arith.constant 0 : i32
        %dma_wait3A_175 = tpu.memref_slice %arg3[%select_n3A_166, %mul3A_171, %dma_wait3A_174] : memref<50x1512x1024xf32, #tpu.memory_space<hbm>> -> memref<1x24x1024xf32, #tpu.memory_space<hbm>>
        %dma_wait3A_176 = tpu.memref_squeeze %dma_wait3A_175 : memref<1x24x1024xf32, #tpu.memory_space<hbm>> -> memref<24x1024xf32, #tpu.memory_space<hbm>>
        tpu.wait_dma2 semaphore(%arg15 : memref<!tpu.dma_semaphore, #tpu.memory_space<semaphore_mem>>) src(%arg11 : memref<24x1024xf32, #tpu.memory_space<vmem>>) dst(%dma_wait3A_176 : memref<24x1024xf32, #tpu.memory_space<hbm>>)
      } else {
      }
    } else {
    }
    %ge3A_48 = arith.constant 2 : i32
    %ge3A_49 = arith.cmpi sge, %add3A_8, %ge3A_48 : i32
    %convert_element_type3A_50 = arith.extui %ge3A_49 : i1 to i32
    %cond3A_51 = arith.constant 0 : i32
    %cond3A_52 = arith.cmpi ne, %convert_element_type3A_50, %cond3A_51 : i32
    scf.if %cond3A_52 {
      %sub3A = arith.constant 2 : i32
      %sub3A_63 = arith.subi %add3A_8, %sub3A : i32
      %jit3A_64 = arith.constant 4 : i32
      %eq3A = arith.constant 0 : i32
      %eq3A_65 = arith.cmpi eq, %jit3A_64, %eq3A : i32
      %jit3A_66 = arith.constant 1 : i32
      %select_n3A_67 = arith.select %eq3A_65, %jit3A_66, %jit3A_64 : i32
      %rem3A = arith.remsi %sub3A_63, %select_n3A_67 : i32
      %ne3A = arith.constant 0 : i32
      %ne3A_68 = arith.cmpi ne, %rem3A, %ne3A : i32
      %lt3A_69 = arith.constant 0 : i32
      %lt3A_70 = arith.cmpi slt, %rem3A, %lt3A_69 : i32
      %lt3A_71 = arith.constant 0 : i32
      %lt3A_72 = arith.cmpi slt, %select_n3A_67, %lt3A_71 : i32
      %ne3A_73 = arith.xori %lt3A_70, %lt3A_72 : i1
      %and3A = arith.andi %ne3A_73, %ne3A_68 : i1
      %add3A_74 = arith.addi %rem3A, %select_n3A_67 : i32
      %select_n3A_75 = arith.select %and3A, %add3A_74, %rem3A : i32
      %eq3A_76 = arith.constant 0 : i32
      %eq3A_77 = arith.cmpi eq, %select_n3A_75, %eq3A_76 : i32
      %convert_element_type3A_78 = arith.extui %eq3A_77 : i1 to i32
      %cond3A_79 = arith.constant 0 : i32
      %cond3A_80 = arith.cmpi ne, %convert_element_type3A_78, %cond3A_79 : i32
      scf.if %cond3A_80 {
        %add3A_144 = arith.addi %add3A_4, %sub3A_63 : i32
        %jit3A_145 = arith.constant 63 : i32
        %div3A = arith.divsi %add3A_144, %jit3A_145 : i32
        %sign3A = arith.constant 0 : i32
        %sign3A_146 = arith.cmpi sgt, %add3A_144, %sign3A : i32
        %sign3A_147 = arith.extui %sign3A_146 : i1 to i32
        %sign3A_148 = arith.constant 0 : i32
        %sign3A_149 = arith.cmpi slt, %add3A_144, %sign3A_148 : i32
        %sign3A_150 = arith.extui %sign3A_149 : i1 to i32
        %sign3A_151 = arith.subi %sign3A_147, %sign3A_150 : i32
        %sign3A_152 = arith.constant 0 : i32
        %sign3A_153 = arith.cmpi sgt, %jit3A_145, %sign3A_152 : i32
        %sign3A_154 = arith.extui %sign3A_153 : i1 to i32
        %sign3A_155 = arith.constant 0 : i32
        %sign3A_156 = arith.cmpi slt, %jit3A_145, %sign3A_155 : i32
        %sign3A_157 = arith.extui %sign3A_156 : i1 to i32
        %sign3A_158 = arith.subi %sign3A_154, %sign3A_157 : i32
        %ne3A_159 = arith.cmpi ne, %sign3A_151, %sign3A_158 : i32
        %rem3A_160 = arith.remsi %add3A_144, %jit3A_145 : i32
        %ne3A_161 = arith.constant 0 : i32
        %ne3A_162 = arith.cmpi ne, %rem3A_160, %ne3A_161 : i32
        %and3A_163 = arith.andi %ne3A_159, %ne3A_162 : i1
        %sub3A_164 = arith.constant 1 : i32
        %sub3A_165 = arith.subi %div3A, %sub3A_164 : i32
        %select_n3A_166 = arith.select %and3A_163, %sub3A_165, %div3A : i32
        %mul3A_167 = arith.constant 63 : i32
        %mul3A_168 = arith.muli %select_n3A_166, %mul3A_167 : i32
        %sub3A_169 = arith.subi %add3A_144, %mul3A_168 : i32
        %mul3A_170 = arith.constant 24 : i32
        %mul3A_171 = arith.muli %sub3A_169, %mul3A_170 : i32
        %dma_wait3A = arith.constant 0 : i32
        %dma_wait3A_172 = tpu.memref_slice %arg3[%select_n3A_166, %mul3A_171, %dma_wait3A] : memref<50x1512x1024xf32, #tpu.memory_space<hbm>> -> memref<1x24x1024xf32, #tpu.memory_space<hbm>>
        %dma_wait3A_173 = tpu.memref_squeeze %dma_wait3A_172 : memref<1x24x1024xf32, #tpu.memory_space<hbm>> -> memref<24x1024xf32, #tpu.memory_space<hbm>>
        %dma_wait3A_174 = arith.constant 0 : i32
        %dma_wait3A_175 = tpu.memref_slice %arg3[%select_n3A_166, %mul3A_171, %dma_wait3A_174] : memref<50x1512x1024xf32, #tpu.memory_space<hbm>> -> memref<1x24x1024xf32, #tpu.memory_space<hbm>>
        %dma_wait3A_176 = tpu.memref_squeeze %dma_wait3A_175 : memref<1x24x1024xf32, #tpu.memory_space<hbm>> -> memref<24x1024xf32, #tpu.memory_space<hbm>>
        tpu.wait_dma2 semaphore(%arg12 : memref<!tpu.dma_semaphore, #tpu.memory_space<semaphore_mem>>) src(%arg8 : memref<24x1024xf32, #tpu.memory_space<vmem>>) dst(%dma_wait3A_176 : memref<24x1024xf32, #tpu.memory_space<hbm>>)
      } else {
      }
      %jit3A_81 = arith.constant 4 : i32
      %eq3A_82 = arith.constant 0 : i32
      %eq3A_83 = arith.cmpi eq, %jit3A_81, %eq3A_82 : i32
      %jit3A_84 = arith.constant 1 : i32
      %select_n3A_85 = arith.select %eq3A_83, %jit3A_84, %jit3A_81 : i32
      %rem3A_86 = arith.remsi %sub3A_63, %select_n3A_85 : i32
      %ne3A_87 = arith.constant 0 : i32
      %ne3A_88 = arith.cmpi ne, %rem3A_86, %ne3A_87 : i32
      %lt3A_89 = arith.constant 0 : i32
      %lt3A_90 = arith.cmpi slt, %rem3A_86, %lt3A_89 : i32
      %lt3A_91 = arith.constant 0 : i32
      %lt3A_92 = arith.cmpi slt, %select_n3A_85, %lt3A_91 : i32
      %ne3A_93 = arith.xori %lt3A_90, %lt3A_92 : i1
      %and3A_94 = arith.andi %ne3A_93, %ne3A_88 : i1
      %add3A_95 = arith.addi %rem3A_86, %select_n3A_85 : i32
      %select_n3A_96 = arith.select %and3A_94, %add3A_95, %rem3A_86 : i32
      %eq3A_97 = arith.constant 1 : i32
      %eq3A_98 = arith.cmpi eq, %select_n3A_96, %eq3A_97 : i32
      %convert_element_type3A_99 = arith.extui %eq3A_98 : i1 to i32
      %cond3A_100 = arith.constant 0 : i32
      %cond3A_101 = arith.cmpi ne, %convert_element_type3A_99, %cond3A_100 : i32
      scf.if %cond3A_101 {
        %add3A_144 = arith.addi %add3A_4, %sub3A_63 : i32
        %jit3A_145 = arith.constant 63 : i32
        %div3A = arith.divsi %add3A_144, %jit3A_145 : i32
        %sign3A = arith.constant 0 : i32
        %sign3A_146 = arith.cmpi sgt, %add3A_144, %sign3A : i32
        %sign3A_147 = arith.extui %sign3A_146 : i1 to i32
        %sign3A_148 = arith.constant 0 : i32
        %sign3A_149 = arith.cmpi slt, %add3A_144, %sign3A_148 : i32
        %sign3A_150 = arith.extui %sign3A_149 : i1 to i32
        %sign3A_151 = arith.subi %sign3A_147, %sign3A_150 : i32
        %sign3A_152 = arith.constant 0 : i32
        %sign3A_153 = arith.cmpi sgt, %jit3A_145, %sign3A_152 : i32
        %sign3A_154 = arith.extui %sign3A_153 : i1 to i32
        %sign3A_155 = arith.constant 0 : i32
        %sign3A_156 = arith.cmpi slt, %jit3A_145, %sign3A_155 : i32
        %sign3A_157 = arith.extui %sign3A_156 : i1 to i32
        %sign3A_158 = arith.subi %sign3A_154, %sign3A_157 : i32
        %ne3A_159 = arith.cmpi ne, %sign3A_151, %sign3A_158 : i32
        %rem3A_160 = arith.remsi %add3A_144, %jit3A_145 : i32
        %ne3A_161 = arith.constant 0 : i32
        %ne3A_162 = arith.cmpi ne, %rem3A_160, %ne3A_161 : i32
        %and3A_163 = arith.andi %ne3A_159, %ne3A_162 : i1
        %sub3A_164 = arith.constant 1 : i32
        %sub3A_165 = arith.subi %div3A, %sub3A_164 : i32
        %select_n3A_166 = arith.select %and3A_163, %sub3A_165, %div3A : i32
        %mul3A_167 = arith.constant 63 : i32
        %mul3A_168 = arith.muli %select_n3A_166, %mul3A_167 : i32
        %sub3A_169 = arith.subi %add3A_144, %mul3A_168 : i32
        %mul3A_170 = arith.constant 24 : i32
        %mul3A_171 = arith.muli %sub3A_169, %mul3A_170 : i32
        %dma_wait3A = arith.constant 0 : i32
        %dma_wait3A_172 = tpu.memref_slice %arg3[%select_n3A_166, %mul3A_171, %dma_wait3A] : memref<50x1512x1024xf32, #tpu.memory_space<hbm>> -> memref<1x24x1024xf32, #tpu.memory_space<hbm>>
        %dma_wait3A_173 = tpu.memref_squeeze %dma_wait3A_172 : memref<1x24x1024xf32, #tpu.memory_space<hbm>> -> memref<24x1024xf32, #tpu.memory_space<hbm>>
        %dma_wait3A_174 = arith.constant 0 : i32
        %dma_wait3A_175 = tpu.memref_slice %arg3[%select_n3A_166, %mul3A_171, %dma_wait3A_174] : memref<50x1512x1024xf32, #tpu.memory_space<hbm>> -> memref<1x24x1024xf32, #tpu.memory_space<hbm>>
        %dma_wait3A_176 = tpu.memref_squeeze %dma_wait3A_175 : memref<1x24x1024xf32, #tpu.memory_space<hbm>> -> memref<24x1024xf32, #tpu.memory_space<hbm>>
        tpu.wait_dma2 semaphore(%arg13 : memref<!tpu.dma_semaphore, #tpu.memory_space<semaphore_mem>>) src(%arg9 : memref<24x1024xf32, #tpu.memory_space<vmem>>) dst(%dma_wait3A_176 : memref<24x1024xf32, #tpu.memory_space<hbm>>)
      } else {
      }
      %jit3A_102 = arith.constant 4 : i32
      %eq3A_103 = arith.constant 0 : i32
      %eq3A_104 = arith.cmpi eq, %jit3A_102, %eq3A_103 : i32
      %jit3A_105 = arith.constant 1 : i32
      %select_n3A_106 = arith.select %eq3A_104, %jit3A_105, %jit3A_102 : i32
      %rem3A_107 = arith.remsi %sub3A_63, %select_n3A_106 : i32
      %ne3A_108 = arith.constant 0 : i32
      %ne3A_109 = arith.cmpi ne, %rem3A_107, %ne3A_108 : i32
      %lt3A_110 = arith.constant 0 : i32
      %lt3A_111 = arith.cmpi slt, %rem3A_107, %lt3A_110 : i32
      %lt3A_112 = arith.constant 0 : i32
      %lt3A_113 = arith.cmpi slt, %select_n3A_106, %lt3A_112 : i32
      %ne3A_114 = arith.xori %lt3A_111, %lt3A_113 : i1
      %and3A_115 = arith.andi %ne3A_114, %ne3A_109 : i1
      %add3A_116 = arith.addi %rem3A_107, %select_n3A_106 : i32
      %select_n3A_117 = arith.select %and3A_115, %add3A_116, %rem3A_107 : i32
      %eq3A_118 = arith.constant 2 : i32
      %eq3A_119 = arith.cmpi eq, %select_n3A_117, %eq3A_118 : i32
      %convert_element_type3A_120 = arith.extui %eq3A_119 : i1 to i32
      %cond3A_121 = arith.constant 0 : i32
      %cond3A_122 = arith.cmpi ne, %convert_element_type3A_120, %cond3A_121 : i32
      scf.if %cond3A_122 {
        %add3A_144 = arith.addi %add3A_4, %sub3A_63 : i32
        %jit3A_145 = arith.constant 63 : i32
        %div3A = arith.divsi %add3A_144, %jit3A_145 : i32
        %sign3A = arith.constant 0 : i32
        %sign3A_146 = arith.cmpi sgt, %add3A_144, %sign3A : i32
        %sign3A_147 = arith.extui %sign3A_146 : i1 to i32
        %sign3A_148 = arith.constant 0 : i32
        %sign3A_149 = arith.cmpi slt, %add3A_144, %sign3A_148 : i32
        %sign3A_150 = arith.extui %sign3A_149 : i1 to i32
        %sign3A_151 = arith.subi %sign3A_147, %sign3A_150 : i32
        %sign3A_152 = arith.constant 0 : i32
        %sign3A_153 = arith.cmpi sgt, %jit3A_145, %sign3A_152 : i32
        %sign3A_154 = arith.extui %sign3A_153 : i1 to i32
        %sign3A_155 = arith.constant 0 : i32
        %sign3A_156 = arith.cmpi slt, %jit3A_145, %sign3A_155 : i32
        %sign3A_157 = arith.extui %sign3A_156 : i1 to i32
        %sign3A_158 = arith.subi %sign3A_154, %sign3A_157 : i32
        %ne3A_159 = arith.cmpi ne, %sign3A_151, %sign3A_158 : i32
        %rem3A_160 = arith.remsi %add3A_144, %jit3A_145 : i32
        %ne3A_161 = arith.constant 0 : i32
        %ne3A_162 = arith.cmpi ne, %rem3A_160, %ne3A_161 : i32
        %and3A_163 = arith.andi %ne3A_159, %ne3A_162 : i1
        %sub3A_164 = arith.constant 1 : i32
        %sub3A_165 = arith.subi %div3A, %sub3A_164 : i32
        %select_n3A_166 = arith.select %and3A_163, %sub3A_165, %div3A : i32
        %mul3A_167 = arith.constant 63 : i32
        %mul3A_168 = arith.muli %select_n3A_166, %mul3A_167 : i32
        %sub3A_169 = arith.subi %add3A_144, %mul3A_168 : i32
        %mul3A_170 = arith.constant 24 : i32
        %mul3A_171 = arith.muli %sub3A_169, %mul3A_170 : i32
        %dma_wait3A = arith.constant 0 : i32
        %dma_wait3A_172 = tpu.memref_slice %arg3[%select_n3A_166, %mul3A_171, %dma_wait3A] : memref<50x1512x1024xf32, #tpu.memory_space<hbm>> -> memref<1x24x1024xf32, #tpu.memory_space<hbm>>
        %dma_wait3A_173 = tpu.memref_squeeze %dma_wait3A_172 : memref<1x24x1024xf32, #tpu.memory_space<hbm>> -> memref<24x1024xf32, #tpu.memory_space<hbm>>
        %dma_wait3A_174 = arith.constant 0 : i32
        %dma_wait3A_175 = tpu.memref_slice %arg3[%select_n3A_166, %mul3A_171, %dma_wait3A_174] : memref<50x1512x1024xf32, #tpu.memory_space<hbm>> -> memref<1x24x1024xf32, #tpu.memory_space<hbm>>
        %dma_wait3A_176 = tpu.memref_squeeze %dma_wait3A_175 : memref<1x24x1024xf32, #tpu.memory_space<hbm>> -> memref<24x1024xf32, #tpu.memory_space<hbm>>
        tpu.wait_dma2 semaphore(%arg14 : memref<!tpu.dma_semaphore, #tpu.memory_space<semaphore_mem>>) src(%arg10 : memref<24x1024xf32, #tpu.memory_space<vmem>>) dst(%dma_wait3A_176 : memref<24x1024xf32, #tpu.memory_space<hbm>>)
      } else {
      }
      %jit3A_123 = arith.constant 4 : i32
      %eq3A_124 = arith.constant 0 : i32
      %eq3A_125 = arith.cmpi eq, %jit3A_123, %eq3A_124 : i32
      %jit3A_126 = arith.constant 1 : i32
      %select_n3A_127 = arith.select %eq3A_125, %jit3A_126, %jit3A_123 : i32
      %rem3A_128 = arith.remsi %sub3A_63, %select_n3A_127 : i32
      %ne3A_129 = arith.constant 0 : i32
      %ne3A_130 = arith.cmpi ne, %rem3A_128, %ne3A_129 : i32
      %lt3A_131 = arith.constant 0 : i32
      %lt3A_132 = arith.cmpi slt, %rem3A_128, %lt3A_131 : i32
      %lt3A_133 = arith.constant 0 : i32
      %lt3A_134 = arith.cmpi slt, %select_n3A_127, %lt3A_133 : i32
      %ne3A_135 = arith.xori %lt3A_132, %lt3A_134 : i1
      %and3A_136 = arith.andi %ne3A_135, %ne3A_130 : i1
      %add3A_137 = arith.addi %rem3A_128, %select_n3A_127 : i32
      %select_n3A_138 = arith.select %and3A_136, %add3A_137, %rem3A_128 : i32
      %eq3A_139 = arith.constant 3 : i32
      %eq3A_140 = arith.cmpi eq, %select_n3A_138, %eq3A_139 : i32
      %convert_element_type3A_141 = arith.extui %eq3A_140 : i1 to i32
      %cond3A_142 = arith.constant 0 : i32
      %cond3A_143 = arith.cmpi ne, %convert_element_type3A_141, %cond3A_142 : i32
      scf.if %cond3A_143 {
        %add3A_144 = arith.addi %add3A_4, %sub3A_63 : i32
        %jit3A_145 = arith.constant 63 : i32
        %div3A = arith.divsi %add3A_144, %jit3A_145 : i32
        %sign3A = arith.constant 0 : i32
        %sign3A_146 = arith.cmpi sgt, %add3A_144, %sign3A : i32
        %sign3A_147 = arith.extui %sign3A_146 : i1 to i32
        %sign3A_148 = arith.constant 0 : i32
        %sign3A_149 = arith.cmpi slt, %add3A_144, %sign3A_148 : i32
        %sign3A_150 = arith.extui %sign3A_149 : i1 to i32
        %sign3A_151 = arith.subi %sign3A_147, %sign3A_150 : i32
        %sign3A_152 = arith.constant 0 : i32
        %sign3A_153 = arith.cmpi sgt, %jit3A_145, %sign3A_152 : i32
        %sign3A_154 = arith.extui %sign3A_153 : i1 to i32
        %sign3A_155 = arith.constant 0 : i32
        %sign3A_156 = arith.cmpi slt, %jit3A_145, %sign3A_155 : i32
        %sign3A_157 = arith.extui %sign3A_156 : i1 to i32
        %sign3A_158 = arith.subi %sign3A_154, %sign3A_157 : i32
        %ne3A_159 = arith.cmpi ne, %sign3A_151, %sign3A_158 : i32
        %rem3A_160 = arith.remsi %add3A_144, %jit3A_145 : i32
        %ne3A_161 = arith.constant 0 : i32
        %ne3A_162 = arith.cmpi ne, %rem3A_160, %ne3A_161 : i32
        %and3A_163 = arith.andi %ne3A_159, %ne3A_162 : i1
        %sub3A_164 = arith.constant 1 : i32
        %sub3A_165 = arith.subi %div3A, %sub3A_164 : i32
        %select_n3A_166 = arith.select %and3A_163, %sub3A_165, %div3A : i32
        %mul3A_167 = arith.constant 63 : i32
        %mul3A_168 = arith.muli %select_n3A_166, %mul3A_167 : i32
        %sub3A_169 = arith.subi %add3A_144, %mul3A_168 : i32
        %mul3A_170 = arith.constant 24 : i32
        %mul3A_171 = arith.muli %sub3A_169, %mul3A_170 : i32
        %dma_wait3A = arith.constant 0 : i32
        %dma_wait3A_172 = tpu.memref_slice %arg3[%select_n3A_166, %mul3A_171, %dma_wait3A] : memref<50x1512x1024xf32, #tpu.memory_space<hbm>> -> memref<1x24x1024xf32, #tpu.memory_space<hbm>>
        %dma_wait3A_173 = tpu.memref_squeeze %dma_wait3A_172 : memref<1x24x1024xf32, #tpu.memory_space<hbm>> -> memref<24x1024xf32, #tpu.memory_space<hbm>>
        %dma_wait3A_174 = arith.constant 0 : i32
        %dma_wait3A_175 = tpu.memref_slice %arg3[%select_n3A_166, %mul3A_171, %dma_wait3A_174] : memref<50x1512x1024xf32, #tpu.memory_space<hbm>> -> memref<1x24x1024xf32, #tpu.memory_space<hbm>>
        %dma_wait3A_176 = tpu.memref_squeeze %dma_wait3A_175 : memref<1x24x1024xf32, #tpu.memory_space<hbm>> -> memref<24x1024xf32, #tpu.memory_space<hbm>>
        tpu.wait_dma2 semaphore(%arg15 : memref<!tpu.dma_semaphore, #tpu.memory_space<semaphore_mem>>) src(%arg11 : memref<24x1024xf32, #tpu.memory_space<vmem>>) dst(%dma_wait3A_176 : memref<24x1024xf32, #tpu.memory_space<hbm>>)
      } else {
      }
    } else {
    }
    %ge3A_53 = arith.constant 3 : i32
    %ge3A_54 = arith.cmpi sge, %add3A_8, %ge3A_53 : i32
    %convert_element_type3A_55 = arith.extui %ge3A_54 : i1 to i32
    %cond3A_56 = arith.constant 0 : i32
    %cond3A_57 = arith.cmpi ne, %convert_element_type3A_55, %cond3A_56 : i32
    scf.if %cond3A_57 {
      %sub3A = arith.constant 3 : i32
      %sub3A_63 = arith.subi %add3A_8, %sub3A : i32
      %jit3A_64 = arith.constant 4 : i32
      %eq3A = arith.constant 0 : i32
      %eq3A_65 = arith.cmpi eq, %jit3A_64, %eq3A : i32
      %jit3A_66 = arith.constant 1 : i32
      %select_n3A_67 = arith.select %eq3A_65, %jit3A_66, %jit3A_64 : i32
      %rem3A = arith.remsi %sub3A_63, %select_n3A_67 : i32
      %ne3A = arith.constant 0 : i32
      %ne3A_68 = arith.cmpi ne, %rem3A, %ne3A : i32
      %lt3A_69 = arith.constant 0 : i32
      %lt3A_70 = arith.cmpi slt, %rem3A, %lt3A_69 : i32
      %lt3A_71 = arith.constant 0 : i32
      %lt3A_72 = arith.cmpi slt, %select_n3A_67, %lt3A_71 : i32
      %ne3A_73 = arith.xori %lt3A_70, %lt3A_72 : i1
      %and3A = arith.andi %ne3A_73, %ne3A_68 : i1
      %add3A_74 = arith.addi %rem3A, %select_n3A_67 : i32
      %select_n3A_75 = arith.select %and3A, %add3A_74, %rem3A : i32
      %eq3A_76 = arith.constant 0 : i32
      %eq3A_77 = arith.cmpi eq, %select_n3A_75, %eq3A_76 : i32
      %convert_element_type3A_78 = arith.extui %eq3A_77 : i1 to i32
      %cond3A_79 = arith.constant 0 : i32
      %cond3A_80 = arith.cmpi ne, %convert_element_type3A_78, %cond3A_79 : i32
      scf.if %cond3A_80 {
        %add3A_144 = arith.addi %add3A_4, %sub3A_63 : i32
        %jit3A_145 = arith.constant 63 : i32
        %div3A = arith.divsi %add3A_144, %jit3A_145 : i32
        %sign3A = arith.constant 0 : i32
        %sign3A_146 = arith.cmpi sgt, %add3A_144, %sign3A : i32
        %sign3A_147 = arith.extui %sign3A_146 : i1 to i32
        %sign3A_148 = arith.constant 0 : i32
        %sign3A_149 = arith.cmpi slt, %add3A_144, %sign3A_148 : i32
        %sign3A_150 = arith.extui %sign3A_149 : i1 to i32
        %sign3A_151 = arith.subi %sign3A_147, %sign3A_150 : i32
        %sign3A_152 = arith.constant 0 : i32
        %sign3A_153 = arith.cmpi sgt, %jit3A_145, %sign3A_152 : i32
        %sign3A_154 = arith.extui %sign3A_153 : i1 to i32
        %sign3A_155 = arith.constant 0 : i32
        %sign3A_156 = arith.cmpi slt, %jit3A_145, %sign3A_155 : i32
        %sign3A_157 = arith.extui %sign3A_156 : i1 to i32
        %sign3A_158 = arith.subi %sign3A_154, %sign3A_157 : i32
        %ne3A_159 = arith.cmpi ne, %sign3A_151, %sign3A_158 : i32
        %rem3A_160 = arith.remsi %add3A_144, %jit3A_145 : i32
        %ne3A_161 = arith.constant 0 : i32
        %ne3A_162 = arith.cmpi ne, %rem3A_160, %ne3A_161 : i32
        %and3A_163 = arith.andi %ne3A_159, %ne3A_162 : i1
        %sub3A_164 = arith.constant 1 : i32
        %sub3A_165 = arith.subi %div3A, %sub3A_164 : i32
        %select_n3A_166 = arith.select %and3A_163, %sub3A_165, %div3A : i32
        %mul3A_167 = arith.constant 63 : i32
        %mul3A_168 = arith.muli %select_n3A_166, %mul3A_167 : i32
        %sub3A_169 = arith.subi %add3A_144, %mul3A_168 : i32
        %mul3A_170 = arith.constant 24 : i32
        %mul3A_171 = arith.muli %sub3A_169, %mul3A_170 : i32
        %dma_wait3A = arith.constant 0 : i32
        %dma_wait3A_172 = tpu.memref_slice %arg3[%select_n3A_166, %mul3A_171, %dma_wait3A] : memref<50x1512x1024xf32, #tpu.memory_space<hbm>> -> memref<1x24x1024xf32, #tpu.memory_space<hbm>>
        %dma_wait3A_173 = tpu.memref_squeeze %dma_wait3A_172 : memref<1x24x1024xf32, #tpu.memory_space<hbm>> -> memref<24x1024xf32, #tpu.memory_space<hbm>>
        %dma_wait3A_174 = arith.constant 0 : i32
        %dma_wait3A_175 = tpu.memref_slice %arg3[%select_n3A_166, %mul3A_171, %dma_wait3A_174] : memref<50x1512x1024xf32, #tpu.memory_space<hbm>> -> memref<1x24x1024xf32, #tpu.memory_space<hbm>>
        %dma_wait3A_176 = tpu.memref_squeeze %dma_wait3A_175 : memref<1x24x1024xf32, #tpu.memory_space<hbm>> -> memref<24x1024xf32, #tpu.memory_space<hbm>>
        tpu.wait_dma2 semaphore(%arg12 : memref<!tpu.dma_semaphore, #tpu.memory_space<semaphore_mem>>) src(%arg8 : memref<24x1024xf32, #tpu.memory_space<vmem>>) dst(%dma_wait3A_176 : memref<24x1024xf32, #tpu.memory_space<hbm>>)
      } else {
      }
      %jit3A_81 = arith.constant 4 : i32
      %eq3A_82 = arith.constant 0 : i32
      %eq3A_83 = arith.cmpi eq, %jit3A_81, %eq3A_82 : i32
      %jit3A_84 = arith.constant 1 : i32
      %select_n3A_85 = arith.select %eq3A_83, %jit3A_84, %jit3A_81 : i32
      %rem3A_86 = arith.remsi %sub3A_63, %select_n3A_85 : i32
      %ne3A_87 = arith.constant 0 : i32
      %ne3A_88 = arith.cmpi ne, %rem3A_86, %ne3A_87 : i32
      %lt3A_89 = arith.constant 0 : i32
      %lt3A_90 = arith.cmpi slt, %rem3A_86, %lt3A_89 : i32
      %lt3A_91 = arith.constant 0 : i32
      %lt3A_92 = arith.cmpi slt, %select_n3A_85, %lt3A_91 : i32
      %ne3A_93 = arith.xori %lt3A_90, %lt3A_92 : i1
      %and3A_94 = arith.andi %ne3A_93, %ne3A_88 : i1
      %add3A_95 = arith.addi %rem3A_86, %select_n3A_85 : i32
      %select_n3A_96 = arith.select %and3A_94, %add3A_95, %rem3A_86 : i32
      %eq3A_97 = arith.constant 1 : i32
      %eq3A_98 = arith.cmpi eq, %select_n3A_96, %eq3A_97 : i32
      %convert_element_type3A_99 = arith.extui %eq3A_98 : i1 to i32
      %cond3A_100 = arith.constant 0 : i32
      %cond3A_101 = arith.cmpi ne, %convert_element_type3A_99, %cond3A_100 : i32
      scf.if %cond3A_101 {
        %add3A_144 = arith.addi %add3A_4, %sub3A_63 : i32
        %jit3A_145 = arith.constant 63 : i32
        %div3A = arith.divsi %add3A_144, %jit3A_145 : i32
        %sign3A = arith.constant 0 : i32
        %sign3A_146 = arith.cmpi sgt, %add3A_144, %sign3A : i32
        %sign3A_147 = arith.extui %sign3A_146 : i1 to i32
        %sign3A_148 = arith.constant 0 : i32
        %sign3A_149 = arith.cmpi slt, %add3A_144, %sign3A_148 : i32
        %sign3A_150 = arith.extui %sign3A_149 : i1 to i32
        %sign3A_151 = arith.subi %sign3A_147, %sign3A_150 : i32
        %sign3A_152 = arith.constant 0 : i32
        %sign3A_153 = arith.cmpi sgt, %jit3A_145, %sign3A_152 : i32
        %sign3A_154 = arith.extui %sign3A_153 : i1 to i32
        %sign3A_155 = arith.constant 0 : i32
        %sign3A_156 = arith.cmpi slt, %jit3A_145, %sign3A_155 : i32
        %sign3A_157 = arith.extui %sign3A_156 : i1 to i32
        %sign3A_158 = arith.subi %sign3A_154, %sign3A_157 : i32
        %ne3A_159 = arith.cmpi ne, %sign3A_151, %sign3A_158 : i32
        %rem3A_160 = arith.remsi %add3A_144, %jit3A_145 : i32
        %ne3A_161 = arith.constant 0 : i32
        %ne3A_162 = arith.cmpi ne, %rem3A_160, %ne3A_161 : i32
        %and3A_163 = arith.andi %ne3A_159, %ne3A_162 : i1
        %sub3A_164 = arith.constant 1 : i32
        %sub3A_165 = arith.subi %div3A, %sub3A_164 : i32
        %select_n3A_166 = arith.select %and3A_163, %sub3A_165, %div3A : i32
        %mul3A_167 = arith.constant 63 : i32
        %mul3A_168 = arith.muli %select_n3A_166, %mul3A_167 : i32
        %sub3A_169 = arith.subi %add3A_144, %mul3A_168 : i32
        %mul3A_170 = arith.constant 24 : i32
        %mul3A_171 = arith.muli %sub3A_169, %mul3A_170 : i32
        %dma_wait3A = arith.constant 0 : i32
        %dma_wait3A_172 = tpu.memref_slice %arg3[%select_n3A_166, %mul3A_171, %dma_wait3A] : memref<50x1512x1024xf32, #tpu.memory_space<hbm>> -> memref<1x24x1024xf32, #tpu.memory_space<hbm>>
        %dma_wait3A_173 = tpu.memref_squeeze %dma_wait3A_172 : memref<1x24x1024xf32, #tpu.memory_space<hbm>> -> memref<24x1024xf32, #tpu.memory_space<hbm>>
        %dma_wait3A_174 = arith.constant 0 : i32
        %dma_wait3A_175 = tpu.memref_slice %arg3[%select_n3A_166, %mul3A_171, %dma_wait3A_174] : memref<50x1512x1024xf32, #tpu.memory_space<hbm>> -> memref<1x24x1024xf32, #tpu.memory_space<hbm>>
        %dma_wait3A_176 = tpu.memref_squeeze %dma_wait3A_175 : memref<1x24x1024xf32, #tpu.memory_space<hbm>> -> memref<24x1024xf32, #tpu.memory_space<hbm>>
        tpu.wait_dma2 semaphore(%arg13 : memref<!tpu.dma_semaphore, #tpu.memory_space<semaphore_mem>>) src(%arg9 : memref<24x1024xf32, #tpu.memory_space<vmem>>) dst(%dma_wait3A_176 : memref<24x1024xf32, #tpu.memory_space<hbm>>)
      } else {
      }
      %jit3A_102 = arith.constant 4 : i32
      %eq3A_103 = arith.constant 0 : i32
      %eq3A_104 = arith.cmpi eq, %jit3A_102, %eq3A_103 : i32
      %jit3A_105 = arith.constant 1 : i32
      %select_n3A_106 = arith.select %eq3A_104, %jit3A_105, %jit3A_102 : i32
      %rem3A_107 = arith.remsi %sub3A_63, %select_n3A_106 : i32
      %ne3A_108 = arith.constant 0 : i32
      %ne3A_109 = arith.cmpi ne, %rem3A_107, %ne3A_108 : i32
      %lt3A_110 = arith.constant 0 : i32
      %lt3A_111 = arith.cmpi slt, %rem3A_107, %lt3A_110 : i32
      %lt3A_112 = arith.constant 0 : i32
      %lt3A_113 = arith.cmpi slt, %select_n3A_106, %lt3A_112 : i32
      %ne3A_114 = arith.xori %lt3A_111, %lt3A_113 : i1
      %and3A_115 = arith.andi %ne3A_114, %ne3A_109 : i1
      %add3A_116 = arith.addi %rem3A_107, %select_n3A_106 : i32
      %select_n3A_117 = arith.select %and3A_115, %add3A_116, %rem3A_107 : i32
      %eq3A_118 = arith.constant 2 : i32
      %eq3A_119 = arith.cmpi eq, %select_n3A_117, %eq3A_118 : i32
      %convert_element_type3A_120 = arith.extui %eq3A_119 : i1 to i32
      %cond3A_121 = arith.constant 0 : i32
      %cond3A_122 = arith.cmpi ne, %convert_element_type3A_120, %cond3A_121 : i32
      scf.if %cond3A_122 {
        %add3A_144 = arith.addi %add3A_4, %sub3A_63 : i32
        %jit3A_145 = arith.constant 63 : i32
        %div3A = arith.divsi %add3A_144, %jit3A_145 : i32
        %sign3A = arith.constant 0 : i32
        %sign3A_146 = arith.cmpi sgt, %add3A_144, %sign3A : i32
        %sign3A_147 = arith.extui %sign3A_146 : i1 to i32
        %sign3A_148 = arith.constant 0 : i32
        %sign3A_149 = arith.cmpi slt, %add3A_144, %sign3A_148 : i32
        %sign3A_150 = arith.extui %sign3A_149 : i1 to i32
        %sign3A_151 = arith.subi %sign3A_147, %sign3A_150 : i32
        %sign3A_152 = arith.constant 0 : i32
        %sign3A_153 = arith.cmpi sgt, %jit3A_145, %sign3A_152 : i32
        %sign3A_154 = arith.extui %sign3A_153 : i1 to i32
        %sign3A_155 = arith.constant 0 : i32
        %sign3A_156 = arith.cmpi slt, %jit3A_145, %sign3A_155 : i32
        %sign3A_157 = arith.extui %sign3A_156 : i1 to i32
        %sign3A_158 = arith.subi %sign3A_154, %sign3A_157 : i32
        %ne3A_159 = arith.cmpi ne, %sign3A_151, %sign3A_158 : i32
        %rem3A_160 = arith.remsi %add3A_144, %jit3A_145 : i32
        %ne3A_161 = arith.constant 0 : i32
        %ne3A_162 = arith.cmpi ne, %rem3A_160, %ne3A_161 : i32
        %and3A_163 = arith.andi %ne3A_159, %ne3A_162 : i1
        %sub3A_164 = arith.constant 1 : i32
        %sub3A_165 = arith.subi %div3A, %sub3A_164 : i32
        %select_n3A_166 = arith.select %and3A_163, %sub3A_165, %div3A : i32
        %mul3A_167 = arith.constant 63 : i32
        %mul3A_168 = arith.muli %select_n3A_166, %mul3A_167 : i32
        %sub3A_169 = arith.subi %add3A_144, %mul3A_168 : i32
        %mul3A_170 = arith.constant 24 : i32
        %mul3A_171 = arith.muli %sub3A_169, %mul3A_170 : i32
        %dma_wait3A = arith.constant 0 : i32
        %dma_wait3A_172 = tpu.memref_slice %arg3[%select_n3A_166, %mul3A_171, %dma_wait3A] : memref<50x1512x1024xf32, #tpu.memory_space<hbm>> -> memref<1x24x1024xf32, #tpu.memory_space<hbm>>
        %dma_wait3A_173 = tpu.memref_squeeze %dma_wait3A_172 : memref<1x24x1024xf32, #tpu.memory_space<hbm>> -> memref<24x1024xf32, #tpu.memory_space<hbm>>
        %dma_wait3A_174 = arith.constant 0 : i32
        %dma_wait3A_175 = tpu.memref_slice %arg3[%select_n3A_166, %mul3A_171, %dma_wait3A_174] : memref<50x1512x1024xf32, #tpu.memory_space<hbm>> -> memref<1x24x1024xf32, #tpu.memory_space<hbm>>
        %dma_wait3A_176 = tpu.memref_squeeze %dma_wait3A_175 : memref<1x24x1024xf32, #tpu.memory_space<hbm>> -> memref<24x1024xf32, #tpu.memory_space<hbm>>
        tpu.wait_dma2 semaphore(%arg14 : memref<!tpu.dma_semaphore, #tpu.memory_space<semaphore_mem>>) src(%arg10 : memref<24x1024xf32, #tpu.memory_space<vmem>>) dst(%dma_wait3A_176 : memref<24x1024xf32, #tpu.memory_space<hbm>>)
      } else {
      }
      %jit3A_123 = arith.constant 4 : i32
      %eq3A_124 = arith.constant 0 : i32
      %eq3A_125 = arith.cmpi eq, %jit3A_123, %eq3A_124 : i32
      %jit3A_126 = arith.constant 1 : i32
      %select_n3A_127 = arith.select %eq3A_125, %jit3A_126, %jit3A_123 : i32
      %rem3A_128 = arith.remsi %sub3A_63, %select_n3A_127 : i32
      %ne3A_129 = arith.constant 0 : i32
      %ne3A_130 = arith.cmpi ne, %rem3A_128, %ne3A_129 : i32
      %lt3A_131 = arith.constant 0 : i32
      %lt3A_132 = arith.cmpi slt, %rem3A_128, %lt3A_131 : i32
      %lt3A_133 = arith.constant 0 : i32
      %lt3A_134 = arith.cmpi slt, %select_n3A_127, %lt3A_133 : i32
      %ne3A_135 = arith.xori %lt3A_132, %lt3A_134 : i1
      %and3A_136 = arith.andi %ne3A_135, %ne3A_130 : i1
      %add3A_137 = arith.addi %rem3A_128, %select_n3A_127 : i32
      %select_n3A_138 = arith.select %and3A_136, %add3A_137, %rem3A_128 : i32
      %eq3A_139 = arith.constant 3 : i32
      %eq3A_140 = arith.cmpi eq, %select_n3A_138, %eq3A_139 : i32
      %convert_element_type3A_141 = arith.extui %eq3A_140 : i1 to i32
      %cond3A_142 = arith.constant 0 : i32
      %cond3A_143 = arith.cmpi ne, %convert_element_type3A_141, %cond3A_142 : i32
      scf.if %cond3A_143 {
        %add3A_144 = arith.addi %add3A_4, %sub3A_63 : i32
        %jit3A_145 = arith.constant 63 : i32
        %div3A = arith.divsi %add3A_144, %jit3A_145 : i32
        %sign3A = arith.constant 0 : i32
        %sign3A_146 = arith.cmpi sgt, %add3A_144, %sign3A : i32
        %sign3A_147 = arith.extui %sign3A_146 : i1 to i32
        %sign3A_148 = arith.constant 0 : i32
        %sign3A_149 = arith.cmpi slt, %add3A_144, %sign3A_148 : i32
        %sign3A_150 = arith.extui %sign3A_149 : i1 to i32
        %sign3A_151 = arith.subi %sign3A_147, %sign3A_150 : i32
        %sign3A_152 = arith.constant 0 : i32
        %sign3A_153 = arith.cmpi sgt, %jit3A_145, %sign3A_152 : i32
        %sign3A_154 = arith.extui %sign3A_153 : i1 to i32
        %sign3A_155 = arith.constant 0 : i32
        %sign3A_156 = arith.cmpi slt, %jit3A_145, %sign3A_155 : i32
        %sign3A_157 = arith.extui %sign3A_156 : i1 to i32
        %sign3A_158 = arith.subi %sign3A_154, %sign3A_157 : i32
        %ne3A_159 = arith.cmpi ne, %sign3A_151, %sign3A_158 : i32
        %rem3A_160 = arith.remsi %add3A_144, %jit3A_145 : i32
        %ne3A_161 = arith.constant 0 : i32
        %ne3A_162 = arith.cmpi ne, %rem3A_160, %ne3A_161 : i32
        %and3A_163 = arith.andi %ne3A_159, %ne3A_162 : i1
        %sub3A_164 = arith.constant 1 : i32
        %sub3A_165 = arith.subi %div3A, %sub3A_164 : i32
        %select_n3A_166 = arith.select %and3A_163, %sub3A_165, %div3A : i32
        %mul3A_167 = arith.constant 63 : i32
        %mul3A_168 = arith.muli %select_n3A_166, %mul3A_167 : i32
        %sub3A_169 = arith.subi %add3A_144, %mul3A_168 : i32
        %mul3A_170 = arith.constant 24 : i32
        %mul3A_171 = arith.muli %sub3A_169, %mul3A_170 : i32
        %dma_wait3A = arith.constant 0 : i32
        %dma_wait3A_172 = tpu.memref_slice %arg3[%select_n3A_166, %mul3A_171, %dma_wait3A] : memref<50x1512x1024xf32, #tpu.memory_space<hbm>> -> memref<1x24x1024xf32, #tpu.memory_space<hbm>>
        %dma_wait3A_173 = tpu.memref_squeeze %dma_wait3A_172 : memref<1x24x1024xf32, #tpu.memory_space<hbm>> -> memref<24x1024xf32, #tpu.memory_space<hbm>>
        %dma_wait3A_174 = arith.constant 0 : i32
        %dma_wait3A_175 = tpu.memref_slice %arg3[%select_n3A_166, %mul3A_171, %dma_wait3A_174] : memref<50x1512x1024xf32, #tpu.memory_space<hbm>> -> memref<1x24x1024xf32, #tpu.memory_space<hbm>>
        %dma_wait3A_176 = tpu.memref_squeeze %dma_wait3A_175 : memref<1x24x1024xf32, #tpu.memory_space<hbm>> -> memref<24x1024xf32, #tpu.memory_space<hbm>>
        tpu.wait_dma2 semaphore(%arg15 : memref<!tpu.dma_semaphore, #tpu.memory_space<semaphore_mem>>) src(%arg11 : memref<24x1024xf32, #tpu.memory_space<vmem>>) dst(%dma_wait3A_176 : memref<24x1024xf32, #tpu.memory_space<hbm>>)
      } else {
      }
    } else {
    }
    %ge3A_58 = arith.constant 4 : i32
    %ge3A_59 = arith.cmpi sge, %add3A_8, %ge3A_58 : i32
    %convert_element_type3A_60 = arith.extui %ge3A_59 : i1 to i32
    %cond3A_61 = arith.constant 0 : i32
    %cond3A_62 = arith.cmpi ne, %convert_element_type3A_60, %cond3A_61 : i32
    scf.if %cond3A_62 {
      %sub3A = arith.constant 4 : i32
      %sub3A_63 = arith.subi %add3A_8, %sub3A : i32
      %jit3A_64 = arith.constant 4 : i32
      %eq3A = arith.constant 0 : i32
      %eq3A_65 = arith.cmpi eq, %jit3A_64, %eq3A : i32
      %jit3A_66 = arith.constant 1 : i32
      %select_n3A_67 = arith.select %eq3A_65, %jit3A_66, %jit3A_64 : i32
      %rem3A = arith.remsi %sub3A_63, %select_n3A_67 : i32
      %ne3A = arith.constant 0 : i32
      %ne3A_68 = arith.cmpi ne, %rem3A, %ne3A : i32
      %lt3A_69 = arith.constant 0 : i32
      %lt3A_70 = arith.cmpi slt, %rem3A, %lt3A_69 : i32
      %lt3A_71 = arith.constant 0 : i32
      %lt3A_72 = arith.cmpi slt, %select_n3A_67, %lt3A_71 : i32
      %ne3A_73 = arith.xori %lt3A_70, %lt3A_72 : i1
      %and3A = arith.andi %ne3A_73, %ne3A_68 : i1
      %add3A_74 = arith.addi %rem3A, %select_n3A_67 : i32
      %select_n3A_75 = arith.select %and3A, %add3A_74, %rem3A : i32
      %eq3A_76 = arith.constant 0 : i32
      %eq3A_77 = arith.cmpi eq, %select_n3A_75, %eq3A_76 : i32
      %convert_element_type3A_78 = arith.extui %eq3A_77 : i1 to i32
      %cond3A_79 = arith.constant 0 : i32
      %cond3A_80 = arith.cmpi ne, %convert_element_type3A_78, %cond3A_79 : i32
      scf.if %cond3A_80 {
        %add3A_144 = arith.addi %add3A_4, %sub3A_63 : i32
        %jit3A_145 = arith.constant 63 : i32
        %div3A = arith.divsi %add3A_144, %jit3A_145 : i32
        %sign3A = arith.constant 0 : i32
        %sign3A_146 = arith.cmpi sgt, %add3A_144, %sign3A : i32
        %sign3A_147 = arith.extui %sign3A_146 : i1 to i32
        %sign3A_148 = arith.constant 0 : i32
        %sign3A_149 = arith.cmpi slt, %add3A_144, %sign3A_148 : i32
        %sign3A_150 = arith.extui %sign3A_149 : i1 to i32
        %sign3A_151 = arith.subi %sign3A_147, %sign3A_150 : i32
        %sign3A_152 = arith.constant 0 : i32
        %sign3A_153 = arith.cmpi sgt, %jit3A_145, %sign3A_152 : i32
        %sign3A_154 = arith.extui %sign3A_153 : i1 to i32
        %sign3A_155 = arith.constant 0 : i32
        %sign3A_156 = arith.cmpi slt, %jit3A_145, %sign3A_155 : i32
        %sign3A_157 = arith.extui %sign3A_156 : i1 to i32
        %sign3A_158 = arith.subi %sign3A_154, %sign3A_157 : i32
        %ne3A_159 = arith.cmpi ne, %sign3A_151, %sign3A_158 : i32
        %rem3A_160 = arith.remsi %add3A_144, %jit3A_145 : i32
        %ne3A_161 = arith.constant 0 : i32
        %ne3A_162 = arith.cmpi ne, %rem3A_160, %ne3A_161 : i32
        %and3A_163 = arith.andi %ne3A_159, %ne3A_162 : i1
        %sub3A_164 = arith.constant 1 : i32
        %sub3A_165 = arith.subi %div3A, %sub3A_164 : i32
        %select_n3A_166 = arith.select %and3A_163, %sub3A_165, %div3A : i32
        %mul3A_167 = arith.constant 63 : i32
        %mul3A_168 = arith.muli %select_n3A_166, %mul3A_167 : i32
        %sub3A_169 = arith.subi %add3A_144, %mul3A_168 : i32
        %mul3A_170 = arith.constant 24 : i32
        %mul3A_171 = arith.muli %sub3A_169, %mul3A_170 : i32
        %dma_wait3A = arith.constant 0 : i32
        %dma_wait3A_172 = tpu.memref_slice %arg3[%select_n3A_166, %mul3A_171, %dma_wait3A] : memref<50x1512x1024xf32, #tpu.memory_space<hbm>> -> memref<1x24x1024xf32, #tpu.memory_space<hbm>>
        %dma_wait3A_173 = tpu.memref_squeeze %dma_wait3A_172 : memref<1x24x1024xf32, #tpu.memory_space<hbm>> -> memref<24x1024xf32, #tpu.memory_space<hbm>>
        %dma_wait3A_174 = arith.constant 0 : i32
        %dma_wait3A_175 = tpu.memref_slice %arg3[%select_n3A_166, %mul3A_171, %dma_wait3A_174] : memref<50x1512x1024xf32, #tpu.memory_space<hbm>> -> memref<1x24x1024xf32, #tpu.memory_space<hbm>>
        %dma_wait3A_176 = tpu.memref_squeeze %dma_wait3A_175 : memref<1x24x1024xf32, #tpu.memory_space<hbm>> -> memref<24x1024xf32, #tpu.memory_space<hbm>>
        tpu.wait_dma2 semaphore(%arg12 : memref<!tpu.dma_semaphore, #tpu.memory_space<semaphore_mem>>) src(%arg8 : memref<24x1024xf32, #tpu.memory_space<vmem>>) dst(%dma_wait3A_176 : memref<24x1024xf32, #tpu.memory_space<hbm>>)
      } else {
      }
      %jit3A_81 = arith.constant 4 : i32
      %eq3A_82 = arith.constant 0 : i32
      %eq3A_83 = arith.cmpi eq, %jit3A_81, %eq3A_82 : i32
      %jit3A_84 = arith.constant 1 : i32
      %select_n3A_85 = arith.select %eq3A_83, %jit3A_84, %jit3A_81 : i32
      %rem3A_86 = arith.remsi %sub3A_63, %select_n3A_85 : i32
      %ne3A_87 = arith.constant 0 : i32
      %ne3A_88 = arith.cmpi ne, %rem3A_86, %ne3A_87 : i32
      %lt3A_89 = arith.constant 0 : i32
      %lt3A_90 = arith.cmpi slt, %rem3A_86, %lt3A_89 : i32
      %lt3A_91 = arith.constant 0 : i32
      %lt3A_92 = arith.cmpi slt, %select_n3A_85, %lt3A_91 : i32
      %ne3A_93 = arith.xori %lt3A_90, %lt3A_92 : i1
      %and3A_94 = arith.andi %ne3A_93, %ne3A_88 : i1
      %add3A_95 = arith.addi %rem3A_86, %select_n3A_85 : i32
      %select_n3A_96 = arith.select %and3A_94, %add3A_95, %rem3A_86 : i32
      %eq3A_97 = arith.constant 1 : i32
      %eq3A_98 = arith.cmpi eq, %select_n3A_96, %eq3A_97 : i32
      %convert_element_type3A_99 = arith.extui %eq3A_98 : i1 to i32
      %cond3A_100 = arith.constant 0 : i32
      %cond3A_101 = arith.cmpi ne, %convert_element_type3A_99, %cond3A_100 : i32
      scf.if %cond3A_101 {
        %add3A_144 = arith.addi %add3A_4, %sub3A_63 : i32
        %jit3A_145 = arith.constant 63 : i32
        %div3A = arith.divsi %add3A_144, %jit3A_145 : i32
        %sign3A = arith.constant 0 : i32
        %sign3A_146 = arith.cmpi sgt, %add3A_144, %sign3A : i32
        %sign3A_147 = arith.extui %sign3A_146 : i1 to i32
        %sign3A_148 = arith.constant 0 : i32
        %sign3A_149 = arith.cmpi slt, %add3A_144, %sign3A_148 : i32
        %sign3A_150 = arith.extui %sign3A_149 : i1 to i32
        %sign3A_151 = arith.subi %sign3A_147, %sign3A_150 : i32
        %sign3A_152 = arith.constant 0 : i32
        %sign3A_153 = arith.cmpi sgt, %jit3A_145, %sign3A_152 : i32
        %sign3A_154 = arith.extui %sign3A_153 : i1 to i32
        %sign3A_155 = arith.constant 0 : i32
        %sign3A_156 = arith.cmpi slt, %jit3A_145, %sign3A_155 : i32
        %sign3A_157 = arith.extui %sign3A_156 : i1 to i32
        %sign3A_158 = arith.subi %sign3A_154, %sign3A_157 : i32
        %ne3A_159 = arith.cmpi ne, %sign3A_151, %sign3A_158 : i32
        %rem3A_160 = arith.remsi %add3A_144, %jit3A_145 : i32
        %ne3A_161 = arith.constant 0 : i32
        %ne3A_162 = arith.cmpi ne, %rem3A_160, %ne3A_161 : i32
        %and3A_163 = arith.andi %ne3A_159, %ne3A_162 : i1
        %sub3A_164 = arith.constant 1 : i32
        %sub3A_165 = arith.subi %div3A, %sub3A_164 : i32
        %select_n3A_166 = arith.select %and3A_163, %sub3A_165, %div3A : i32
        %mul3A_167 = arith.constant 63 : i32
        %mul3A_168 = arith.muli %select_n3A_166, %mul3A_167 : i32
        %sub3A_169 = arith.subi %add3A_144, %mul3A_168 : i32
        %mul3A_170 = arith.constant 24 : i32
        %mul3A_171 = arith.muli %sub3A_169, %mul3A_170 : i32
        %dma_wait3A = arith.constant 0 : i32
        %dma_wait3A_172 = tpu.memref_slice %arg3[%select_n3A_166, %mul3A_171, %dma_wait3A] : memref<50x1512x1024xf32, #tpu.memory_space<hbm>> -> memref<1x24x1024xf32, #tpu.memory_space<hbm>>
        %dma_wait3A_173 = tpu.memref_squeeze %dma_wait3A_172 : memref<1x24x1024xf32, #tpu.memory_space<hbm>> -> memref<24x1024xf32, #tpu.memory_space<hbm>>
        %dma_wait3A_174 = arith.constant 0 : i32
        %dma_wait3A_175 = tpu.memref_slice %arg3[%select_n3A_166, %mul3A_171, %dma_wait3A_174] : memref<50x1512x1024xf32, #tpu.memory_space<hbm>> -> memref<1x24x1024xf32, #tpu.memory_space<hbm>>
        %dma_wait3A_176 = tpu.memref_squeeze %dma_wait3A_175 : memref<1x24x1024xf32, #tpu.memory_space<hbm>> -> memref<24x1024xf32, #tpu.memory_space<hbm>>
        tpu.wait_dma2 semaphore(%arg13 : memref<!tpu.dma_semaphore, #tpu.memory_space<semaphore_mem>>) src(%arg9 : memref<24x1024xf32, #tpu.memory_space<vmem>>) dst(%dma_wait3A_176 : memref<24x1024xf32, #tpu.memory_space<hbm>>)
      } else {
      }
      %jit3A_102 = arith.constant 4 : i32
      %eq3A_103 = arith.constant 0 : i32
      %eq3A_104 = arith.cmpi eq, %jit3A_102, %eq3A_103 : i32
      %jit3A_105 = arith.constant 1 : i32
      %select_n3A_106 = arith.select %eq3A_104, %jit3A_105, %jit3A_102 : i32
      %rem3A_107 = arith.remsi %sub3A_63, %select_n3A_106 : i32
      %ne3A_108 = arith.constant 0 : i32
      %ne3A_109 = arith.cmpi ne, %rem3A_107, %ne3A_108 : i32
      %lt3A_110 = arith.constant 0 : i32
      %lt3A_111 = arith.cmpi slt, %rem3A_107, %lt3A_110 : i32
      %lt3A_112 = arith.constant 0 : i32
      %lt3A_113 = arith.cmpi slt, %select_n3A_106, %lt3A_112 : i32
      %ne3A_114 = arith.xori %lt3A_111, %lt3A_113 : i1
      %and3A_115 = arith.andi %ne3A_114, %ne3A_109 : i1
      %add3A_116 = arith.addi %rem3A_107, %select_n3A_106 : i32
      %select_n3A_117 = arith.select %and3A_115, %add3A_116, %rem3A_107 : i32
      %eq3A_118 = arith.constant 2 : i32
      %eq3A_119 = arith.cmpi eq, %select_n3A_117, %eq3A_118 : i32
      %convert_element_type3A_120 = arith.extui %eq3A_119 : i1 to i32
      %cond3A_121 = arith.constant 0 : i32
      %cond3A_122 = arith.cmpi ne, %convert_element_type3A_120, %cond3A_121 : i32
      scf.if %cond3A_122 {
        %add3A_144 = arith.addi %add3A_4, %sub3A_63 : i32
        %jit3A_145 = arith.constant 63 : i32
        %div3A = arith.divsi %add3A_144, %jit3A_145 : i32
        %sign3A = arith.constant 0 : i32
        %sign3A_146 = arith.cmpi sgt, %add3A_144, %sign3A : i32
        %sign3A_147 = arith.extui %sign3A_146 : i1 to i32
        %sign3A_148 = arith.constant 0 : i32
        %sign3A_149 = arith.cmpi slt, %add3A_144, %sign3A_148 : i32
        %sign3A_150 = arith.extui %sign3A_149 : i1 to i32
        %sign3A_151 = arith.subi %sign3A_147, %sign3A_150 : i32
        %sign3A_152 = arith.constant 0 : i32
        %sign3A_153 = arith.cmpi sgt, %jit3A_145, %sign3A_152 : i32
        %sign3A_154 = arith.extui %sign3A_153 : i1 to i32
        %sign3A_155 = arith.constant 0 : i32
        %sign3A_156 = arith.cmpi slt, %jit3A_145, %sign3A_155 : i32
        %sign3A_157 = arith.extui %sign3A_156 : i1 to i32
        %sign3A_158 = arith.subi %sign3A_154, %sign3A_157 : i32
        %ne3A_159 = arith.cmpi ne, %sign3A_151, %sign3A_158 : i32
        %rem3A_160 = arith.remsi %add3A_144, %jit3A_145 : i32
        %ne3A_161 = arith.constant 0 : i32
        %ne3A_162 = arith.cmpi ne, %rem3A_160, %ne3A_161 : i32
        %and3A_163 = arith.andi %ne3A_159, %ne3A_162 : i1
        %sub3A_164 = arith.constant 1 : i32
        %sub3A_165 = arith.subi %div3A, %sub3A_164 : i32
        %select_n3A_166 = arith.select %and3A_163, %sub3A_165, %div3A : i32
        %mul3A_167 = arith.constant 63 : i32
        %mul3A_168 = arith.muli %select_n3A_166, %mul3A_167 : i32
        %sub3A_169 = arith.subi %add3A_144, %mul3A_168 : i32
        %mul3A_170 = arith.constant 24 : i32
        %mul3A_171 = arith.muli %sub3A_169, %mul3A_170 : i32
        %dma_wait3A = arith.constant 0 : i32
        %dma_wait3A_172 = tpu.memref_slice %arg3[%select_n3A_166, %mul3A_171, %dma_wait3A] : memref<50x1512x1024xf32, #tpu.memory_space<hbm>> -> memref<1x24x1024xf32, #tpu.memory_space<hbm>>
        %dma_wait3A_173 = tpu.memref_squeeze %dma_wait3A_172 : memref<1x24x1024xf32, #tpu.memory_space<hbm>> -> memref<24x1024xf32, #tpu.memory_space<hbm>>
        %dma_wait3A_174 = arith.constant 0 : i32
        %dma_wait3A_175 = tpu.memref_slice %arg3[%select_n3A_166, %mul3A_171, %dma_wait3A_174] : memref<50x1512x1024xf32, #tpu.memory_space<hbm>> -> memref<1x24x1024xf32, #tpu.memory_space<hbm>>
        %dma_wait3A_176 = tpu.memref_squeeze %dma_wait3A_175 : memref<1x24x1024xf32, #tpu.memory_space<hbm>> -> memref<24x1024xf32, #tpu.memory_space<hbm>>
        tpu.wait_dma2 semaphore(%arg14 : memref<!tpu.dma_semaphore, #tpu.memory_space<semaphore_mem>>) src(%arg10 : memref<24x1024xf32, #tpu.memory_space<vmem>>) dst(%dma_wait3A_176 : memref<24x1024xf32, #tpu.memory_space<hbm>>)
      } else {
      }
      %jit3A_123 = arith.constant 4 : i32
      %eq3A_124 = arith.constant 0 : i32
      %eq3A_125 = arith.cmpi eq, %jit3A_123, %eq3A_124 : i32
      %jit3A_126 = arith.constant 1 : i32
      %select_n3A_127 = arith.select %eq3A_125, %jit3A_126, %jit3A_123 : i32
      %rem3A_128 = arith.remsi %sub3A_63, %select_n3A_127 : i32
      %ne3A_129 = arith.constant 0 : i32
      %ne3A_130 = arith.cmpi ne, %rem3A_128, %ne3A_129 : i32
      %lt3A_131 = arith.constant 0 : i32
      %lt3A_132 = arith.cmpi slt, %rem3A_128, %lt3A_131 : i32
      %lt3A_133 = arith.constant 0 : i32
      %lt3A_134 = arith.cmpi slt, %select_n3A_127, %lt3A_133 : i32
      %ne3A_135 = arith.xori %lt3A_132, %lt3A_134 : i1
      %and3A_136 = arith.andi %ne3A_135, %ne3A_130 : i1
      %add3A_137 = arith.addi %rem3A_128, %select_n3A_127 : i32
      %select_n3A_138 = arith.select %and3A_136, %add3A_137, %rem3A_128 : i32
      %eq3A_139 = arith.constant 3 : i32
      %eq3A_140 = arith.cmpi eq, %select_n3A_138, %eq3A_139 : i32
      %convert_element_type3A_141 = arith.extui %eq3A_140 : i1 to i32
      %cond3A_142 = arith.constant 0 : i32
      %cond3A_143 = arith.cmpi ne, %convert_element_type3A_141, %cond3A_142 : i32
      scf.if %cond3A_143 {
        %add3A_144 = arith.addi %add3A_4, %sub3A_63 : i32
        %jit3A_145 = arith.constant 63 : i32
        %div3A = arith.divsi %add3A_144, %jit3A_145 : i32
        %sign3A = arith.constant 0 : i32
        %sign3A_146 = arith.cmpi sgt, %add3A_144, %sign3A : i32
        %sign3A_147 = arith.extui %sign3A_146 : i1 to i32
        %sign3A_148 = arith.constant 0 : i32
        %sign3A_149 = arith.cmpi slt, %add3A_144, %sign3A_148 : i32
        %sign3A_150 = arith.extui %sign3A_149 : i1 to i32
        %sign3A_151 = arith.subi %sign3A_147, %sign3A_150 : i32
        %sign3A_152 = arith.constant 0 : i32
        %sign3A_153 = arith.cmpi sgt, %jit3A_145, %sign3A_152 : i32
        %sign3A_154 = arith.extui %sign3A_153 : i1 to i32
        %sign3A_155 = arith.constant 0 : i32
        %sign3A_156 = arith.cmpi slt, %jit3A_145, %sign3A_155 : i32
        %sign3A_157 = arith.extui %sign3A_156 : i1 to i32
        %sign3A_158 = arith.subi %sign3A_154, %sign3A_157 : i32
        %ne3A_159 = arith.cmpi ne, %sign3A_151, %sign3A_158 : i32
        %rem3A_160 = arith.remsi %add3A_144, %jit3A_145 : i32
        %ne3A_161 = arith.constant 0 : i32
        %ne3A_162 = arith.cmpi ne, %rem3A_160, %ne3A_161 : i32
        %and3A_163 = arith.andi %ne3A_159, %ne3A_162 : i1
        %sub3A_164 = arith.constant 1 : i32
        %sub3A_165 = arith.subi %div3A, %sub3A_164 : i32
        %select_n3A_166 = arith.select %and3A_163, %sub3A_165, %div3A : i32
        %mul3A_167 = arith.constant 63 : i32
        %mul3A_168 = arith.muli %select_n3A_166, %mul3A_167 : i32
        %sub3A_169 = arith.subi %add3A_144, %mul3A_168 : i32
        %mul3A_170 = arith.constant 24 : i32
        %mul3A_171 = arith.muli %sub3A_169, %mul3A_170 : i32
        %dma_wait3A = arith.constant 0 : i32
        %dma_wait3A_172 = tpu.memref_slice %arg3[%select_n3A_166, %mul3A_171, %dma_wait3A] : memref<50x1512x1024xf32, #tpu.memory_space<hbm>> -> memref<1x24x1024xf32, #tpu.memory_space<hbm>>
        %dma_wait3A_173 = tpu.memref_squeeze %dma_wait3A_172 : memref<1x24x1024xf32, #tpu.memory_space<hbm>> -> memref<24x1024xf32, #tpu.memory_space<hbm>>
        %dma_wait3A_174 = arith.constant 0 : i32
        %dma_wait3A_175 = tpu.memref_slice %arg3[%select_n3A_166, %mul3A_171, %dma_wait3A_174] : memref<50x1512x1024xf32, #tpu.memory_space<hbm>> -> memref<1x24x1024xf32, #tpu.memory_space<hbm>>
        %dma_wait3A_176 = tpu.memref_squeeze %dma_wait3A_175 : memref<1x24x1024xf32, #tpu.memory_space<hbm>> -> memref<24x1024xf32, #tpu.memory_space<hbm>>
        tpu.wait_dma2 semaphore(%arg15 : memref<!tpu.dma_semaphore, #tpu.memory_space<semaphore_mem>>) src(%arg11 : memref<24x1024xf32, #tpu.memory_space<vmem>>) dst(%dma_wait3A_176 : memref<24x1024xf32, #tpu.memory_space<hbm>>)
      } else {
      }
    } else {
    }
    return
  }
}

</mosaic_0001>

<sc_bundles>
// kernel: kernel.3.cloned.1.call-start
scs
__scs_entry_jumppad:
0x0: {  	(pc) =	sbr.rel $0x88, $3  }
0x1: {  	(tag) =	ssettag $0x0;
	lr =	simm.s32 $0x1  }
0x2: {  	[smem:$0x3FA0] =	sst lr;
	_ =	strace $0xD0000000  }
0x3: {  	_ = 	snop  }
0x4: {  	_ = 	snop  }
0x5: {  	_ = 	snop  }
0x6: {  	_ = 	snop  }
0x7: {  	_ = 	snop  }
__scs_overlays_trampoline_lowered:
0x8: {  	[smem:$0x3FAF] =	sst s0  }
0x9: {  	[smem:$0x3FB0] =	sst s1  }
0xa: {  	[smem:$0x3FB1] =	sst s2  }
0xb: {  	[smem:$0x3FB2] =	sst s3  }
0xc: {  	[smem:$0x3FB3] =	sst s4  }
0xd: {  	[smem:$0x3FB4] =	sst s5  }
0xe: {  	[smem:$0x3FB5] =	sst s6  }
0xf: {  	[smem:$0x3FB6] =	sst s7  }
0x10: {  	[smem:$0x3FB7] =	sst s8  }
0x11: {  	[smem:$0x3FB8] =	sst s9;
	s0 =	simm.s32 @!p0 $0x0  }
0x12: {  	s1 =	sld [smem:$0x3F9E];
	s0 =	simm.s32 @p0 $0x1  }
0x13: {  	[smem:$0x3FB9] =	sst s0;
	s0 =	simm.s32 @!p1 $0x0  }
0x14: {  	s2 =	sld [smem:$0x3F9D];
	s0 =	simm.s32 @p1 $0x1  }
0x15: {  	[smem:$0x3FBA] =	sst s0;
	s0 =	simm.s32 @!p2 $0x0  }
0x16: {  	s3 =	sld [smem:$0x3FDB];
	s0 =	simm.s32 @p2 $0x1  }
0x17: {  	s4 =	simm.s32 $0x1BF5;
	[smem:$0x3FBC] =	sst s0  }
0x18: {  	s0 =	sld [smem:$0x3F9F];
	_ =	swait.ge [sflag:s4], $0x0  }
0x19: {  	s7 =	sld [smem:$0x3FA0]  }
0x1a: {  	s8 =	sadd.s32 $0xFFFFE003, lr  }
0x1b: {  	s9 =	sadd.s32 $0xFFFFFEF7, lr;
	s5 =	simm.s32 $0xFFFFFFFF;
	p2 =	slt.u32 s8, $0xFFFFF086  }
0x1c: {  	p1 =	slt.u32 s9, $0xF7A;
	s5 =	simm.s32 @!p2 $0x0  }
0x1d: {  	s5 =	simm.s32 @p1 $0x1;
	p0 =	seq.s32 s7, s2  }
0x1e: {  	s7 =	smul.u32 @!p0 $0xF7A, s2;
	p2 =	seq.s32 @!p0 s5, $0x0  }
0x1f: {  	s9 =	smul.u32 $0xF7A, s1;
	s8 =	simm.s32 @!p0 $0x1BF5;
	p2 =	por !p2, p0  }
0x20: {  	[sflag:s8] =	ssyncset.s32 @!p0 $0xFFFFF086;
	s6 =	sadd.s32 @!p0 s3, s7;
	s7 =	simm.s32 @!p0 $0x108  }
0x21: {  	s3 =	sadd.s32 s3, s9;
	s6 =	sadd.s32 @!p0 $0x88, s6;
	s7 =	simm.s32 @p2 $0x1082  }
0x22: {  	[simem:s7], [sflag:s8] =	dma.local @!p0 [hbm:s6], $0xF7A  }
0x23: {  	s9 =	sor.u32 $0xD0000000, s2;
	s6 =	simm.s32 $0x108;
	_ =	swait.ge @!p0 [sflag:s8], $0x0  }
0x24: {  	s3 =	sadd.s32 $0x88, s3;
	s6 =	simm.s32 @!p1 $0x1082;
	[sflag:s4] =	ssyncset.s32 $0xFFFFF086  }
0x25: {  	[simem:s6], [sflag:s4] =	dma.local [hbm:s3], $0xF7A  }
0x26: {  	[smem:$0x3FA0] =	sst s1;
	(tag) =	ssettag s2;
	_ =	strace s9  }
0x27: {  	s1 =	sld [smem:$0x3FB0]  }
0x28: {  	s2 =	sld [smem:$0x3FB1]  }
0x29: {  	s4 =	sld [smem:$0x3FB3]  }
0x2a: {  	p0 =	seq.s32 s5, $0x0;
	s5 =	sld [smem:$0x3FB4]  }
0x2b: {  	s6 =	sld [smem:$0x3FB5]  }
0x2c: {  	s7 =	sld [smem:$0x3FB6]  }
0x2d: {  	s3 =	simm.s32 $0x108;
	s8 =	sld [smem:$0x3FB7]  }
0x2e: {  	s3 =	simm.s32 @!p0 $0x1082;
	s9 =	sld [smem:$0x3FB8]  }
0x2f: {  	lr =	sadd.s32 s0, s3;
	s0 =	sld [smem:$0x3FAF]  }
0x30: {  	s3 =	sld [smem:$0x3FB2]  }
0x31: {  	[smem:$0x3FBB] =	sst s10  }
0x32: {  	s10 =	sld [smem:$0x3FB9];
	_ =	sdelay $0x3  }
0x33: {  	p0 =	seq.s32 s10, $0x1;
	s10 =	sld [smem:$0x3FBB];
	_ =	sdelay $0x3  }
0x34: {  	[smem:$0x3FBB] =	sst s10  }
0x35: {  	s10 =	sld [smem:$0x3FBA];
	_ =	sdelay $0x3  }
0x36: {  	p1 =	seq.s32 s10, $0x1;
	s10 =	sld [smem:$0x3FBB];
	_ =	sdelay $0x3  }
0x37: {  	[smem:$0x3FBB] =	sst s10  }
0x38: {  	s10 =	sld [smem:$0x3FBC]  }
0x39: {  	_ = 	snop;
	(pc) =	sbr.ind lr, $3  }
0x3a: {  	_ = 	snop  }
0x3b: {  	_ = 	snop  }
0x3c: {  	p2 =	seq.s32 s10, $0x1;
	s10 =	sld [smem:$0x3FBB]  }
0x3d: {  	_ =	shalt  }
0x3e: {  	_ =	shalt  }
0x3f: {  	_ =	shalt  }
0x40: {  	_ =	shalt  }
0x41: {  	_ =	shalt  }
0x42: {  	_ =	shalt  }
0x43: {  	_ =	shalt  }
0x44: {  	_ =	shalt  }
0x45: {  	_ =	shalt  }
0x46: {  	_ =	shalt  }
0x47: {  	_ =	shalt  }
0x48: {  	_ =	shalt  }
0x49: {  	_ =	shalt  }
0x4a: {  	_ =	shalt  }
0x4b: {  	_ =	shalt  }
0x4c: {  	_ =	shalt  }
0x4d: {  	_ =	shalt  }
0x4e: {  	_ =	shalt  }
0x4f: {  	_ =	shalt  }
0x50: {  	_ =	shalt  }
0x51: {  	_ =	shalt  }
0x52: {  	_ =	shalt  }
0x53: {  	_ =	shalt  }
0x54: {  	_ =	shalt  }
0x55: {  	_ =	shalt  }
0x56: {  	_ =	shalt  }
0x57: {  	_ =	shalt  }
0x58: {  	_ =	shalt  }
0x59: {  	_ =	shalt  }
0x5a: {  	_ =	shalt  }
0x5b: {  	_ =	shalt  }
0x5c: {  	_ =	shalt  }
0x5d: {  	_ =	shalt  }
0x5e: {  	_ =	shalt  }
0x5f: {  	_ =	shalt  }
0x60: {  	_ =	shalt  }
0x61: {  	_ =	shalt  }
0x62: {  	_ =	shalt  }
0x63: {  	_ =	shalt  }
0x64: {  	_ =	shalt  }
0x65: {  	_ =	shalt  }
0x66: {  	_ =	shalt  }
0x67: {  	_ =	shalt  }
0x68: {  	_ =	shalt  }
0x69: {  	_ =	shalt  }
0x6a: {  	_ =	shalt  }
0x6b: {  	_ =	shalt  }
0x6c: {  	_ =	shalt  }
0x6d: {  	_ =	shalt  }
0x6e: {  	_ =	shalt  }
0x6f: {  	_ =	shalt  }
0x70: {  	_ =	shalt  }
0x71: {  	_ =	shalt  }
0x72: {  	_ =	shalt  }
0x73: {  	_ =	shalt  }
0x74: {  	_ =	shalt  }
0x75: {  	_ =	shalt  }
0x76: {  	_ =	shalt  }
0x77: {  	_ =	shalt  }
0x78: {  	_ =	shalt  }
0x79: {  	_ =	shalt  }
0x7a: {  	_ =	shalt  }
0x7b: {  	_ =	shalt  }
0x7c: {  	_ =	shalt  }
0x7d: {  	_ =	shalt  }
0x7e: {  	_ =	shalt  }
0x7f: {  	_ =	shalt  }
0x80: {  	_ =	shalt  }
0x81: {  	_ =	shalt  }
0x82: {  	_ =	shalt  }
0x83: {  	_ =	shalt  }
0x84: {  	_ =	shalt  }
0x85: {  	_ =	shalt  }
0x86: {  	_ =	shalt  }
0x87: {  	_ =	shalt  }
.Lfunc_end0:
.L_simem_size_0:
called_computation_lowered:
.L_overlay_start_0:
0x88: {  	s2 =	sld [smem:$0x3FD9]  }
0x89: {  	s3 =	sld [smem:$0x3FFE];
	_ =	sdelay $0x1  }
0x8a: {  	s1 =	srdreg.scid  }
0x8b: {  	s0 =	sand.u32 $0x1, s1  }
0x8c: {  	s18 =	sshll.u32 s0, $0xA;
	s2 =	sadd.s32 s3, s2  }
0x8d: {  	s2 =	sadd.s32 s2, s18  }
0x8e: {  	[smem:$0x3FC7] =	sst s2  }
0x8f: {  	_ = 	snop  }
0x90: {  	s2 =	sld [smem:$0x3FC9]  }
0x91: {  	s19 =	sld [smem:$0x3FD0];
	(tm) =	ssettm $0x1  }
0x92: {  	s4 =	sld [smem:$0x3FFB];
	_ =	sdelay $0x3  }
0x93: {  	_ =	strace s4  }
0x94: {  	s4 =	sld [smem:$0x3FFC];
	_ =	sdelay $0x3  }
0x95: {  	_ =	strace s4  }
0x96: {  	s4 =	sld [smem:$0x3FFD];
	_ =	sdelay $0x3  }
0x97: {  	_ =	strace s4  }
0x98: {  	_ =	strace $0x8FFFFFFF  }
0x99: {  	s20 =	sld [smem:$0x3FDB];
	_ =	sdelay $0x1  }
0x9a: {  	s5 =	simm.s32 $_scs_section_size  }
0x9b: {  	s6 =	simm.s32 $_size__tile_overlayer_lowered;
	s7 =	simm.s32 $_tile_overlayer_lowered  }
0x9c: {  	s23 =	simm.s32 $0x1BFF;
	s22 =	sshll.u32 s7, $0x1;
	s4 =	sadd.s32 s5, s20  }
0x9d: {  	s8 =	simm.s32 $0x0;
	s21 =	sshll.u32 s6, $0x1;
	s6 =	sadd.s32 s22, s4  }
0x9e: {  	[timem:s8], [sflag:s23] =	dma.local [hbm:s6], s21  }
0x9f: {  	_ =	swait.ge [sflag:s23], s21  }
0xa0: {  	s5 =	ssub.s32 $0x0, s21;
	[sflag:s23] =	ssyncset.done $0x0  }
0xa1: {  	[sflag:s23] =	ssyncadd.s32 s5;
	_ =	sdelay $0x1  }
0xa2: {  	s24 =	simm.s32 $0x1B8B  }
0xa3: {  	_ =	swait.ge [sflag:s24], $0x1  }
0xa4: {  	[sflag:s24] =	ssyncset.done $0x0  }
0xa5: {  	s25 =	simm.s32 $0x1B8E;
	[sflag:s24] =	ssyncadd.s32 $0xFFFFFFFF  }
0xa6: {  	s26 =	simm.s32 $execute0_lowered;
	[smem:$0x3FD2] =	sst s25  }
0xa7: {  	s5 =	sshll.u32 s26, $0x1;
	_ =	strace $0x80000046;
	[dreg:$0x1] =	wrdreg $0xFFFFFFFF  }
0xa8: {  	s28 =	simm.s32 $_size_execute0_lowered;
	s4 =	sadd.s32 s4, s5;
	[dreg:$0x0] =	wrdreg $0x0  }
0xa9: {  	s5 =	sshll.u32 s28, $0x1;
	[dreg:$0x2] =	wrdreg s4  }
0xaa: {  	[dreg:$0x3] =	wrdreg s5  }
0xab: {  	[dreg:$0x4] =	wrdreg $0xC0  }
0xac: {  	_ =	task [dreg:s8], $0x5FFFF  }
0xad: {  	[dreg:$0x1] =	wrdreg $0xFFFFFFFF  }
0xae: {  	[dreg:$0x0] =	wrdreg $0x60  }
0xaf: {  	[dreg:$0x2] =	wrdreg s2  }
0xb0: {  	[dreg:$0x3] =	wrdreg s19  }
0xb1: {  	[dreg:$0x4] =	wrdreg $0x9  }
0xb2: {  	_ =	task.clear_ibuf [dreg:s8], $0x5FFFF;
	_ =	strace $0x90000046  }
0xb3: {  	s29 =	simm.s32 $0x9;
	_ =	strace $0x80000048  }
0xb4: {  	_ =	swait.ge [sflag:s29], $0x1  }
0xb5: {  	[sflag:s29] =	ssyncadd.s32 $0xFFFFFFFF  }
0xb6: {  	_ =	strace $0x90000048  }
0xb7: {  	_ =	sfence  }
0xb8: {  	s30 =	sld [smem:$0x0];
	_ =	sdelay $0x2  }
0xb9: {  	s31 =	sshll.u32 s1, $0xD;
	s1 =	sshrl.u32 s1, $0x2  }
0xba: {  	s3 =	sand.u32 $0x4000, s31;
	s1 =	sadd.s32 s1, s30  }
0xbb: {  	s0 =	sor.u32 s3, s0;
	s1 =	sshll.u32 s1, $0x11  }
0xbc: {  	s0 =	sor.u32 s1, s0  }
0xbd: {  	s0 =	sadd.s32 $0x8F2B, s0  }
0xbe: {  	[sflag:s0] =	ssyncadd.remote.s32 $0x1  }
0xbf: {  	_ =	sfence.sel $0xFFFF  }
0xc0: {  	[dreg:$0x0] =	wrdreg $0xFFFFFFFF;
	(pc) =	sbr.abs _section_cstart, $3  }
0xc1: {  	[dreg:$0x1] =	wrdreg $0xFFFFFFFF  }
0xc2: {  	_ =	task.clear_ibuf [dreg:s8], $0x2FFFF;
	_ =	strace $0x9FFFFFFF  }
0xc3: {  	(tm) =	ssettm $0x7FFFFFFF  }
tec
execute0_lowered:
.L_overlay_start_1:
0x0: {  	(tag) =	ssettag $0x1  }
0x1: {  	s2 =	rddreg [dreg:$0x0]  }
0x2: {  	s3 =	rddreg [dreg:$0x1];
	s0 =	srdreg.scid  }
0x3: {  	s7 =	stileid.u32;
	s4 =	simm.s32 $0x0;
	s8 =	simm.s32 $0x3  }
0x4: {  	s9 =	simm.s32 $0x3;
	s10 =	simm.s32 $0x2;
	s11 =	simm.s32 $0x2  }
0x5: {  	s12 =	simm.s32 $0x1;
	s13 =	simm.s32 $0x1;
	s14 =	simm.s32 $0x4  }
0x6: {  	s15 =	simm.s32 $0x4;
	s16 =	simm.s32 $0x1000;
	s17 =	simm.s32 $0x80  }
0x7: {  	s18 =	simm.s32 $0x400;
	s19 =	simm.s32 $0x5;
	s20 =	simm.s32 $0x7000  }
0x8: {  	s21 =	simm.s32 $0xD000;
	s23 =	simm.s32 $0x13000;
	s25 =	simm.s32 $0x0  }
0x9: {  	s0 =	sand.u32 $0x1, s0;
	s1 =	sshll.u32 s7, $0x1;
	[smem:$0x7FF] =	sst s4  }
0xa: {  	p0 =	slt.u32 s7, $0x7;
	s5 =	ssub.s32 $0x2, s0;
	s0 =	sor.u32 s0, s1  }
.Ltmp0:
0xb: {  	_ =	strace $0x80000047;
	s8 =	simm.s32 @!p0 $0x2;
	(pc) =	sbr.rel .LBB2_1-.Ltmp0, $4  }
0xc: {  	s10 =	simm.s32 @!p0 $0x1;
	s30 =	sshrl.u32 s5, $0x1;
	s6 =	smul.u32 $0x62, s0  }
0xd: {  	s12 =	simm.s32 @!p0 $0x4;
	s0 =	smin.u32 s0, $0xE;
	s1 =	ssub.s32 s5, s30  }
0xe: {  	s5 =	sadd.s32 s0, s6;
	s6 =	simm.s32 $0x63;
	s31 =	smax.u32 s1, $0x1  }
0xf: {  	v0 =	vimm.f32 $0.0e+00;
	v1 =	vlaneseq.u32;
	v2 =	vimm.f32 $1.000000000e+00;
	s14 =	simm.s32 @!p0 $0x3;
	s6 =	simm.s32 @!p0 $0x62;
	[dreg:$0x3] =	wrdreg s31  }
.LBB2_87:
0x10: {  	_ =	swait.ge [sflag:s8], $0x6000  }
0x11: {  	[sflag:s8] =	ssyncset.done $0x0  }
0x12: {  	[sflag:s8] =	ssyncadd.s32 $0xFFFFA000  }
0x13: {  	_ =	swait.ge [sflag:s10], $0x6000  }
0x14: {  	[sflag:s10] =	ssyncset.done $0x0  }
0x15: {  	[sflag:s10] =	ssyncadd.s32 $0xFFFFA000  }
0x16: {  	_ =	swait.ge [sflag:s12], $0x6000  }
0x17: {  	[sflag:s12] =	ssyncset.done $0x0  }
0x18: {  	[sflag:s12] =	ssyncadd.s32 $0xFFFFA000  }
0x19: {  	_ =	swait.ge [sflag:s14], $0x6000  }
0x1a: {  	s25 =	sadd.s32 $0x1, s25;
	s0 =	rddreg [dreg:$0x3]  }
0x1b: {  	p0 =	sne.s32 s25, s0  }
.Ltmp1:
0x1c: {  	_ = 	snop;
	(pc) =	sbr.rel @!p0 .LBB2_88-.Ltmp1, $3  }
0x1d: {  	_ =	sdelay $0x1  }
0x1e: {  	[sflag:s14] =	ssyncset.done $0x0  }
0x1f: {  	[sflag:s14] =	ssyncadd.s32 $0xFFFFA000  }
.LBB2_1:
0x20: {  	s1 =	simm.s32 $0x0  }
.LBB2_2:
0x21: {  	s0 =	sshll.u32 s1, $0xA;
	s7 =	sshll.u32 s1, $0x7  }
0x22: {  	s0 =	sand.u32 $0x6000, s0;
	s7 =	sand.u32 $0x380, s7  }
0x23: {  	s7 =	sor.u32 s7, s0;
	s0 =	simm.s32 $0x0  }
0x24: {  	s7 =	sor.u32 $0x1000, s7;
	s22 =	sand.u32 $0x1C00, s0  }
0x25: {  	s26 =	sand.u32 $0x70, s0;
	s28 =	sadd.s32 s22, s7  }
0x26: {  	s22 =	simm.s32 $0x10;
	s26 =	sadd.s32 s26, s28  }
.LBB2_3:
0x27: {  	p0 =	sne.s32 s22, $0x3F0  }
0x28: {  	[tilespmem:s26+$0x0] =	vst v0;
	s0 =	sadd.s32 $0x80, s0;
	s26 =	smov.u32 s22;
	s22 =	sadd.s32 $0x10, s22  }
.Ltmp2:
0x29: {  	(pc) =	sbr.rel @p0 .LBB2_3-.Ltmp2, $4  }
0x2a: {  	_ = 	snop  }
0x2b: {  	s28 =	sand.u32 $0x1C00, s0  }
0x2c: {  	s26 =	sand.u32 $0x70, s26;
	s28 =	sadd.s32 s28, s7  }
0x2d: {  	s26 =	sadd.s32 s26, s28  }
0x2e: {  	s1 =	sadd.s32 $0x1, s1  }
0x2f: {  	p0 =	sne.s32 s1, $0x18  }
.Ltmp3:
0x30: {  	_ = 	snop;
	(pc) =	sbr.rel @p0 .LBB2_2-.Ltmp3, $2  }
0x31: {  	_ =	sdelay $0x2  }
0x32: {  	[tilespmem:s26+$0x0] =	vst v0;
	s0 =	simm.s32 $0x0  }
0x33: {  	s7 =	simm.s32 $0x0  }
.LBB2_6:
0x34: {  	s1 =	sshll.u32 s7, $0xA;
	s22 =	sshll.u32 s7, $0x7  }
0x35: {  	s1 =	sand.u32 $0x6000, s1;
	s22 =	sand.u32 $0x380, s22  }
0x36: {  	s1 =	sor.u32 s22, s1  }
0x37: {  	s31 =	sand.u32 $0x1C00, s0;
	s1 =	sadd.s32 $0x7000, s1  }
0x38: {  	s26 =	sand.u32 $0x70, s0;
	s28 =	sadd.s32 s31, s1  }
0x39: {  	s22 =	simm.s32 $0x10;
	s28 =	sadd.s32 s26, s28;
	s26 =	simm.s32 $0x0  }
.LBB2_7:
0x3a: {  	p0 =	sne.s32 s22, $0x3F0  }
0x3b: {  	[tilespmem:s28+$0x0] =	vst v0;
	s26 =	sadd.s32 $0x80, s26;
	s28 =	smov.u32 s22;
	s22 =	sadd.s32 $0x10, s22  }
.Ltmp4:
0x3c: {  	(pc) =	sbr.rel @p0 .LBB2_7-.Ltmp4, $4  }
0x3d: {  	_ = 	snop  }
0x3e: {  	s29 =	sand.u32 $0x1C00, s26  }
0x3f: {  	s28 =	sand.u32 $0x70, s28;
	s29 =	sadd.s32 s29, s1  }
0x40: {  	s28 =	sadd.s32 s28, s29  }
0x41: {  	s7 =	sadd.s32 $0x1, s7  }
0x42: {  	p0 =	sne.s32 s7, $0x18  }
.Ltmp5:
0x43: {  	_ = 	snop;
	(pc) =	sbr.rel @p0 .LBB2_6-.Ltmp5, $2  }
0x44: {  	_ =	sdelay $0x2  }
0x45: {  	[tilespmem:s28+$0x0] =	vst v0;
	s1 =	simm.s32 $0x0  }
0x46: {  	s7 =	simm.s32 $0x0  }
.LBB2_10:
0x47: {  	s0 =	sshll.u32 s7, $0xA;
	s22 =	sshll.u32 s7, $0x7  }
0x48: {  	s0 =	sand.u32 $0x6000, s0;
	s22 =	sand.u32 $0x380, s22  }
0x49: {  	s0 =	sor.u32 s22, s0  }
0x4a: {  	s31 =	sand.u32 $0x1C00, s1;
	s0 =	sadd.s32 $0xD000, s0  }
0x4b: {  	s26 =	sand.u32 $0x70, s1;
	s28 =	sadd.s32 s31, s0  }
0x4c: {  	s22 =	simm.s32 $0x10;
	s28 =	sadd.s32 s26, s28;
	s26 =	simm.s32 $0x0  }
.LBB2_11:
0x4d: {  	p0 =	sne.s32 s22, $0x3F0  }
0x4e: {  	[tilespmem:s28+$0x0] =	vst v0;
	s26 =	sadd.s32 $0x80, s26;
	s28 =	smov.u32 s22;
	s22 =	sadd.s32 $0x10, s22  }
.Ltmp6:
0x4f: {  	(pc) =	sbr.rel @p0 .LBB2_11-.Ltmp6, $4  }
0x50: {  	_ = 	snop  }
0x51: {  	s29 =	sand.u32 $0x1C00, s26  }
0x52: {  	s28 =	sand.u32 $0x70, s28;
	s29 =	sadd.s32 s29, s0  }
0x53: {  	s28 =	sadd.s32 s28, s29  }
0x54: {  	s7 =	sadd.s32 $0x1, s7  }
0x55: {  	p0 =	sne.s32 s7, $0x18  }
.Ltmp7:
0x56: {  	_ = 	snop;
	(pc) =	sbr.rel @p0 .LBB2_10-.Ltmp7, $2  }
0x57: {  	_ =	sdelay $0x2  }
0x58: {  	[tilespmem:s28+$0x0] =	vst v0;
	s0 =	simm.s32 $0x0  }
0x59: {  	s1 =	simm.s32 $0x0  }
.LBB2_14:
0x5a: {  	s7 =	sshll.u32 s1, $0xA;
	s22 =	sshll.u32 s1, $0x7  }
0x5b: {  	s7 =	sand.u32 $0x6000, s7;
	s22 =	sand.u32 $0x380, s22  }
0x5c: {  	s7 =	sor.u32 s22, s7  }
0x5d: {  	s31 =	sand.u32 $0x1C00, s0;
	s7 =	sadd.s32 $0x13000, s7  }
0x5e: {  	s26 =	sand.u32 $0x70, s0;
	s28 =	sadd.s32 s31, s7  }
0x5f: {  	s22 =	simm.s32 $0x10;
	s28 =	sadd.s32 s26, s28;
	s26 =	simm.s32 $0x0  }
.LBB2_15:
0x60: {  	p0 =	sne.s32 s22, $0x3F0  }
0x61: {  	[tilespmem:s28+$0x0] =	vst v0;
	s26 =	sadd.s32 $0x80, s26;
	s28 =	smov.u32 s22;
	s22 =	sadd.s32 $0x10, s22  }
.Ltmp8:
0x62: {  	(pc) =	sbr.rel @p0 .LBB2_15-.Ltmp8, $4  }
0x63: {  	_ = 	snop  }
0x64: {  	s29 =	sand.u32 $0x1C00, s26  }
0x65: {  	s28 =	sand.u32 $0x70, s28;
	s29 =	sadd.s32 s29, s7  }
0x66: {  	s28 =	sadd.s32 s28, s29  }
0x67: {  	s1 =	sadd.s32 $0x1, s1  }
0x68: {  	p0 =	sne.s32 s1, $0x18  }
.Ltmp9:
0x69: {  	_ = 	snop;
	(pc) =	sbr.rel @p0 .LBB2_14-.Ltmp9, $2  }
0x6a: {  	_ =	sdelay $0x2  }
0x6b: {  	[tilespmem:s28+$0x0] =	vst v0  }
.Ltmp10:
0x6c: {  	(pc) =	sbr.rel .LBB2_18-.Ltmp10, $2  }
0x6d: {  	_ =	sdelay $0x2  }
0x6e: {  	s26 =	simm.s32 $0x0  }
.LBB2_85:
0x6f: {  	s0 =	smul.u32 $0x17A000, s29  }
0x70: {  	s1 =	smul.u32 $0x6000, s28;
	_ =	sdelay $0x1  }
0x71: {  	s0 =	sadd.s32 s0, s1  }
0x72: {  	s0 =	sshrl.u32 s0, $0x3  }
0x73: {  	s0 =	sadd.s32 s3, s0  }
0x74: {  	[hbm4b:s0+s4] =	stream.linear.scatter [tilespmem:s23], [sflag:$0x4], $0x6000, $0x38;
	[tilespmem:$0x19000] =	vst v63  }
.LBB2_86:
0x75: {  	s26 =	sadd.s32 $0x1, s26  }
0x76: {  	p0 =	sne.s32 s26, $0x63  }
.Ltmp11:
0x77: {  	_ = 	snop;
	(pc) =	sbr.rel @!p0 .LBB2_87-.Ltmp11, $1  }
0x78: {  	_ =	sdelay $0x3  }
.LBB2_18:
0x79: {  	p0 =	sge.u32 s26, s6  }
.Ltmp12:
0x7a: {  	_ = 	snop;
	(pc) =	sbr.rel @p0 .LBB2_86-.Ltmp12, $1  }
0x7b: {  	_ =	sdelay $0x3  }
0x7c: {  	s31 =	sadd.s32 s5, s26  }
0x7d: {  	s0 =	smulhi.u32 $0x4104105, s31;
	_ =	sdelay $0x1  }
0x7e: {  	s1 =	ssub.s32 s31, s0  }
0x7f: {  	s1 =	sshrl.u32 s1, $0x1  }
0x80: {  	s0 =	sadd.s32 s0, s1  }
0x81: {  	s29 =	sshrl.u32 s0, $0x5;
	s0 =	sand.u32 $0x3, s26  }
0x82: {  	p0 =	sgt.s32 s0, $0x1  }
.Ltmp13:
0x83: {  	_ = 	snop;
	(pc) =	sbr.rel @p0 .LBB2_69-.Ltmp13, $3  }
0x84: {  	s24 =	smul.u32 $0xFFFFFFC1, s29;
	_ =	sdelay $0x1  }
0x85: {  	s28 =	sadd.s32 s31, s24  }
0x86: {  	s30 =	smul.u32 $0x18, s28  }
0x87: {  	p0 =	seq.s32 s0, $0x0  }
.Ltmp14:
0x88: {  	_ = 	snop;
	(pc) =	sbr.rel @!p0 .LBB2_37-.Ltmp14, $1  }
0x89: {  	_ =	sdelay $0x3  }
0x8a: {  	p0 =	slt.u32 s26, $0x4  }
.Ltmp15:
0x8b: {  	_ = 	snop;
	(pc) =	sbr.rel @p0 .LBB2_29-.Ltmp15, $1  }
0x8c: {  	_ =	sdelay $0x3  }
0x8d: {  	s0 =	sadd.s32 $0xFFFFFFFC, s31  }
0x8e: {  	s1 =	smulhi.u32 $0x82082083, s0;
	s7 =	sshra.s32 s0, $0x1F  }
0x8f: {  	s22 =	ssub.s32 $0x4, s31;
	s7 =	smul.u32 $0x82082083, s7  }
0x90: {  	s1 =	sadd.s32 s22, s1  }
0x91: {  	s1 =	sadd.s32 s7, s1  }
0x92: {  	s1 =	sadd.s32 s0, s1  }
0x93: {  	s24 =	sshrl.u32 s1, $0x1F;
	s1 =	sshra.s32 s1, $0x5  }
0x94: {  	s1 =	sadd.s32 s24, s1  }
0x95: {  	s7 =	smul.u32 $0xFFFFFFC1, s1;
	_ =	sdelay $0x1  }
0x96: {  	p0 =	slt.u32 s31, $0x5;
	p1 =	sne.s32 s7, s22  }
0x97: {  	p0 =	por !p0, !p1  }
0x98: {  	s7 =	simm.s32 $0x1;
	p0 =	por !p0, !p0  }
0x99: {  	s7 =	simm.s32 @!p0 $0x0  }
0x9a: {  	s31 =	ssub.s32 s1, s7  }
0x9b: {  	s1 =	smul.u32 $0xFFFFFFC1, s31;
	_ =	sdelay $0x1  }
0x9c: {  	s0 =	sadd.s32 s0, s1  }
0x9d: {  	_ =	swait.ge [sflag:s13], $0x6000;
	s0 =	smul.u32 $0x18, s0  }
0x9e: {  	[sflag:s13] =	ssyncset.done $0x0  }
0x9f: {  	[sflag:s13] =	ssyncadd.s32 $0xFFFFA000;
	s1 =	simm.s32 $0x0;
	s24 =	sadd.s32 $0x18, s0  }
0xa0: {  	s22 =	simm.s32 $0x0;
	s7 =	simm.s32 $0x10;
	v5 =	vld [tilespmem:s1+$0x0];
	v3 =	vmov s0;
	v4 =	vmov s24  }
.LBB2_23:
0xa1: {  	p0 =	sne.s32 s7, $0x3F0;
	_ =	sdelay $0x3  }
0xa2: {  	vm0 =	vge.s32 v5, v3;
	vm1 =	vlt.s32 v5, v4  }
0xa3: {  	v6 =	vmov s1;
	v5 =	vsub.s32 v5, v3;
	vm0 =	vmand vm0, vm1  }
0xa4: {  	v7 =	vor.u32 s1, v1;
	s1 =	smov.u32 s7;
	v6 =	vshll.u32 v6, $0x3;
	v5 =	vnsel vm0, $0x0, v5  }
0xa5: {  	v7 =	vand.u32 $0x7F, v7;
	v6 =	vand.u32 $0x1C00, v6;
	v8 =	vshll.u32 v5, $0xA  }
0xa6: {  	v6 =	vor.u32 v6, v7;
	v5 =	vshll.u32 v5, $0x7;
	v8 =	vand.u32 $0xFFFFE000, v8  }
0xa7: {  	v5 =	vand.u32 $0x380, v5;
	v6 =	vor.u32 v8, v6  }
0xa8: {  	v5 =	vor.u32 v5, v6;
	_ =	sdelay $0x1  }
.Ltmp16:
0xa9: {  	(pc) =	sbr.rel @p0 .LBB2_23-.Ltmp16, $3  }
0xaa: {  	_ =	sdelay $0x1  }
0xab: {  	s22 =	sadd.s32 $0x10, s22;
	[tilespmem:v5+s16+$0x0] =	vst.idx.msk vm0, v0  }
0xac: {  	s7 =	sadd.s32 $0x10, s7;
	v5 =	vld [tilespmem:s22+$0x0]  }
0xad: {  	_ =	sdelay $0x3  }
0xae: {  	vm0 =	vge.s32 v5, v3;
	vm1 =	vlt.s32 v5, v4  }
0xaf: {  	v62 =	vmov s1;
	v3 =	vsub.s32 v5, v3;
	vm0 =	vmand vm0, vm1  }
0xb0: {  	v63 =	vor.u32 s1, v1;
	v4 =	vshll.u32 v62, $0x3;
	v3 =	vnsel vm0, $0x0, v3  }
0xb1: {  	v5 =	vand.u32 $0x7F, v63;
	v4 =	vand.u32 $0x1C00, v4;
	v6 =	vshll.u32 v3, $0xA  }
0xb2: {  	s0 =	ssub.s32 s31, s0;
	v4 =	vor.u32 v4, v5;
	v3 =	vshll.u32 v3, $0x7;
	v6 =	vand.u32 $0xFFFFE000, v6  }
0xb3: {  	s0 =	sadd.s32 $0x3E8, s0;
	v3 =	vand.u32 $0x380, v3;
	v4 =	vor.u32 v6, v4  }
0xb4: {  	p0 =	sgt.u32 s0, $0x17;
	v3 =	vor.u32 v3, v4  }
.Ltmp17:
0xb5: {  	_ = 	snop;
	(pc) =	sbr.rel @p0 .LBB2_28-.Ltmp17, $2  }
0xb6: {  	_ =	sdelay $0x2  }
0xb7: {  	[tilespmem:v3+s16+$0x0] =	vst.idx.msk vm0, v0  }
0xb8: {  	s0 =	sshll.u32 s0, $0xA;
	s1 =	sshll.u32 s31, $0x7  }
0xb9: {  	s0 =	sand.u32 $0x6000, s0;
	s1 =	sand.u32 $0x380, s1  }
0xba: {  	s1 =	sor.u32 s1, s0;
	s0 =	simm.s32 $0x0  }
0xbb: {  	s1 =	sor.u32 $0x1000, s1;
	s7 =	sand.u32 $0x1C00, s0  }
0xbc: {  	s22 =	sand.u32 $0x70, s0;
	s24 =	sadd.s32 s7, s1  }
0xbd: {  	s7 =	simm.s32 $0x10;
	s22 =	sadd.s32 s22, s24  }
.LBB2_26:
0xbe: {  	p0 =	sne.s32 s7, $0x3F0  }
0xbf: {  	[tilespmem:s22+$0x0] =	vst v0;
	s0 =	sadd.s32 $0x80, s0;
	s22 =	smov.u32 s7;
	s7 =	sadd.s32 $0x10, s7  }
.Ltmp18:
0xc0: {  	(pc) =	sbr.rel @p0 .LBB2_26-.Ltmp18, $4  }
0xc1: {  	_ = 	snop  }
0xc2: {  	s24 =	sand.u32 $0x1C00, s0  }
0xc3: {  	s22 =	sand.u32 $0x70, s22;
	s24 =	sadd.s32 s24, s1  }
0xc4: {  	s22 =	sadd.s32 s22, s24  }
0xc5: {  	[tilespmem:s22+$0x0] =	vst v0  }
.LBB2_28:
0xc6: {  	p0 =	seq.s32 s31, s29  }
.Ltmp19:
0xc7: {  	_ = 	snop;
	(pc) =	sbr.rel @p0 .LBB2_30-.Ltmp19, $1  }
0xc8: {  	_ =	sdelay $0x3  }
.LBB2_29:
0xc9: {  	s0 =	sshll.u32 s29, $0xA;
	s1 =	sshll.u32 s29, $0x7  }
0xca: {  	s0 =	sand.u32 $0x7FFFE000, s0;
	s1 =	sand.u32 $0x380, s1  }
0xcb: {  	s0 =	sor.u32 s1, s0  }
0xcc: {  	s0 =	sshrl.u32 s0, $0x3  }
0xcd: {  	s0 =	sadd.s32 s2, s0  }
0xce: {  	[tilespmem:s4], [sflag:$0x5] =	stream.strided.gather [hbm4b:s0+s17], $0x400, s18, s17, $0x38;
	[tilespmem:$0x19000] =	vst v63  }
0xcf: {  	_ =	swait.ge [sflag:s19], $0x400  }
0xd0: {  	[sflag:s19] =	ssyncset.done $0x0  }
0xd1: {  	[sflag:s19] =	ssyncadd.s32 $0xFFFFFC00  }
.LBB2_30:
0xd2: {  	s1 =	sadd.s32 $0x18, s30;
	s0 =	simm.s32 $0x0  }
0xd3: {  	v3 =	vmov s30;
	s7 =	simm.s32 $0x0;
	v4 =	vmov s1;
	v5 =	vld [tilespmem:s0+$0x0];
	s1 =	simm.s32 $0x10  }
.LBB2_31:
0xd4: {  	p0 =	sne.s32 s1, $0x3F0;
	_ =	sdelay $0x3  }
0xd5: {  	vm0 =	vge.s32 v5, v3;
	vm1 =	vlt.s32 v5, v4  }
0xd6: {  	v6 =	vmov s0;
	v5 =	vsub.s32 v5, v3;
	vm0 =	vmand vm0, vm1  }
0xd7: {  	v7 =	vor.u32 s0, v1;
	s0 =	smov.u32 s1;
	v6 =	vshll.u32 v6, $0x3;
	v5 =	vnsel vm0, $0x0, v5  }
0xd8: {  	v7 =	vand.u32 $0x7F, v7;
	v6 =	vand.u32 $0x1C00, v6;
	v8 =	vshll.u32 v5, $0xA  }
0xd9: {  	v6 =	vor.u32 v6, v7;
	v5 =	vshll.u32 v5, $0x7;
	v8 =	vand.u32 $0xFFFFE000, v8  }
0xda: {  	v5 =	vand.u32 $0x380, v5;
	v6 =	vor.u32 v8, v6  }
0xdb: {  	v5 =	vor.u32 v5, v6;
	_ =	sdelay $0x1  }
.Ltmp20:
0xdc: {  	(pc) =	sbr.rel @p0 .LBB2_31-.Ltmp20, $3  }
0xdd: {  	_ =	sdelay $0x1  }
0xde: {  	s7 =	sadd.s32 $0x10, s7;
	[tilespmem:v5+s16+$0x0] =	vst.idx.msk vm0, v2  }
0xdf: {  	s1 =	sadd.s32 $0x10, s1;
	v5 =	vld [tilespmem:s7+$0x0]  }
0xe0: {  	_ =	sdelay $0x3  }
0xe1: {  	vm0 =	vge.s32 v5, v3;
	vm1 =	vlt.s32 v5, v4  }
0xe2: {  	v62 =	vmov s0;
	v3 =	vsub.s32 v5, v3;
	vm0 =	vmand vm0, vm1  }
0xe3: {  	v63 =	vor.u32 s0, v1;
	v4 =	vshll.u32 v62, $0x3;
	v3 =	vnsel vm0, $0x0, v3  }
0xe4: {  	v5 =	vand.u32 $0x7F, v63;
	v4 =	vand.u32 $0x1C00, v4;
	v6 =	vshll.u32 v3, $0xA  }
0xe5: {  	s31 =	ssub.s32 s29, s30;
	v4 =	vor.u32 v4, v5;
	v3 =	vshll.u32 v3, $0x7;
	v6 =	vand.u32 $0xFFFFE000, v6  }
0xe6: {  	s0 =	sadd.s32 $0x3E8, s31;
	v3 =	vand.u32 $0x380, v3;
	v4 =	vor.u32 v6, v4  }
0xe7: {  	p0 =	sgt.u32 s0, $0x17;
	v3 =	vor.u32 v3, v4  }
.Ltmp21:
0xe8: {  	_ = 	snop;
	(pc) =	sbr.rel @p0 .LBB2_36-.Ltmp21, $2  }
0xe9: {  	_ =	sdelay $0x2  }
0xea: {  	[tilespmem:v3+s16+$0x0] =	vst.idx.msk vm0, v2  }
0xeb: {  	s0 =	sshll.u32 s0, $0xA;
	s1 =	sshll.u32 s29, $0x7  }
0xec: {  	s0 =	sand.u32 $0x6000, s0;
	s1 =	sand.u32 $0x380, s1  }
0xed: {  	s1 =	sor.u32 s1, s0;
	s0 =	simm.s32 $0x0  }
0xee: {  	s1 =	sor.u32 $0x1000, s1;
	s7 =	sand.u32 $0x1C00, s0  }
0xef: {  	s22 =	sand.u32 $0x70, s0;
	s24 =	sadd.s32 s7, s1  }
0xf0: {  	s7 =	simm.s32 $0x10;
	s22 =	sadd.s32 s22, s24  }
.LBB2_34:
0xf1: {  	p0 =	sne.s32 s7, $0x3F0  }
0xf2: {  	[tilespmem:s22+$0x0] =	vst v2;
	s0 =	sadd.s32 $0x80, s0;
	s22 =	smov.u32 s7;
	s7 =	sadd.s32 $0x10, s7  }
.Ltmp22:
0xf3: {  	(pc) =	sbr.rel @p0 .LBB2_34-.Ltmp22, $4  }
0xf4: {  	_ = 	snop  }
0xf5: {  	s24 =	sand.u32 $0x1C00, s0  }
0xf6: {  	s22 =	sand.u32 $0x70, s22;
	s24 =	sadd.s32 s24, s1  }
0xf7: {  	s22 =	sadd.s32 s22, s24  }
0xf8: {  	[tilespmem:s22+$0x0] =	vst v2  }
.LBB2_36:
0xf9: {  	s0 =	smul.u32 $0x17A000, s29  }
0xfa: {  	s1 =	smul.u32 $0x6000, s28  }
.Ltmp23:
0xfb: {  	_ = 	snop;
	(pc) =	sbr.rel .LBB2_86-.Ltmp23, $4  }
0xfc: {  	s0 =	sadd.s32 s0, s1  }
0xfd: {  	s0 =	sshrl.u32 s0, $0x3  }
0xfe: {  	s0 =	sadd.s32 s3, s0  }
0xff: {  	[hbm4b:s0+s4] =	stream.linear.scatter [tilespmem:s16], [sflag:$0x1], $0x6000, $0x38;
	[tilespmem:$0x19000] =	vst v63  }
.LBB2_69:
0x100: {  	p1 =	seq.s32 s0, $0x2  }
.Ltmp24:
0x101: {  	_ = 	snop;
	(pc) =	sbr.rel @!p1 .LBB2_70-.Ltmp24, $2  }
0x102: {  	_ =	sdelay $0x2  }
0x103: {  	p0 =	slt.u32 s26, $0x4  }
.Ltmp25:
0x104: {  	(pc) =	sbr.rel @p0 .LBB2_61-.Ltmp25, $1  }
0x105: {  	_ =	sdelay $0x3  }
0x106: {  	s0 =	sadd.s32 $0xFFFFFFFC, s31  }
0x107: {  	s1 =	smulhi.u32 $0x82082083, s0;
	s7 =	sshra.s32 s0, $0x1F  }
0x108: {  	s22 =	ssub.s32 $0x4, s31;
	s7 =	smul.u32 $0x82082083, s7  }
0x109: {  	s1 =	sadd.s32 s22, s1  }
0x10a: {  	s1 =	sadd.s32 s7, s1  }
0x10b: {  	s1 =	sadd.s32 s0, s1  }
0x10c: {  	s24 =	sshrl.u32 s1, $0x1F;
	s1 =	sshra.s32 s1, $0x5  }
0x10d: {  	s1 =	sadd.s32 s24, s1  }
0x10e: {  	s7 =	smul.u32 $0xFFFFFFC1, s1;
	_ =	sdelay $0x1  }
0x10f: {  	p0 =	slt.u32 s31, $0x5;
	p1 =	sne.s32 s7, s22  }
0x110: {  	p0 =	por !p0, !p1  }
0x111: {  	s7 =	simm.s32 $0x1;
	p0 =	por !p0, !p0  }
0x112: {  	s7 =	simm.s32 @!p0 $0x0  }
0x113: {  	s31 =	ssub.s32 s1, s7  }
0x114: {  	s1 =	smul.u32 $0xFFFFFFC1, s31;
	_ =	sdelay $0x1  }
0x115: {  	s0 =	sadd.s32 s0, s1  }
0x116: {  	_ =	swait.ge [sflag:s9], $0x6000;
	s0 =	smul.u32 $0x18, s0  }
0x117: {  	[sflag:s9] =	ssyncset.done $0x0  }
0x118: {  	[sflag:s9] =	ssyncadd.s32 $0xFFFFA000;
	s7 =	simm.s32 $0x800;
	s24 =	sadd.s32 $0x18, s0  }
0x119: {  	s22 =	simm.s32 $0x10;
	v5 =	vld [tilespmem:s7+$0x0];
	s1 =	simm.s32 $0x0;
	v3 =	vmov s0;
	v4 =	vmov s24  }
.LBB2_55:
0x11a: {  	p0 =	sne.s32 s22, $0x3F0;
	_ =	sdelay $0x3  }
0x11b: {  	vm0 =	vge.s32 v5, v3;
	vm1 =	vlt.s32 v5, v4  }
0x11c: {  	v6 =	vmov s1;
	v5 =	vsub.s32 v5, v3;
	vm0 =	vmand vm0, vm1  }
0x11d: {  	v7 =	vor.u32 s1, v1;
	s1 =	smov.u32 s22;
	v6 =	vshll.u32 v6, $0x3;
	v5 =	vnsel vm0, $0x0, v5  }
0x11e: {  	v7 =	vand.u32 $0x7F, v7;
	v6 =	vand.u32 $0x1C00, v6;
	v8 =	vshll.u32 v5, $0xA  }
0x11f: {  	v6 =	vor.u32 v6, v7;
	v5 =	vshll.u32 v5, $0x7;
	v8 =	vand.u32 $0xFFFFE000, v8  }
0x120: {  	v5 =	vand.u32 $0x380, v5;
	v6 =	vor.u32 v8, v6  }
0x121: {  	v5 =	vor.u32 v5, v6;
	_ =	sdelay $0x1  }
.Ltmp26:
0x122: {  	(pc) =	sbr.rel @p0 .LBB2_55-.Ltmp26, $3  }
0x123: {  	_ =	sdelay $0x1  }
0x124: {  	s7 =	sadd.s32 $0x10, s7;
	[tilespmem:v5+s21+$0x0] =	vst.idx.msk vm0, v0  }
0x125: {  	s22 =	sadd.s32 $0x10, s22;
	v5 =	vld [tilespmem:s7+$0x0]  }
0x126: {  	_ =	sdelay $0x3  }
0x127: {  	vm0 =	vge.s32 v5, v3;
	vm1 =	vlt.s32 v5, v4  }
0x128: {  	v62 =	vmov s1;
	v3 =	vsub.s32 v5, v3;
	vm0 =	vmand vm0, vm1  }
0x129: {  	v63 =	vor.u32 s1, v1;
	v4 =	vshll.u32 v62, $0x3;
	v3 =	vnsel vm0, $0x0, v3  }
0x12a: {  	v5 =	vand.u32 $0x7F, v63;
	v4 =	vand.u32 $0x1C00, v4;
	v6 =	vshll.u32 v3, $0xA  }
0x12b: {  	s0 =	ssub.s32 s31, s0;
	v4 =	vor.u32 v4, v5;
	v3 =	vshll.u32 v3, $0x7;
	v6 =	vand.u32 $0xFFFFE000, v6  }
0x12c: {  	s0 =	sadd.s32 $0x3E8, s0;
	v3 =	vand.u32 $0x380, v3;
	v4 =	vor.u32 v6, v4  }
0x12d: {  	p0 =	sgt.u32 s0, $0x17;
	v3 =	vor.u32 v3, v4  }
.Ltmp27:
0x12e: {  	_ = 	snop;
	(pc) =	sbr.rel @p0 .LBB2_60-.Ltmp27, $2  }
0x12f: {  	_ =	sdelay $0x2  }
0x130: {  	[tilespmem:v3+s21+$0x0] =	vst.idx.msk vm0, v0  }
0x131: {  	s0 =	sshll.u32 s0, $0xA;
	s1 =	sshll.u32 s31, $0x7  }
0x132: {  	s0 =	sand.u32 $0x6000, s0;
	s1 =	sand.u32 $0x380, s1  }
0x133: {  	s1 =	sor.u32 s1, s0;
	s0 =	simm.s32 $0x0  }
0x134: {  	s1 =	sadd.s32 $0xD000, s1;
	s7 =	sand.u32 $0x1C00, s0  }
0x135: {  	s22 =	sand.u32 $0x70, s0;
	s24 =	sadd.s32 s7, s1  }
0x136: {  	s7 =	simm.s32 $0x10;
	s22 =	sadd.s32 s22, s24  }
.LBB2_58:
0x137: {  	p0 =	sne.s32 s7, $0x3F0  }
0x138: {  	[tilespmem:s22+$0x0] =	vst v0;
	s0 =	sadd.s32 $0x80, s0;
	s22 =	smov.u32 s7;
	s7 =	sadd.s32 $0x10, s7  }
.Ltmp28:
0x139: {  	(pc) =	sbr.rel @p0 .LBB2_58-.Ltmp28, $4  }
0x13a: {  	_ = 	snop  }
0x13b: {  	s24 =	sand.u32 $0x1C00, s0  }
0x13c: {  	s22 =	sand.u32 $0x70, s22;
	s24 =	sadd.s32 s24, s1  }
0x13d: {  	s22 =	sadd.s32 s22, s24  }
0x13e: {  	[tilespmem:s22+$0x0] =	vst v0  }
.LBB2_60:
0x13f: {  	p0 =	seq.s32 s31, s29  }
.Ltmp29:
0x140: {  	_ = 	snop;
	(pc) =	sbr.rel @p0 .LBB2_62-.Ltmp29, $1  }
0x141: {  	_ =	sdelay $0x3  }
.LBB2_61:
0x142: {  	s0 =	sshll.u32 s29, $0xA;
	s1 =	sshll.u32 s29, $0x7  }
0x143: {  	s0 =	sand.u32 $0x7FFFE000, s0;
	s1 =	sand.u32 $0x380, s1  }
0x144: {  	s0 =	sor.u32 s1, s0  }
0x145: {  	s0 =	sshrl.u32 s0, $0x3  }
0x146: {  	s31 =	simm.s32 $0x800;
	s0 =	sadd.s32 s2, s0  }
0x147: {  	[tilespmem:s31], [sflag:$0x5] =	stream.strided.gather [hbm4b:s0+s17], $0x400, s18, s17, $0x38;
	[tilespmem:$0x19000] =	vst v63  }
0x148: {  	_ =	swait.ge [sflag:s19], $0x400  }
0x149: {  	[sflag:s19] =	ssyncset.done $0x0  }
0x14a: {  	[sflag:s19] =	ssyncadd.s32 $0xFFFFFC00  }
.LBB2_62:
0x14b: {  	s0 =	sadd.s32 $0x18, s30;
	s1 =	simm.s32 $0x800  }
0x14c: {  	v3 =	vmov s30;
	s7 =	simm.s32 $0x10;
	v4 =	vmov s0;
	s0 =	simm.s32 $0x0;
	v5 =	vld [tilespmem:s1+$0x0]  }
.LBB2_63:
0x14d: {  	p0 =	sne.s32 s7, $0x3F0;
	_ =	sdelay $0x3  }
0x14e: {  	vm0 =	vge.s32 v5, v3;
	vm1 =	vlt.s32 v5, v4  }
0x14f: {  	v6 =	vmov s0;
	v5 =	vsub.s32 v5, v3;
	vm0 =	vmand vm0, vm1  }
0x150: {  	v7 =	vor.u32 s0, v1;
	s0 =	smov.u32 s7;
	v6 =	vshll.u32 v6, $0x3;
	v5 =	vnsel vm0, $0x0, v5  }
0x151: {  	v7 =	vand.u32 $0x7F, v7;
	v6 =	vand.u32 $0x1C00, v6;
	v8 =	vshll.u32 v5, $0xA  }
0x152: {  	v6 =	vor.u32 v6, v7;
	v5 =	vshll.u32 v5, $0x7;
	v8 =	vand.u32 $0xFFFFE000, v8  }
0x153: {  	v5 =	vand.u32 $0x380, v5;
	v6 =	vor.u32 v8, v6  }
0x154: {  	v5 =	vor.u32 v5, v6;
	_ =	sdelay $0x1  }
.Ltmp30:
0x155: {  	(pc) =	sbr.rel @p0 .LBB2_63-.Ltmp30, $3  }
0x156: {  	_ =	sdelay $0x1  }
0x157: {  	s1 =	sadd.s32 $0x10, s1;
	[tilespmem:v5+s21+$0x0] =	vst.idx.msk vm0, v2  }
0x158: {  	s7 =	sadd.s32 $0x10, s7;
	v5 =	vld [tilespmem:s1+$0x0]  }
0x159: {  	_ =	sdelay $0x3  }
0x15a: {  	vm0 =	vge.s32 v5, v3;
	vm1 =	vlt.s32 v5, v4  }
0x15b: {  	v62 =	vmov s0;
	v3 =	vsub.s32 v5, v3;
	vm0 =	vmand vm0, vm1  }
0x15c: {  	v63 =	vor.u32 s0, v1;
	v4 =	vshll.u32 v62, $0x3;
	v3 =	vnsel vm0, $0x0, v3  }
0x15d: {  	v5 =	vand.u32 $0x7F, v63;
	v4 =	vand.u32 $0x1C00, v4;
	v6 =	vshll.u32 v3, $0xA  }
0x15e: {  	s31 =	ssub.s32 s29, s30;
	v4 =	vor.u32 v4, v5;
	v3 =	vshll.u32 v3, $0x7;
	v6 =	vand.u32 $0xFFFFE000, v6  }
0x15f: {  	s0 =	sadd.s32 $0x3E8, s31;
	v3 =	vand.u32 $0x380, v3;
	v4 =	vor.u32 v6, v4  }
0x160: {  	p0 =	sgt.u32 s0, $0x17;
	v3 =	vor.u32 v3, v4  }
.Ltmp31:
0x161: {  	_ = 	snop;
	(pc) =	sbr.rel @p0 .LBB2_68-.Ltmp31, $2  }
0x162: {  	_ =	sdelay $0x2  }
0x163: {  	[tilespmem:v3+s21+$0x0] =	vst.idx.msk vm0, v2  }
0x164: {  	s0 =	sshll.u32 s0, $0xA;
	s1 =	sshll.u32 s29, $0x7  }
0x165: {  	s0 =	sand.u32 $0x6000, s0;
	s1 =	sand.u32 $0x380, s1  }
0x166: {  	s1 =	sor.u32 s1, s0;
	s0 =	simm.s32 $0x0  }
0x167: {  	s1 =	sadd.s32 $0xD000, s1;
	s7 =	sand.u32 $0x1C00, s0  }
0x168: {  	s22 =	sand.u32 $0x70, s0;
	s24 =	sadd.s32 s7, s1  }
0x169: {  	s7 =	simm.s32 $0x10;
	s22 =	sadd.s32 s22, s24  }
.LBB2_66:
0x16a: {  	p0 =	sne.s32 s7, $0x3F0  }
0x16b: {  	[tilespmem:s22+$0x0] =	vst v2;
	s0 =	sadd.s32 $0x80, s0;
	s22 =	smov.u32 s7;
	s7 =	sadd.s32 $0x10, s7  }
.Ltmp32:
0x16c: {  	(pc) =	sbr.rel @p0 .LBB2_66-.Ltmp32, $4  }
0x16d: {  	_ = 	snop  }
0x16e: {  	s24 =	sand.u32 $0x1C00, s0  }
0x16f: {  	s22 =	sand.u32 $0x70, s22;
	s24 =	sadd.s32 s24, s1  }
0x170: {  	s22 =	sadd.s32 s22, s24  }
0x171: {  	[tilespmem:s22+$0x0] =	vst v2  }
.LBB2_68:
0x172: {  	s0 =	smul.u32 $0x17A000, s29  }
0x173: {  	s1 =	smul.u32 $0x6000, s28  }
.Ltmp33:
0x174: {  	_ = 	snop;
	(pc) =	sbr.rel .LBB2_86-.Ltmp33, $4  }
0x175: {  	s0 =	sadd.s32 s0, s1  }
0x176: {  	s0 =	sshrl.u32 s0, $0x3  }
0x177: {  	s0 =	sadd.s32 s3, s0  }
0x178: {  	[hbm4b:s0+s4] =	stream.linear.scatter [tilespmem:s21], [sflag:$0x3], $0x6000, $0x38;
	[tilespmem:$0x19000] =	vst v63  }
.LBB2_37:
0x179: {  	p0 =	slt.u32 s26, $0x4  }
.Ltmp34:
0x17a: {  	_ = 	snop;
	(pc) =	sbr.rel @p0 .LBB2_45-.Ltmp34, $1  }
0x17b: {  	_ =	sdelay $0x3  }
0x17c: {  	s0 =	sadd.s32 $0xFFFFFFFC, s31  }
0x17d: {  	s1 =	smulhi.u32 $0x82082083, s0;
	s7 =	sshra.s32 s0, $0x1F  }
0x17e: {  	s22 =	ssub.s32 $0x4, s31;
	s7 =	smul.u32 $0x82082083, s7  }
0x17f: {  	s1 =	sadd.s32 s22, s1  }
0x180: {  	s1 =	sadd.s32 s7, s1  }
0x181: {  	s1 =	sadd.s32 s0, s1  }
0x182: {  	s24 =	sshrl.u32 s1, $0x1F;
	s1 =	sshra.s32 s1, $0x5  }
0x183: {  	s1 =	sadd.s32 s24, s1  }
0x184: {  	s7 =	smul.u32 $0xFFFFFFC1, s1;
	_ =	sdelay $0x1  }
0x185: {  	p0 =	slt.u32 s31, $0x5;
	p1 =	sne.s32 s7, s22  }
0x186: {  	p0 =	por !p0, !p1  }
0x187: {  	s7 =	simm.s32 $0x1;
	p0 =	por !p0, !p0  }
0x188: {  	s7 =	simm.s32 @!p0 $0x0  }
0x189: {  	s31 =	ssub.s32 s1, s7  }
0x18a: {  	s1 =	smul.u32 $0xFFFFFFC1, s31;
	_ =	sdelay $0x1  }
0x18b: {  	s0 =	sadd.s32 s0, s1  }
0x18c: {  	_ =	swait.ge [sflag:s11], $0x6000;
	s0 =	smul.u32 $0x18, s0  }
0x18d: {  	[sflag:s11] =	ssyncset.done $0x0  }
0x18e: {  	[sflag:s11] =	ssyncadd.s32 $0xFFFFA000;
	s7 =	simm.s32 $0x400;
	s24 =	sadd.s32 $0x18, s0  }
0x18f: {  	s22 =	simm.s32 $0x10;
	v5 =	vld [tilespmem:s7+$0x0];
	s1 =	simm.s32 $0x0;
	v3 =	vmov s0;
	v4 =	vmov s24  }
.LBB2_39:
0x190: {  	p0 =	sne.s32 s22, $0x3F0;
	_ =	sdelay $0x3  }
0x191: {  	vm0 =	vge.s32 v5, v3;
	vm1 =	vlt.s32 v5, v4  }
0x192: {  	v6 =	vmov s1;
	v5 =	vsub.s32 v5, v3;
	vm0 =	vmand vm0, vm1  }
0x193: {  	v7 =	vor.u32 s1, v1;
	s1 =	smov.u32 s22;
	v6 =	vshll.u32 v6, $0x3;
	v5 =	vnsel vm0, $0x0, v5  }
0x194: {  	v7 =	vand.u32 $0x7F, v7;
	v6 =	vand.u32 $0x1C00, v6;
	v8 =	vshll.u32 v5, $0xA  }
0x195: {  	v6 =	vor.u32 v6, v7;
	v5 =	vshll.u32 v5, $0x7;
	v8 =	vand.u32 $0xFFFFE000, v8  }
0x196: {  	v5 =	vand.u32 $0x380, v5;
	v6 =	vor.u32 v8, v6  }
0x197: {  	v5 =	vor.u32 v5, v6;
	_ =	sdelay $0x1  }
.Ltmp35:
0x198: {  	(pc) =	sbr.rel @p0 .LBB2_39-.Ltmp35, $3  }
0x199: {  	_ =	sdelay $0x1  }
0x19a: {  	s7 =	sadd.s32 $0x10, s7;
	[tilespmem:v5+s20+$0x0] =	vst.idx.msk vm0, v0  }
0x19b: {  	s22 =	sadd.s32 $0x10, s22;
	v5 =	vld [tilespmem:s7+$0x0]  }
0x19c: {  	_ =	sdelay $0x3  }
0x19d: {  	vm0 =	vge.s32 v5, v3;
	vm1 =	vlt.s32 v5, v4  }
0x19e: {  	v62 =	vmov s1;
	v3 =	vsub.s32 v5, v3;
	vm0 =	vmand vm0, vm1  }
0x19f: {  	v63 =	vor.u32 s1, v1;
	v4 =	vshll.u32 v62, $0x3;
	v3 =	vnsel vm0, $0x0, v3  }
0x1a0: {  	v5 =	vand.u32 $0x7F, v63;
	v4 =	vand.u32 $0x1C00, v4;
	v6 =	vshll.u32 v3, $0xA  }
0x1a1: {  	s0 =	ssub.s32 s31, s0;
	v4 =	vor.u32 v4, v5;
	v3 =	vshll.u32 v3, $0x7;
	v6 =	vand.u32 $0xFFFFE000, v6  }
0x1a2: {  	s0 =	sadd.s32 $0x3E8, s0;
	v3 =	vand.u32 $0x380, v3;
	v4 =	vor.u32 v6, v4  }
0x1a3: {  	p0 =	sgt.u32 s0, $0x17;
	v3 =	vor.u32 v3, v4  }
.Ltmp36:
0x1a4: {  	_ = 	snop;
	(pc) =	sbr.rel @p0 .LBB2_44-.Ltmp36, $2  }
0x1a5: {  	_ =	sdelay $0x2  }
0x1a6: {  	[tilespmem:v3+s20+$0x0] =	vst.idx.msk vm0, v0  }
0x1a7: {  	s0 =	sshll.u32 s0, $0xA;
	s1 =	sshll.u32 s31, $0x7  }
0x1a8: {  	s0 =	sand.u32 $0x6000, s0;
	s1 =	sand.u32 $0x380, s1  }
0x1a9: {  	s1 =	sor.u32 s1, s0;
	s0 =	simm.s32 $0x0  }
0x1aa: {  	s1 =	sadd.s32 $0x7000, s1;
	s7 =	sand.u32 $0x1C00, s0  }
0x1ab: {  	s22 =	sand.u32 $0x70, s0;
	s24 =	sadd.s32 s7, s1  }
0x1ac: {  	s7 =	simm.s32 $0x10;
	s22 =	sadd.s32 s22, s24  }
.LBB2_42:
0x1ad: {  	p0 =	sne.s32 s7, $0x3F0  }
0x1ae: {  	[tilespmem:s22+$0x0] =	vst v0;
	s0 =	sadd.s32 $0x80, s0;
	s22 =	smov.u32 s7;
	s7 =	sadd.s32 $0x10, s7  }
.Ltmp37:
0x1af: {  	(pc) =	sbr.rel @p0 .LBB2_42-.Ltmp37, $4  }
0x1b0: {  	_ = 	snop  }
0x1b1: {  	s24 =	sand.u32 $0x1C00, s0  }
0x1b2: {  	s22 =	sand.u32 $0x70, s22;
	s24 =	sadd.s32 s24, s1  }
0x1b3: {  	s22 =	sadd.s32 s22, s24  }
0x1b4: {  	[tilespmem:s22+$0x0] =	vst v0  }
.LBB2_44:
0x1b5: {  	p0 =	seq.s32 s31, s29  }
.Ltmp38:
0x1b6: {  	_ = 	snop;
	(pc) =	sbr.rel @p0 .LBB2_46-.Ltmp38, $1  }
0x1b7: {  	_ =	sdelay $0x3  }
.LBB2_45:
0x1b8: {  	s0 =	sshll.u32 s29, $0xA;
	s1 =	sshll.u32 s29, $0x7  }
0x1b9: {  	s0 =	sand.u32 $0x7FFFE000, s0;
	s1 =	sand.u32 $0x380, s1  }
0x1ba: {  	s0 =	sor.u32 s1, s0  }
0x1bb: {  	s0 =	sshrl.u32 s0, $0x3  }
0x1bc: {  	s0 =	sadd.s32 s2, s0  }
0x1bd: {  	[tilespmem:s18], [sflag:$0x5] =	stream.strided.gather [hbm4b:s0+s17], $0x400, s18, s17, $0x38;
	[tilespmem:$0x19000] =	vst v63  }
0x1be: {  	_ =	swait.ge [sflag:s19], $0x400  }
0x1bf: {  	[sflag:s19] =	ssyncset.done $0x0  }
0x1c0: {  	[sflag:s19] =	ssyncadd.s32 $0xFFFFFC00  }
.LBB2_46:
0x1c1: {  	s0 =	sadd.s32 $0x18, s30;
	s1 =	simm.s32 $0x400  }
0x1c2: {  	v3 =	vmov s30;
	s7 =	simm.s32 $0x10;
	v4 =	vmov s0;
	s0 =	simm.s32 $0x0;
	v5 =	vld [tilespmem:s1+$0x0]  }
.LBB2_47:
0x1c3: {  	p0 =	sne.s32 s7, $0x3F0;
	_ =	sdelay $0x3  }
0x1c4: {  	vm0 =	vge.s32 v5, v3;
	vm1 =	vlt.s32 v5, v4  }
0x1c5: {  	v6 =	vmov s0;
	v5 =	vsub.s32 v5, v3;
	vm0 =	vmand vm0, vm1  }
0x1c6: {  	v7 =	vor.u32 s0, v1;
	s0 =	smov.u32 s7;
	v6 =	vshll.u32 v6, $0x3;
	v5 =	vnsel vm0, $0x0, v5  }
0x1c7: {  	v7 =	vand.u32 $0x7F, v7;
	v6 =	vand.u32 $0x1C00, v6;
	v8 =	vshll.u32 v5, $0xA  }
0x1c8: {  	v6 =	vor.u32 v6, v7;
	v5 =	vshll.u32 v5, $0x7;
	v8 =	vand.u32 $0xFFFFE000, v8  }
0x1c9: {  	v5 =	vand.u32 $0x380, v5;
	v6 =	vor.u32 v8, v6  }
0x1ca: {  	v5 =	vor.u32 v5, v6;
	_ =	sdelay $0x1  }
.Ltmp39:
0x1cb: {  	(pc) =	sbr.rel @p0 .LBB2_47-.Ltmp39, $3  }
0x1cc: {  	_ =	sdelay $0x1  }
0x1cd: {  	s1 =	sadd.s32 $0x10, s1;
	[tilespmem:v5+s20+$0x0] =	vst.idx.msk vm0, v2  }
0x1ce: {  	s7 =	sadd.s32 $0x10, s7;
	v5 =	vld [tilespmem:s1+$0x0]  }
0x1cf: {  	_ =	sdelay $0x3  }
0x1d0: {  	vm0 =	vge.s32 v5, v3;
	vm1 =	vlt.s32 v5, v4  }
0x1d1: {  	v62 =	vmov s0;
	v3 =	vsub.s32 v5, v3;
	vm0 =	vmand vm0, vm1  }
0x1d2: {  	v63 =	vor.u32 s0, v1;
	v4 =	vshll.u32 v62, $0x3;
	v3 =	vnsel vm0, $0x0, v3  }
0x1d3: {  	v5 =	vand.u32 $0x7F, v63;
	v4 =	vand.u32 $0x1C00, v4;
	v6 =	vshll.u32 v3, $0xA  }
0x1d4: {  	s31 =	ssub.s32 s29, s30;
	v4 =	vor.u32 v4, v5;
	v3 =	vshll.u32 v3, $0x7;
	v6 =	vand.u32 $0xFFFFE000, v6  }
0x1d5: {  	s0 =	sadd.s32 $0x3E8, s31;
	v3 =	vand.u32 $0x380, v3;
	v4 =	vor.u32 v6, v4  }
0x1d6: {  	p0 =	sgt.u32 s0, $0x17;
	v3 =	vor.u32 v3, v4  }
.Ltmp40:
0x1d7: {  	_ = 	snop;
	(pc) =	sbr.rel @p0 .LBB2_52-.Ltmp40, $2  }
0x1d8: {  	_ =	sdelay $0x2  }
0x1d9: {  	[tilespmem:v3+s20+$0x0] =	vst.idx.msk vm0, v2  }
0x1da: {  	s0 =	sshll.u32 s0, $0xA;
	s1 =	sshll.u32 s29, $0x7  }
0x1db: {  	s0 =	sand.u32 $0x6000, s0;
	s1 =	sand.u32 $0x380, s1  }
0x1dc: {  	s1 =	sor.u32 s1, s0;
	s0 =	simm.s32 $0x0  }
0x1dd: {  	s1 =	sadd.s32 $0x7000, s1;
	s7 =	sand.u32 $0x1C00, s0  }
0x1de: {  	s22 =	sand.u32 $0x70, s0;
	s24 =	sadd.s32 s7, s1  }
0x1df: {  	s7 =	simm.s32 $0x10;
	s22 =	sadd.s32 s22, s24  }
.LBB2_50:
0x1e0: {  	p0 =	sne.s32 s7, $0x3F0  }
0x1e1: {  	[tilespmem:s22+$0x0] =	vst v2;
	s0 =	sadd.s32 $0x80, s0;
	s22 =	smov.u32 s7;
	s7 =	sadd.s32 $0x10, s7  }
.Ltmp41:
0x1e2: {  	(pc) =	sbr.rel @p0 .LBB2_50-.Ltmp41, $4  }
0x1e3: {  	_ = 	snop  }
0x1e4: {  	s24 =	sand.u32 $0x1C00, s0  }
0x1e5: {  	s22 =	sand.u32 $0x70, s22;
	s24 =	sadd.s32 s24, s1  }
0x1e6: {  	s22 =	sadd.s32 s22, s24  }
0x1e7: {  	[tilespmem:s22+$0x0] =	vst v2  }
.LBB2_52:
0x1e8: {  	s0 =	smul.u32 $0x17A000, s29  }
0x1e9: {  	s1 =	smul.u32 $0x6000, s28  }
.Ltmp42:
0x1ea: {  	_ = 	snop;
	(pc) =	sbr.rel .LBB2_86-.Ltmp42, $4  }
0x1eb: {  	s0 =	sadd.s32 s0, s1  }
0x1ec: {  	s0 =	sshrl.u32 s0, $0x3  }
0x1ed: {  	s0 =	sadd.s32 s3, s0  }
0x1ee: {  	[hbm4b:s0+s4] =	stream.linear.scatter [tilespmem:s20], [sflag:$0x2], $0x6000, $0x38;
	[tilespmem:$0x19000] =	vst v63  }
.LBB2_70:
.Ltmp43:
0x1ef: {  	(pc) =	sbr.rel @p0 .LBB2_78-.Ltmp43, $1  }
0x1f0: {  	_ =	sdelay $0x3  }
0x1f1: {  	s0 =	sadd.s32 $0xFFFFFFFC, s31  }
0x1f2: {  	s1 =	smulhi.u32 $0x82082083, s0;
	s7 =	sshra.s32 s0, $0x1F  }
0x1f3: {  	s22 =	ssub.s32 $0x4, s31;
	s7 =	smul.u32 $0x82082083, s7  }
0x1f4: {  	s1 =	sadd.s32 s22, s1  }
0x1f5: {  	s1 =	sadd.s32 s7, s1  }
0x1f6: {  	s1 =	sadd.s32 s0, s1  }
0x1f7: {  	s24 =	sshrl.u32 s1, $0x1F;
	s1 =	sshra.s32 s1, $0x5  }
0x1f8: {  	s1 =	sadd.s32 s24, s1  }
0x1f9: {  	s7 =	smul.u32 $0xFFFFFFC1, s1;
	_ =	sdelay $0x1  }
0x1fa: {  	p0 =	slt.u32 s31, $0x5;
	p1 =	sne.s32 s7, s22  }
0x1fb: {  	p0 =	por !p0, !p1  }
0x1fc: {  	s7 =	simm.s32 $0x1;
	p0 =	por !p0, !p0  }
0x1fd: {  	s7 =	simm.s32 @!p0 $0x0  }
0x1fe: {  	s31 =	ssub.s32 s1, s7  }
0x1ff: {  	s1 =	smul.u32 $0xFFFFFFC1, s31;
	_ =	sdelay $0x1  }
0x200: {  	s0 =	sadd.s32 s0, s1  }
0x201: {  	_ =	swait.ge [sflag:s15], $0x6000;
	s0 =	smul.u32 $0x18, s0  }
0x202: {  	[sflag:s15] =	ssyncset.done $0x0  }
0x203: {  	[sflag:s15] =	ssyncadd.s32 $0xFFFFA000;
	s7 =	simm.s32 $0xC00;
	s24 =	sadd.s32 $0x18, s0  }
0x204: {  	s22 =	simm.s32 $0x10;
	v5 =	vld [tilespmem:s7+$0x0];
	s1 =	simm.s32 $0x0;
	v3 =	vmov s0;
	v4 =	vmov s24  }
.LBB2_72:
0x205: {  	p0 =	sne.s32 s22, $0x3F0;
	_ =	sdelay $0x3  }
0x206: {  	vm0 =	vge.s32 v5, v3;
	vm1 =	vlt.s32 v5, v4  }
0x207: {  	v6 =	vmov s1;
	v5 =	vsub.s32 v5, v3;
	vm0 =	vmand vm0, vm1  }
0x208: {  	v7 =	vor.u32 s1, v1;
	s1 =	smov.u32 s22;
	v6 =	vshll.u32 v6, $0x3;
	v5 =	vnsel vm0, $0x0, v5  }
0x209: {  	v7 =	vand.u32 $0x7F, v7;
	v6 =	vand.u32 $0x1C00, v6;
	v8 =	vshll.u32 v5, $0xA  }
0x20a: {  	v6 =	vor.u32 v6, v7;
	v5 =	vshll.u32 v5, $0x7;
	v8 =	vand.u32 $0xFFFFE000, v8  }
0x20b: {  	v5 =	vand.u32 $0x380, v5;
	v6 =	vor.u32 v8, v6  }
0x20c: {  	v5 =	vor.u32 v5, v6;
	_ =	sdelay $0x1  }
.Ltmp44:
0x20d: {  	(pc) =	sbr.rel @p0 .LBB2_72-.Ltmp44, $3  }
0x20e: {  	_ =	sdelay $0x1  }
0x20f: {  	s7 =	sadd.s32 $0x10, s7;
	[tilespmem:v5+s23+$0x0] =	vst.idx.msk vm0, v0  }
0x210: {  	s22 =	sadd.s32 $0x10, s22;
	v5 =	vld [tilespmem:s7+$0x0]  }
0x211: {  	_ =	sdelay $0x3  }
0x212: {  	vm0 =	vge.s32 v5, v3;
	vm1 =	vlt.s32 v5, v4  }
0x213: {  	v62 =	vmov s1;
	v3 =	vsub.s32 v5, v3;
	vm0 =	vmand vm0, vm1  }
0x214: {  	v63 =	vor.u32 s1, v1;
	v4 =	vshll.u32 v62, $0x3;
	v3 =	vnsel vm0, $0x0, v3  }
0x215: {  	v5 =	vand.u32 $0x7F, v63;
	v4 =	vand.u32 $0x1C00, v4;
	v6 =	vshll.u32 v3, $0xA  }
0x216: {  	s0 =	ssub.s32 s31, s0;
	v4 =	vor.u32 v4, v5;
	v3 =	vshll.u32 v3, $0x7;
	v6 =	vand.u32 $0xFFFFE000, v6  }
0x217: {  	s0 =	sadd.s32 $0x3E8, s0;
	v3 =	vand.u32 $0x380, v3;
	v4 =	vor.u32 v6, v4  }
0x218: {  	p0 =	sgt.u32 s0, $0x17;
	v3 =	vor.u32 v3, v4  }
.Ltmp45:
0x219: {  	_ = 	snop;
	(pc) =	sbr.rel @p0 .LBB2_77-.Ltmp45, $2  }
0x21a: {  	_ =	sdelay $0x2  }
0x21b: {  	[tilespmem:v3+s23+$0x0] =	vst.idx.msk vm0, v0  }
0x21c: {  	s0 =	sshll.u32 s0, $0xA;
	s1 =	sshll.u32 s31, $0x7  }
0x21d: {  	s0 =	sand.u32 $0x6000, s0;
	s1 =	sand.u32 $0x380, s1  }
0x21e: {  	s1 =	sor.u32 s1, s0;
	s0 =	simm.s32 $0x0  }
0x21f: {  	s1 =	sadd.s32 $0x13000, s1;
	s7 =	sand.u32 $0x1C00, s0  }
0x220: {  	s22 =	sand.u32 $0x70, s0;
	s24 =	sadd.s32 s7, s1  }
0x221: {  	s7 =	simm.s32 $0x10;
	s22 =	sadd.s32 s22, s24  }
.LBB2_75:
0x222: {  	p0 =	sne.s32 s7, $0x3F0  }
0x223: {  	[tilespmem:s22+$0x0] =	vst v0;
	s0 =	sadd.s32 $0x80, s0;
	s22 =	smov.u32 s7;
	s7 =	sadd.s32 $0x10, s7  }
.Ltmp46:
0x224: {  	(pc) =	sbr.rel @p0 .LBB2_75-.Ltmp46, $4  }
0x225: {  	_ = 	snop  }
0x226: {  	s24 =	sand.u32 $0x1C00, s0  }
0x227: {  	s22 =	sand.u32 $0x70, s22;
	s24 =	sadd.s32 s24, s1  }
0x228: {  	s22 =	sadd.s32 s22, s24  }
0x229: {  	[tilespmem:s22+$0x0] =	vst v0  }
.LBB2_77:
0x22a: {  	p0 =	seq.s32 s31, s29  }
.Ltmp47:
0x22b: {  	_ = 	snop;
	(pc) =	sbr.rel @p0 .LBB2_79-.Ltmp47, $1  }
0x22c: {  	_ =	sdelay $0x3  }
.LBB2_78:
0x22d: {  	s0 =	sshll.u32 s29, $0xA;
	s1 =	sshll.u32 s29, $0x7  }
0x22e: {  	s0 =	sand.u32 $0x7FFFE000, s0;
	s1 =	sand.u32 $0x380, s1  }
0x22f: {  	s0 =	sor.u32 s1, s0  }
0x230: {  	s0 =	sshrl.u32 s0, $0x3  }
0x231: {  	s31 =	simm.s32 $0xC00;
	s0 =	sadd.s32 s2, s0  }
0x232: {  	[tilespmem:s31], [sflag:$0x5] =	stream.strided.gather [hbm4b:s0+s17], $0x400, s18, s17, $0x38;
	[tilespmem:$0x19000] =	vst v63  }
0x233: {  	_ =	swait.ge [sflag:s19], $0x400  }
0x234: {  	[sflag:s19] =	ssyncset.done $0x0  }
0x235: {  	[sflag:s19] =	ssyncadd.s32 $0xFFFFFC00  }
.LBB2_79:
0x236: {  	s0 =	sadd.s32 $0x18, s30;
	s1 =	simm.s32 $0xC00  }
0x237: {  	v3 =	vmov s30;
	s7 =	simm.s32 $0x10;
	v4 =	vmov s0;
	s0 =	simm.s32 $0x0;
	v5 =	vld [tilespmem:s1+$0x0]  }
.LBB2_80:
0x238: {  	p0 =	sne.s32 s7, $0x3F0;
	_ =	sdelay $0x3  }
0x239: {  	vm0 =	vge.s32 v5, v3;
	vm1 =	vlt.s32 v5, v4  }
0x23a: {  	v6 =	vmov s0;
	v5 =	vsub.s32 v5, v3;
	vm0 =	vmand vm0, vm1  }
0x23b: {  	v7 =	vor.u32 s0, v1;
	s0 =	smov.u32 s7;
	v6 =	vshll.u32 v6, $0x3;
	v5 =	vnsel vm0, $0x0, v5  }
0x23c: {  	v7 =	vand.u32 $0x7F, v7;
	v6 =	vand.u32 $0x1C00, v6;
	v8 =	vshll.u32 v5, $0xA  }
0x23d: {  	v6 =	vor.u32 v6, v7;
	v5 =	vshll.u32 v5, $0x7;
	v8 =	vand.u32 $0xFFFFE000, v8  }
0x23e: {  	v5 =	vand.u32 $0x380, v5;
	v6 =	vor.u32 v8, v6  }
0x23f: {  	v5 =	vor.u32 v5, v6;
	_ =	sdelay $0x1  }
.Ltmp48:
0x240: {  	(pc) =	sbr.rel @p0 .LBB2_80-.Ltmp48, $3  }
0x241: {  	_ =	sdelay $0x1  }
0x242: {  	s1 =	sadd.s32 $0x10, s1;
	[tilespmem:v5+s23+$0x0] =	vst.idx.msk vm0, v2  }
0x243: {  	s7 =	sadd.s32 $0x10, s7;
	v5 =	vld [tilespmem:s1+$0x0]  }
0x244: {  	_ =	sdelay $0x3  }
0x245: {  	vm0 =	vge.s32 v5, v3;
	vm1 =	vlt.s32 v5, v4  }
0x246: {  	v62 =	vmov s0;
	v3 =	vsub.s32 v5, v3;
	vm0 =	vmand vm0, vm1  }
0x247: {  	v63 =	vor.u32 s0, v1;
	v4 =	vshll.u32 v62, $0x3;
	v3 =	vnsel vm0, $0x0, v3  }
0x248: {  	v5 =	vand.u32 $0x7F, v63;
	v4 =	vand.u32 $0x1C00, v4;
	v6 =	vshll.u32 v3, $0xA  }
0x249: {  	s31 =	ssub.s32 s29, s30;
	v4 =	vor.u32 v4, v5;
	v3 =	vshll.u32 v3, $0x7;
	v6 =	vand.u32 $0xFFFFE000, v6  }
0x24a: {  	s0 =	sadd.s32 $0x3E8, s31;
	v3 =	vand.u32 $0x380, v3;
	v4 =	vor.u32 v6, v4  }
0x24b: {  	p0 =	sgt.u32 s0, $0x17;
	v3 =	vor.u32 v3, v4  }
.Ltmp49:
0x24c: {  	_ = 	snop;
	(pc) =	sbr.rel @p0 .LBB2_85-.Ltmp49, $2  }
0x24d: {  	_ =	sdelay $0x2  }
0x24e: {  	[tilespmem:v3+s23+$0x0] =	vst.idx.msk vm0, v2  }
0x24f: {  	s0 =	sshll.u32 s0, $0xA;
	s1 =	sshll.u32 s29, $0x7  }
0x250: {  	s0 =	sand.u32 $0x6000, s0;
	s1 =	sand.u32 $0x380, s1  }
0x251: {  	s1 =	sor.u32 s1, s0;
	s0 =	simm.s32 $0x0  }
0x252: {  	s1 =	sadd.s32 $0x13000, s1;
	s7 =	sand.u32 $0x1C00, s0  }
0x253: {  	s22 =	sand.u32 $0x70, s0;
	s24 =	sadd.s32 s7, s1  }
0x254: {  	s7 =	simm.s32 $0x10;
	s22 =	sadd.s32 s22, s24  }
.LBB2_83:
0x255: {  	p0 =	sne.s32 s7, $0x3F0  }
0x256: {  	[tilespmem:s22+$0x0] =	vst v2;
	s0 =	sadd.s32 $0x80, s0;
	s22 =	smov.u32 s7;
	s7 =	sadd.s32 $0x10, s7  }
.Ltmp50:
0x257: {  	(pc) =	sbr.rel @p0 .LBB2_83-.Ltmp50, $4  }
0x258: {  	_ = 	snop  }
0x259: {  	s24 =	sand.u32 $0x1C00, s0  }
0x25a: {  	s22 =	sand.u32 $0x70, s22;
	s24 =	sadd.s32 s24, s1  }
0x25b: {  	s22 =	sadd.s32 s22, s24  }
.Ltmp51:
0x25c: {  	(pc) =	sbr.rel .LBB2_85-.Ltmp51, $2  }
0x25d: {  	_ =	sdelay $0x2  }
0x25e: {  	[tilespmem:s22+$0x0] =	vst v2  }
.LBB2_88:
0x25f: {  	_ =	sfence.sel $0x180000  }
0x260: {  	[bflag:$0x0] =	sbarrier.arrive $0xFFFF  }
0x261: {  	_ =	strace $0x90000047  }
0x262: {  	s0 =	stileid.u32;
	[bflag:$0x2] =	sbarrier.arrive $0xFFFF  }
0x263: {  	p0 =	sne.s32 s0, $0x0;
	s0 =	rddreg [dreg:$0x2]  }
0x264: {  	s0 =	sadd.s32 @!p0 $0x100000, s0  }
0x265: {  	[sflag:s0] =	ssyncadd.tile.s32 @!p0 $0x1;
	_ =	shalt  }
.Lfunc_end2:
_tile_overlayer_lowered:
.L_overlay_start_2:
0x266: {  	(tag) =	ssettag $0x2  }
0x267: {  	s0 =	rddreg [dreg:$0x0];
	s2 =	stileid.u32  }
0x268: {  	s1 =	rddreg [dreg:$0x1];
	p0 =	sne.s32 s2, $0x0  }
0x269: {  	s3 =	rddreg [dreg:$0x2];
	[bflag:$0x3] =	sbarrier.arrive $0xFFFF;
	s2 =	simm.s32 @!p0 $0x1C05  }
0x26a: {  	[timem:s3], [sflag:s2] =	dma.local @!p0 [hbm:s0], s1  }
0x26b: {  	s0 =	simm.s32 @!p0 $0x5  }
0x26c: {  	_ =	swait.ge @!p0 [sflag:s0], s1  }
0x26d: {  	s1 =	ssub.s32 @!p0 $0x0, s1;
	[sflag:s0] =	ssyncset.done @!p0 $0x0  }
0x26e: {  	[sflag:s0] =	ssyncadd.s32 @!p0 s1  }
0x26f: {  	[bflag:$0x3] =	sbarrier.arrive $0xFFFF  }
0x270: {  	_ =	shalt  }

</sc_bundles>
